<compile_context>
chip_gen: v7x
topology: tpu7x:2x2x1
jax: 0.10.2.dev20260603
libtpu: 0.0.44.dev20260713+nightly
codegen_flags: <defaults>
</compile_context>

<pallas_src>
import functools

import jax
import jax.numpy as jnp
from jax import lax
from jax.experimental import pallas as pl
from jax.experimental.pallas import tpu as pltpu
from jax.experimental.pallas import tpu_sc as plsc

N = 10000
D = 128
E = 320000
NC = 2
NS = 16
NW = NC * NS
B = 128
NBUF = 2
TILE_ROWS = 632
N_PAD = NS * TILE_ROWS
CHUNKS = 160
SEG = 4
SEGC = 16
EDGES_PAD = NW * CHUNKS * B
BN = 1000
GRID_N = N // BN


def _prop_body(h_ref, w_ref, out_ref):
    out_ref[...] = lax.dot_general(
        h_ref[...], w_ref[...], (((1,), (1,)), ((), ())),
        preferred_element_type=jnp.float32)


_prop_call = pl.pallas_call(
    _prop_body,
    grid=(2, GRID_N),
    in_specs=[
        pl.BlockSpec((BN, D), lambda t, i: (i, 0)),
        pl.BlockSpec((D, D), lambda t, i: (t, 0)),
    ],
    out_specs=pl.BlockSpec((BN, D), lambda t, i: (t * GRID_N + i, 0)),
    out_shape=jax.ShapeDtypeStruct((2 * N, D), jnp.float32),
)


def _sc_mesh():
    return plsc.VectorSubcoreMesh(
        core_axis_name="c", subcore_axis_name="s",
        num_cores=NC, num_subcores=NS)


@functools.cache
def _make_sc_msg():
    return functools.partial(
        pl.kernel,
        out_type=jax.ShapeDtypeStruct((NC, N_PAD, D), jnp.float32),
        mesh=_sc_mesh(),
        scratch_types=[
            pltpu.VMEM((SEG, B), jnp.int32),
            pltpu.VMEM((SEG, B), jnp.int32),
            pltpu.VMEM((SEG, B), jnp.int32),
            pltpu.VMEM((SEG, B), jnp.int32),
            pltpu.VMEM((NBUF, B, D), jnp.float32),
            pltpu.VMEM_SHARED((N_PAD, D), jnp.float32),
            pltpu.SemaphoreType.DMA,
            pltpu.SemaphoreType.DMA,
            pltpu.SemaphoreType.DMA,
            pltpu.SemaphoreType.DMA,
            pltpu.SemaphoreType.DMA,
            pltpu.SemaphoreType.DMA,
        ],
    )(_sc_msg_body)


PAIRS = CHUNKS // (2 * SEG)


def _sc_msg_body(table, gidx, sidx, zmsg, msg_out,
                 gv0, sv0, gv1, sv1, rows, accm,
                 gsem0, gsem1, ssem0, ssem1, isem0, isem1):
    c = lax.axis_index("c")
    s = lax.axis_index("s")
    w = s * NC + c
    base = s * TILE_ROWS
    gsem = (gsem0, gsem1)
    ssem = (ssem0, ssem1)
    ig0 = pltpu.async_copy(gidx.at[w, pl.ds(0, SEG)], gv0, isem0)
    is0 = pltpu.async_copy(sidx.at[w, pl.ds(0, SEG)], sv0, isem0)
    ig1 = pltpu.async_copy(gidx.at[w, pl.ds(SEG, SEG)], gv1, isem1)
    is1 = pltpu.async_copy(sidx.at[w, pl.ds(SEG, SEG)], sv1, isem1)
    pltpu.sync_copy(zmsg.at[pl.ds(base, TILE_ROWS)],
                    accm.at[pl.ds(base, TILE_ROWS)])
    plsc.subcore_barrier()
    ig0.wait()
    is0.wait()
    ig1.wait()
    is1.wait()
    pltpu.async_copy(table.at[gv0.at[0]], rows.at[0], gsem0)
    pltpu.async_copy(table.at[gv0.at[1]], rows.at[1], gsem1)

    def pair(t, carry):
        for k in range(2 * SEG):
            b = k % 2
            gvk, svk = (gv0, sv0) if k < SEG else (gv1, sv1)
            r = k % SEG
            pltpu.make_async_copy(table.at[gvk.at[r]], rows.at[b],
                                  gsem[b]).wait()
            sc = pltpu.async_copy(rows.at[b], accm.at[svk.at[r]], ssem[b],
                                  add=True)
            sc.wait()
            if k == SEG - 1:
                @pl.when(t < PAIRS - 1)
                def _():
                    pltpu.async_copy(
                        gidx.at[w, pl.ds((2 * t + 2) * SEG, SEG)], gv0,
                        isem0)
                    pltpu.async_copy(
                        sidx.at[w, pl.ds((2 * t + 2) * SEG, SEG)], sv0,
                        isem0)
            if k == 2 * SEG - 1:
                @pl.when(t < PAIRS - 1)
                def _():
                    pltpu.async_copy(
                        gidx.at[w, pl.ds((2 * t + 3) * SEG, SEG)], gv1,
                        isem1)
                    pltpu.async_copy(
                        sidx.at[w, pl.ds((2 * t + 3) * SEG, SEG)], sv1,
                        isem1)
            nk = k + 2
            if nk < SEG:
                pltpu.async_copy(table.at[gv0.at[nk]], rows.at[b], gsem[b])
            elif nk == SEG:
                @pl.when(t > 0)
                def _():
                    pltpu.make_async_copy(
                        gidx.at[w, pl.ds((2 * t + 1) * SEG, SEG)], gv1,
                        isem1).wait()
                    pltpu.make_async_copy(
                        sidx.at[w, pl.ds((2 * t + 1) * SEG, SEG)], sv1,
                        isem1).wait()
                pltpu.async_copy(table.at[gv1.at[0]], rows.at[b], gsem[b])
            elif nk < 2 * SEG:
                pltpu.async_copy(table.at[gv1.at[nk - SEG]], rows.at[b],
                                 gsem[b])
            else:
                @pl.when(t < PAIRS - 1)
                def _():
                    if nk == 2 * SEG:
                        pltpu.make_async_copy(
                            gidx.at[w, pl.ds((2 * t + 2) * SEG, SEG)], gv0,
                            isem0).wait()
                        pltpu.make_async_copy(
                            sidx.at[w, pl.ds((2 * t + 2) * SEG, SEG)], sv0,
                            isem0).wait()
                    pltpu.async_copy(table.at[gv0.at[nk - 2 * SEG]],
                                     rows.at[b], gsem[b])
        return carry

    lax.fori_loop(0, PAIRS, pair, 0)
    plsc.subcore_barrier()
    pltpu.sync_copy(accm.at[pl.ds(base, TILE_ROWS)],
                    msg_out.at[c, pl.ds(base, TILE_ROWS)])


CNT_WORDS = 16384
CNT_TILE = CNT_WORDS // NS


@functools.cache
def _make_sc_cnt():
    return functools.partial(
        pl.kernel,
        out_type=jax.ShapeDtypeStruct((NC * CNT_WORDS,), jnp.float32),
        mesh=_sc_mesh(),
        scratch_types=[
            pltpu.VMEM((SEGC, B), jnp.int32),
            pltpu.VMEM((B,), jnp.float32),
            pltpu.VMEM_SHARED((CNT_WORDS,), jnp.float32),
            pltpu.SemaphoreType.DMA,
        ],
    )(_sc_cnt_body)


def _sc_cnt_body(sidx, zcnt, cnt_out, sv, ones_v, accc, sem):
    c = lax.axis_index("c")
    s = lax.axis_index("s")
    w = s * NC + c
    base = s * CNT_TILE
    one = jnp.full((16,), 1.0, jnp.float32)
    for k in range(B // 16):
        ones_v[pl.ds(k * 16, 16)] = one
    pltpu.sync_copy(zcnt.at[pl.ds(base, CNT_TILE)],
                    accc.at[pl.ds(base, CNT_TILE)])
    plsc.subcore_barrier()

    def stage(t, carry):
        pltpu.sync_copy(sidx.at[w, pl.ds(t * SEGC, SEGC)], sv)
        descs = []
        for j in range(SEGC):
            descs.append(
                pltpu.async_copy(ones_v, accc.at[sv.at[j]], sem, add=True))
        for dsc in descs:
            dsc.wait()
        return carry

    lax.fori_loop(0, CHUNKS // SEGC, stage, 0)
    plsc.subcore_barrier()
    pltpu.sync_copy(accc.at[pl.ds(base, CNT_TILE)],
                    cnt_out.at[pl.ds(c * CNT_WORDS + base, CNT_TILE)])


def _gru_body(p_ref, c0_ref, c1_ref, h_ref, wih_ref, whh_ref, bih_ref,
              bhh_ref, out_ref):
    cnt = c0_ref[...] + c1_ref[...]
    inv = jnp.where(cnt == 0.0, 1.0, 1.0 / cnt)
    m = (p_ref[0] + p_ref[1]) * inv
    h = h_ref[...]
    gi = lax.dot_general(m, wih_ref[...], (((1,), (1,)), ((), ())),
                         preferred_element_type=jnp.float32) + bih_ref[...]
    gh = lax.dot_general(h, whh_ref[...], (((1,), (1,)), ((), ())),
                         preferred_element_type=jnp.float32) + bhh_ref[...]
    i_r, i_z, i_n = gi[:, :D], gi[:, D:2 * D], gi[:, 2 * D:]
    h_r, h_z, h_n = gh[:, :D], gh[:, D:2 * D], gh[:, 2 * D:]
    r = jax.nn.sigmoid(i_r + h_r)
    z = jax.nn.sigmoid(i_z + h_z)
    nn = jnp.tanh(i_n + r * h_n)
    out_ref[...] = (1.0 - z) * nn + z * h


_gru_call = pl.pallas_call(
    _gru_body,
    grid=(GRID_N,),
    in_specs=[
        pl.BlockSpec((NC, BN, D), lambda i: (0, i, 0)),
        pl.BlockSpec((BN, 1), lambda i: (i, 0)),
        pl.BlockSpec((BN, 1), lambda i: (i, 0)),
        pl.BlockSpec((BN, D), lambda i: (i, 0)),
        pl.BlockSpec((3 * D, D), lambda i: (0, 0)),
        pl.BlockSpec((3 * D, D), lambda i: (0, 0)),
        pl.BlockSpec((1, 3 * D), lambda i: (0, 0)),
        pl.BlockSpec((1, 3 * D), lambda i: (0, 0)),
    ],
    out_specs=pl.BlockSpec((BN, D), lambda i: (i, 0)),
    out_shape=jax.ShapeDtypeStruct((N, D), jnp.float32),
)




def _gru_prop_body(p_ref, c0_ref, c1_ref, h_ref, wih_ref, whh_ref, bih_ref,
                   bhh_ref, wmsg_ref, outh_ref, outt_ref):
    cnt = c0_ref[...] + c1_ref[...]
    inv = jnp.where(cnt == 0.0, 1.0, 1.0 / cnt)
    m = (p_ref[0] + p_ref[1]) * inv
    h = h_ref[...]
    gi = lax.dot_general(m, wih_ref[...], (((1,), (1,)), ((), ())),
                         preferred_element_type=jnp.float32) + bih_ref[...]
    gh = lax.dot_general(h, whh_ref[...], (((1,), (1,)), ((), ())),
                         preferred_element_type=jnp.float32) + bhh_ref[...]
    i_r, i_z, i_n = gi[:, :D], gi[:, D:2 * D], gi[:, 2 * D:]
    h_r, h_z, h_n = gh[:, :D], gh[:, D:2 * D], gh[:, 2 * D:]
    r = jax.nn.sigmoid(i_r + h_r)
    z = jax.nn.sigmoid(i_z + h_z)
    nn = jnp.tanh(i_n + r * h_n)
    hn = (1.0 - z) * nn + z * h
    outh_ref[...] = hn
    outt_ref[0] = lax.dot_general(
        hn, wmsg_ref[pl.ds(0, D), :], (((1,), (1,)), ((), ())),
        preferred_element_type=jnp.float32)
    outt_ref[1] = lax.dot_general(
        hn, wmsg_ref[pl.ds(D, D), :], (((1,), (1,)), ((), ())),
        preferred_element_type=jnp.float32)


_gru_prop_call = pl.pallas_call(
    _gru_prop_body,
    grid=(GRID_N,),
    in_specs=[
        pl.BlockSpec((NC, BN, D), lambda i: (0, i, 0)),
        pl.BlockSpec((BN, 1), lambda i: (i, 0)),
        pl.BlockSpec((BN, 1), lambda i: (i, 0)),
        pl.BlockSpec((BN, D), lambda i: (i, 0)),
        pl.BlockSpec((3 * D, D), lambda i: (0, 0)),
        pl.BlockSpec((3 * D, D), lambda i: (0, 0)),
        pl.BlockSpec((1, 3 * D), lambda i: (0, 0)),
        pl.BlockSpec((1, 3 * D), lambda i: (0, 0)),
        pl.BlockSpec((2 * D, D), lambda i: (0, 0)),
    ],
    out_specs=[
        pl.BlockSpec((BN, D), lambda i: (i, 0)),
        pl.BlockSpec((2, BN, D), lambda i: (0, i, 0)),
    ],
    out_shape=[
        jax.ShapeDtypeStruct((N, D), jnp.float32),
        jax.ShapeDtypeStruct((2, N, D), jnp.float32),
    ],
)


def kernel(node_states, edge_list, W_msg, W_ih, W_hh, b_ih, b_hh):
    src = edge_list[:, 0]
    dst = edge_list[:, 1]
    pad = EDGES_PAD - 2 * E
    ar = jnp.arange(pad, dtype=jnp.int32)
    pad_g = ar % (2 * N)
    pad_s = N + (ar % (N_PAD - N))
    gidx = jnp.concatenate([src, dst + N, pad_g]).reshape(NW, CHUNKS, B)
    sidx = jnp.concatenate([dst, src, pad_s]).reshape(NW, CHUNKS, B)
    zmsg = jnp.zeros((N_PAD, D), jnp.float32)
    zcnt = jnp.zeros((NC * CNT_WORDS,), jnp.float32)
    bih = b_ih.reshape(1, 3 * D)
    bhh = b_hh.reshape(1, 3 * D)

    cntflat = _make_sc_cnt()(sidx, zcnt)
    c0 = cntflat[0:N].reshape(N, 1)
    c1 = cntflat[CNT_WORDS:CNT_WORDS + N].reshape(N, 1)
    h = node_states
    table = _prop_call(h, W_msg)
    msg = _make_sc_msg()(table, gidx, sidx, zmsg)
    h, table3 = _gru_prop_call(msg, c0, c1, h, W_ih, W_hh, bih, bhh, W_msg)
    msg = _make_sc_msg()(table3.reshape(2 * N, D), gidx, sidx, zmsg)
    h = _gru_call(msg, c0, c1, h, W_ih, W_hh, bih, bhh)
    return h

# --- scband reference (transcript-rebuilt; emitter-appended) ---
"""Pipeline reference for scband-ggnnmodel-13443247636582 (READ-ONLY COPY).

The authoritative reference and input builder live on the scoring server;
editing this copy changes nothing except your own understanding.
"""

import jax
import jax.numpy as jnp
import numpy as np

N = 10000
E = 320000
D = 128
T = 2  # edge_type_count=1 with backward_edges -> 2 effective edge types
TIMESTEPS = 2  # layer_timesteps=[2]


def setup_inputs(seed: int = 0) -> dict:
    key = jax.random.key(seed)
    k1, k2, k3, k4, k5, k6, k7 = jax.random.split(key, 7)
    node_states = jax.random.normal(k1, (N, D), dtype=jnp.float32)
    edge_list = jax.random.randint(k2, (E, 2), 0, N, dtype=jnp.int32)
    # MessagingLayer transform: LinearNet(D, D*T), xavier-uniform, no bias (use_edge_bias=False)
    lim_msg = float(np.sqrt(6.0 / (D + T * D)))
    W_msg = jax.random.uniform(k3, (T * D, D), jnp.float32, -lim_msg, lim_msg)
    # GRUCell params (torch default init: U(-1/sqrt(hidden), 1/sqrt(hidden)))
    s = float(1.0 / np.sqrt(D))
    W_ih = jax.random.uniform(k4, (3 * D, D), jnp.float32, -s, s)
    W_hh = jax.random.uniform(k5, (3 * D, D), jnp.float32, -s, s)
    b_ih = jax.random.uniform(k6, (3 * D,), jnp.float32, -s, s)
    b_hh = jax.random.uniform(k7, (3 * D,), jnp.float32, -s, s)
    return {
        "node_states": node_states,
        "edge_list": edge_list,
        "W_msg": W_msg,
        "W_ih": W_ih,
        "W_hh": W_hh,
        "b_ih": b_ih,
        "b_hh": b_hh,
    }


def reference(node_states, edge_list, W_msg, W_ih, W_hh, b_ih, b_hh):
    src = edge_list[:, 0]
    dst = edge_list[:, 1]
    h = node_states
    # degree counts are constant across timesteps (mean aggregation)
    cnt = jnp.bincount(dst, length=N) + jnp.bincount(src, length=N)
    divisor = jnp.where(cnt == 0, 1.0, cnt.astype(jnp.float32))
    for _ in range(TIMESTEPS):
        # MessagingLayer: propagate per edge-type, gather by source, scatter-add to targets
        prop = (h @ W_msg.T).reshape(N, T, D)
        messages = jnp.zeros_like(h)
        # edge type 0: forward edges (src -> dst)
        messages = messages.at[dst].add(jnp.take(prop[:, 0, :], src, axis=0))
        # edge type 1: backward edges (flipped: dst -> src)
        messages = messages.at[src].add(jnp.take(prop[:, 1, :], dst, axis=0))
        messages = messages / divisor[:, None]
        # GGNNLayer: GRUCell(messages, h); dropout disabled (p=0 / eval)
        gi = messages @ W_ih.T + b_ih
        gh = h @ W_hh.T + b_hh
        i_r, i_z, i_n = jnp.split(gi, 3, axis=1)
        h_r, h_z, h_n = jnp.split(gh, 3, axis=1)
        r = jax.nn.sigmoid(i_r + h_r)
        z = jax.nn.sigmoid(i_z + h_z)
        n = jnp.tanh(i_n + r * h_n)
        h = (1.0 - z) * n + z * h
    return h

if __name__ == "__main__":
    import jax
    _d = setup_inputs()
    print(jax.jit(kernel)(*tuple(_d.values())))

</pallas_src>

<mosaic_0001>
#map = affine_map<(d0, d1) -> (0, 0, 0)>
#map1 = affine_map<(d0, d1) -> (0)>
module attributes {stable_mosaic.version = 14 : i64} {
  func.func @_sc_cnt_body(%arg0: i32, %arg1: i32, %arg2: memref<32x160x128xi32, #tpu.memory_space<hbm>>, %arg3: memref<32768xf32, #tpu.memory_space<hbm>>, %arg4: memref<32768xf32, #tpu.memory_space<hbm>>, %arg5: memref<16x128xi32, #tpu.memory_space<vmem>>, %arg6: memref<128xf32, #tpu.memory_space<vmem>>, %arg7: memref<16384xf32, #tpu.memory_space<vmem_shared>>, %arg8: memref<!tpu.dma_semaphore, #tpu.memory_space<semaphore_mem>>) attributes {dimension_semantics = [#tpu.dimension_semantics<core_parallel>, #tpu.dimension_semantics<subcore_parallel>], iteration_bounds = array<i64: 2, 16>, scalar_prefetch = 0 : i64, scratch_operands = 4 : i64, tpu.core_type = #tpu.core_type<sc_vector_subcore>, window_params = [{transform_indices = #map}, {transform_indices = #map1}, {transform_indices = #map1}]} {
    %mul3A = arith.constant 2 : i32
    %mul3A_0 = arith.muli %arg1, %mul3A : i32
    %add3A = arith.addi %mul3A_0, %arg0 : i32
    %mul3A_1 = arith.constant 1024 : i32
    %mul3A_2 = arith.muli %arg1, %mul3A_1 : i32
    %broadcast_in_dim3A = arith.constant 1.000000e+00 : f32
    %broadcast_in_dim3A_3 = vector.broadcast %broadcast_in_dim3A : f32 to vector<16xf32>
    %swap3A = arith.constant 0 : index
    %swap3A_4 = tpu.vector_load %arg6[%swap3A] {strides = array<i32>} : memref<128xf32, #tpu.memory_space<vmem>>, vector<16xf32>,
    %swap3A_5 = vector.shape_cast %swap3A_4 : vector<16xf32> to vector<16xf32>
    %swap3A_6 = vector.shape_cast %broadcast_in_dim3A_3 : vector<16xf32> to vector<16xf32>
    tpu.vector_store %arg6[%swap3A], %swap3A_6 {strides = array<i32>} : memref<128xf32, #tpu.memory_space<vmem>>, vector<16xf32>,
    %swap3A_7 = arith.constant 16 : index
    %swap3A_8 = tpu.vector_load %arg6[%swap3A_7] {strides = array<i32>} : memref<128xf32, #tpu.memory_space<vmem>>, vector<16xf32>,
    %swap3A_9 = vector.shape_cast %swap3A_8 : vector<16xf32> to vector<16xf32>
    %swap3A_10 = vector.shape_cast %broadcast_in_dim3A_3 : vector<16xf32> to vector<16xf32>
    tpu.vector_store %arg6[%swap3A_7], %swap3A_10 {strides = array<i32>} : memref<128xf32, #tpu.memory_space<vmem>>, vector<16xf32>,
    %swap3A_11 = arith.constant 32 : index
    %swap3A_12 = tpu.vector_load %arg6[%swap3A_11] {strides = array<i32>} : memref<128xf32, #tpu.memory_space<vmem>>, vector<16xf32>,
    %swap3A_13 = vector.shape_cast %swap3A_12 : vector<16xf32> to vector<16xf32>
    %swap3A_14 = vector.shape_cast %broadcast_in_dim3A_3 : vector<16xf32> to vector<16xf32>
    tpu.vector_store %arg6[%swap3A_11], %swap3A_14 {strides = array<i32>} : memref<128xf32, #tpu.memory_space<vmem>>, vector<16xf32>,
    %swap3A_15 = arith.constant 48 : index
    %swap3A_16 = tpu.vector_load %arg6[%swap3A_15] {strides = array<i32>} : memref<128xf32, #tpu.memory_space<vmem>>, vector<16xf32>,
    %swap3A_17 = vector.shape_cast %swap3A_16 : vector<16xf32> to vector<16xf32>
    %swap3A_18 = vector.shape_cast %broadcast_in_dim3A_3 : vector<16xf32> to vector<16xf32>
    tpu.vector_store %arg6[%swap3A_15], %swap3A_18 {strides = array<i32>} : memref<128xf32, #tpu.memory_space<vmem>>, vector<16xf32>,
    %swap3A_19 = arith.constant 64 : index
    %swap3A_20 = tpu.vector_load %arg6[%swap3A_19] {strides = array<i32>} : memref<128xf32, #tpu.memory_space<vmem>>, vector<16xf32>,
    %swap3A_21 = vector.shape_cast %swap3A_20 : vector<16xf32> to vector<16xf32>
    %swap3A_22 = vector.shape_cast %broadcast_in_dim3A_3 : vector<16xf32> to vector<16xf32>
    tpu.vector_store %arg6[%swap3A_19], %swap3A_22 {strides = array<i32>} : memref<128xf32, #tpu.memory_space<vmem>>, vector<16xf32>,
    %swap3A_23 = arith.constant 80 : index
    %swap3A_24 = tpu.vector_load %arg6[%swap3A_23] {strides = array<i32>} : memref<128xf32, #tpu.memory_space<vmem>>, vector<16xf32>,
    %swap3A_25 = vector.shape_cast %swap3A_24 : vector<16xf32> to vector<16xf32>
    %swap3A_26 = vector.shape_cast %broadcast_in_dim3A_3 : vector<16xf32> to vector<16xf32>
    tpu.vector_store %arg6[%swap3A_23], %swap3A_26 {strides = array<i32>} : memref<128xf32, #tpu.memory_space<vmem>>, vector<16xf32>,
    %swap3A_27 = arith.constant 96 : index
    %swap3A_28 = tpu.vector_load %arg6[%swap3A_27] {strides = array<i32>} : memref<128xf32, #tpu.memory_space<vmem>>, vector<16xf32>,
    %swap3A_29 = vector.shape_cast %swap3A_28 : vector<16xf32> to vector<16xf32>
    %swap3A_30 = vector.shape_cast %broadcast_in_dim3A_3 : vector<16xf32> to vector<16xf32>
    tpu.vector_store %arg6[%swap3A_27], %swap3A_30 {strides = array<i32>} : memref<128xf32, #tpu.memory_space<vmem>>, vector<16xf32>,
    %swap3A_31 = arith.constant 112 : index
    %swap3A_32 = tpu.vector_load %arg6[%swap3A_31] {strides = array<i32>} : memref<128xf32, #tpu.memory_space<vmem>>, vector<16xf32>,
    %swap3A_33 = vector.shape_cast %swap3A_32 : vector<16xf32> to vector<16xf32>
    %swap3A_34 = vector.shape_cast %broadcast_in_dim3A_3 : vector<16xf32> to vector<16xf32>
    tpu.vector_store %arg6[%swap3A_31], %swap3A_34 {strides = array<i32>} : memref<128xf32, #tpu.memory_space<vmem>>, vector<16xf32>,
    "tpu.region"() ({
      %run_scoped3A = tpu.sem_alloc : memref<!tpu.dma_semaphore, #tpu.memory_space<semaphore_mem>>
      %dma_start3A = tpu.memref_slice %arg7[%mul3A_2] : memref<16384xf32, #tpu.memory_space<vmem_shared>> -> memref<1024xf32, #tpu.memory_space<vmem_shared>>
      %dma_start3A_44 = tpu.memref_slice %arg3[%mul3A_2] : memref<32768xf32, #tpu.memory_space<hbm>> -> memref<1024xf32, #tpu.memory_space<hbm>>
      tpu.enqueue_dma source(%dma_start3A_44 : memref<1024xf32, #tpu.memory_space<hbm>>) target(%dma_start3A : memref<1024xf32, #tpu.memory_space<vmem_shared>>) target_semaphore(%run_scoped3A : memref<!tpu.dma_semaphore, #tpu.memory_space<semaphore_mem>>)
      %dma_wait3A = tpu.memref_slice %arg7[%mul3A_2] : memref<16384xf32, #tpu.memory_space<vmem_shared>> -> memref<1024xf32, #tpu.memory_space<vmem_shared>>
      %dma_wait3A_45 = tpu.memref_slice %arg3[%mul3A_2] : memref<32768xf32, #tpu.memory_space<hbm>> -> memref<1024xf32, #tpu.memory_space<hbm>>
      tpu.wait_dma2 semaphore(%run_scoped3A : memref<!tpu.dma_semaphore, #tpu.memory_space<semaphore_mem>>) src(%dma_wait3A_45 : memref<1024xf32, #tpu.memory_space<hbm>>) dst(%dma_wait3A : memref<1024xf32, #tpu.memory_space<vmem_shared>>)
      tpu.yield
    }) : () -> ()
    %barrier3A = arith.constant 0 : index
    tpu.barrier barrier_id(%barrier3A)
    %scan3A = arith.constant 0 : i32
    %scan3A_35 = arith.constant 0 : i32
    %scan3A_36 = arith.constant 10 : i32
    %scan3A_37 = arith.addi %scan3A_35, %scan3A_36 : i32
    %scan3A_38 = arith.constant 1 : i32
    scf.for %scan3A_44 = %scan3A_35 to %scan3A_37 step %scan3A_38  : i32 {
      %mul3A_45 = arith.constant 16 : i32
      %mul3A_46 = arith.muli %scan3A_44, %mul3A_45 : i32
      "tpu.region"() ({
        %run_scoped3A = tpu.sem_alloc : memref<!tpu.dma_semaphore, #tpu.memory_space<semaphore_mem>>
        %dma_start3A_237 = arith.constant 0 : i32
        %dma_start3A_238 = tpu.memref_slice %arg2[%add3A, %mul3A_46, %dma_start3A_237] : memref<32x160x128xi32, #tpu.memory_space<hbm>> -> memref<1x16x128xi32, #tpu.memory_space<hbm>>
        %dma_start3A_239 = tpu.memref_squeeze %dma_start3A_238 : memref<1x16x128xi32, #tpu.memory_space<hbm>> -> memref<16x128xi32, #tpu.memory_space<hbm>>
        %dma_start3A_240 = arith.constant 0 : i32
        %dma_start3A_241 = tpu.memref_slice %arg2[%add3A, %mul3A_46, %dma_start3A_240] : memref<32x160x128xi32, #tpu.memory_space<hbm>> -> memref<1x16x128xi32, #tpu.memory_space<hbm>>
        %dma_start3A_242 = tpu.memref_squeeze %dma_start3A_241 : memref<1x16x128xi32, #tpu.memory_space<hbm>> -> memref<16x128xi32, #tpu.memory_space<hbm>>
        tpu.enqueue_dma source(%dma_start3A_242 : memref<16x128xi32, #tpu.memory_space<hbm>>) target(%arg5 : memref<16x128xi32, #tpu.memory_space<vmem>>) target_semaphore(%run_scoped3A : memref<!tpu.dma_semaphore, #tpu.memory_space<semaphore_mem>>)
        %dma_wait3A_243 = arith.constant 0 : i32
        %dma_wait3A_244 = tpu.memref_slice %arg2[%add3A, %mul3A_46, %dma_wait3A_243] : memref<32x160x128xi32, #tpu.memory_space<hbm>> -> memref<1x16x128xi32, #tpu.memory_space<hbm>>
        %dma_wait3A_245 = tpu.memref_squeeze %dma_wait3A_244 : memref<1x16x128xi32, #tpu.memory_space<hbm>> -> memref<16x128xi32, #tpu.memory_space<hbm>>
        %dma_wait3A_246 = arith.constant 0 : i32
        %dma_wait3A_247 = tpu.memref_slice %arg2[%add3A, %mul3A_46, %dma_wait3A_246] : memref<32x160x128xi32, #tpu.memory_space<hbm>> -> memref<1x16x128xi32, #tpu.memory_space<hbm>>
        %dma_wait3A_248 = tpu.memref_squeeze %dma_wait3A_247 : memref<1x16x128xi32, #tpu.memory_space<hbm>> -> memref<16x128xi32, #tpu.memory_space<hbm>>
        tpu.wait_dma2 semaphore(%run_scoped3A : memref<!tpu.dma_semaphore, #tpu.memory_space<semaphore_mem>>) src(%dma_wait3A_248 : memref<16x128xi32, #tpu.memory_space<hbm>>) dst(%arg5 : memref<16x128xi32, #tpu.memory_space<vmem>>)
        tpu.yield
      }) : () -> ()
      %dma_start3A = arith.constant 0 : i32
      %dma_start3A_47 = arith.constant 0 : i32
      %dma_start3A_48 = tpu.memref_slice %arg5[%dma_start3A, %dma_start3A_47] : memref<16x128xi32, #tpu.memory_space<vmem>> -> memref<1x128xi32, #tpu.memory_space<vmem>>
      %dma_start3A_49 = tpu.memref_squeeze %dma_start3A_48 : memref<1x128xi32, #tpu.memory_space<vmem>> -> memref<128xi32, #tpu.memory_space<vmem>>
      %dma_start3A_50 = arith.constant 0 : i32
      %dma_start3A_51 = tpu.memref_slice %arg7[%dma_start3A_50] : memref<16384xf32, #tpu.memory_space<vmem_shared>> -> memref<16384xf32, #tpu.memory_space<vmem_shared>>
      tpu.enqueue_indirect_dma source(%arg6 : memref<128xf32, #tpu.memory_space<vmem>>) target(%dma_start3A_51 : memref<16384xf32, #tpu.memory_space<vmem_shared>>) offsets(%dma_start3A_49 : memref<128xi32, #tpu.memory_space<vmem>>) semaphore(%arg8 : memref<!tpu.dma_semaphore, #tpu.memory_space<semaphore_mem>>) {add = true}
      %dma_start3A_52 = arith.constant 1 : i32
      %dma_start3A_53 = arith.constant 0 : i32
      %dma_start3A_54 = tpu.memref_slice %arg5[%dma_start3A_52, %dma_start3A_53] : memref<16x128xi32, #tpu.memory_space<vmem>> -> memref<1x128xi32, #tpu.memory_space<vmem>>
      %dma_start3A_55 = tpu.memref_squeeze %dma_start3A_54 : memref<1x128xi32, #tpu.memory_space<vmem>> -> memref<128xi32, #tpu.memory_space<vmem>>
      %dma_start3A_56 = arith.constant 0 : i32
      %dma_start3A_57 = tpu.memref_slice %arg7[%dma_start3A_56] : memref<16384xf32, #tpu.memory_space<vmem_shared>> -> memref<16384xf32, #tpu.memory_space<vmem_shared>>
      tpu.enqueue_indirect_dma source(%arg6 : memref<128xf32, #tpu.memory_space<vmem>>) target(%dma_start3A_57 : memref<16384xf32, #tpu.memory_space<vmem_shared>>) offsets(%dma_start3A_55 : memref<128xi32, #tpu.memory_space<vmem>>) semaphore(%arg8 : memref<!tpu.dma_semaphore, #tpu.memory_space<semaphore_mem>>) {add = true}
      %dma_start3A_58 = arith.constant 2 : i32
      %dma_start3A_59 = arith.constant 0 : i32
      %dma_start3A_60 = tpu.memref_slice %arg5[%dma_start3A_58, %dma_start3A_59] : memref<16x128xi32, #tpu.memory_space<vmem>> -> memref<1x128xi32, #tpu.memory_space<vmem>>
      %dma_start3A_61 = tpu.memref_squeeze %dma_start3A_60 : memref<1x128xi32, #tpu.memory_space<vmem>> -> memref<128xi32, #tpu.memory_space<vmem>>
      %dma_start3A_62 = arith.constant 0 : i32
      %dma_start3A_63 = tpu.memref_slice %arg7[%dma_start3A_62] : memref<16384xf32, #tpu.memory_space<vmem_shared>> -> memref<16384xf32, #tpu.memory_space<vmem_shared>>
      tpu.enqueue_indirect_dma source(%arg6 : memref<128xf32, #tpu.memory_space<vmem>>) target(%dma_start3A_63 : memref<16384xf32, #tpu.memory_space<vmem_shared>>) offsets(%dma_start3A_61 : memref<128xi32, #tpu.memory_space<vmem>>) semaphore(%arg8 : memref<!tpu.dma_semaphore, #tpu.memory_space<semaphore_mem>>) {add = true}
      %dma_start3A_64 = arith.constant 3 : i32
      %dma_start3A_65 = arith.constant 0 : i32
      %dma_start3A_66 = tpu.memref_slice %arg5[%dma_start3A_64, %dma_start3A_65] : memref<16x128xi32, #tpu.memory_space<vmem>> -> memref<1x128xi32, #tpu.memory_space<vmem>>
      %dma_start3A_67 = tpu.memref_squeeze %dma_start3A_66 : memref<1x128xi32, #tpu.memory_space<vmem>> -> memref<128xi32, #tpu.memory_space<vmem>>
      %dma_start3A_68 = arith.constant 0 : i32
      %dma_start3A_69 = tpu.memref_slice %arg7[%dma_start3A_68] : memref<16384xf32, #tpu.memory_space<vmem_shared>> -> memref<16384xf32, #tpu.memory_space<vmem_shared>>
      tpu.enqueue_indirect_dma source(%arg6 : memref<128xf32, #tpu.memory_space<vmem>>) target(%dma_start3A_69 : memref<16384xf32, #tpu.memory_space<vmem_shared>>) offsets(%dma_start3A_67 : memref<128xi32, #tpu.memory_space<vmem>>) semaphore(%arg8 : memref<!tpu.dma_semaphore, #tpu.memory_space<semaphore_mem>>) {add = true}
      %dma_start3A_70 = arith.constant 4 : i32
      %dma_start3A_71 = arith.constant 0 : i32
      %dma_start3A_72 = tpu.memref_slice %arg5[%dma_start3A_70, %dma_start3A_71] : memref<16x128xi32, #tpu.memory_space<vmem>> -> memref<1x128xi32, #tpu.memory_space<vmem>>
      %dma_start3A_73 = tpu.memref_squeeze %dma_start3A_72 : memref<1x128xi32, #tpu.memory_space<vmem>> -> memref<128xi32, #tpu.memory_space<vmem>>
      %dma_start3A_74 = arith.constant 0 : i32
      %dma_start3A_75 = tpu.memref_slice %arg7[%dma_start3A_74] : memref<16384xf32, #tpu.memory_space<vmem_shared>> -> memref<16384xf32, #tpu.memory_space<vmem_shared>>
      tpu.enqueue_indirect_dma source(%arg6 : memref<128xf32, #tpu.memory_space<vmem>>) target(%dma_start3A_75 : memref<16384xf32, #tpu.memory_space<vmem_shared>>) offsets(%dma_start3A_73 : memref<128xi32, #tpu.memory_space<vmem>>) semaphore(%arg8 : memref<!tpu.dma_semaphore, #tpu.memory_space<semaphore_mem>>) {add = true}
      %dma_start3A_76 = arith.constant 5 : i32
      %dma_start3A_77 = arith.constant 0 : i32
      %dma_start3A_78 = tpu.memref_slice %arg5[%dma_start3A_76, %dma_start3A_77] : memref<16x128xi32, #tpu.memory_space<vmem>> -> memref<1x128xi32, #tpu.memory_space<vmem>>
      %dma_start3A_79 = tpu.memref_squeeze %dma_start3A_78 : memref<1x128xi32, #tpu.memory_space<vmem>> -> memref<128xi32, #tpu.memory_space<vmem>>
      %dma_start3A_80 = arith.constant 0 : i32
      %dma_start3A_81 = tpu.memref_slice %arg7[%dma_start3A_80] : memref<16384xf32, #tpu.memory_space<vmem_shared>> -> memref<16384xf32, #tpu.memory_space<vmem_shared>>
      tpu.enqueue_indirect_dma source(%arg6 : memref<128xf32, #tpu.memory_space<vmem>>) target(%dma_start3A_81 : memref<16384xf32, #tpu.memory_space<vmem_shared>>) offsets(%dma_start3A_79 : memref<128xi32, #tpu.memory_space<vmem>>) semaphore(%arg8 : memref<!tpu.dma_semaphore, #tpu.memory_space<semaphore_mem>>) {add = true}
      %dma_start3A_82 = arith.constant 6 : i32
      %dma_start3A_83 = arith.constant 0 : i32
      %dma_start3A_84 = tpu.memref_slice %arg5[%dma_start3A_82, %dma_start3A_83] : memref<16x128xi32, #tpu.memory_space<vmem>> -> memref<1x128xi32, #tpu.memory_space<vmem>>
      %dma_start3A_85 = tpu.memref_squeeze %dma_start3A_84 : memref<1x128xi32, #tpu.memory_space<vmem>> -> memref<128xi32, #tpu.memory_space<vmem>>
      %dma_start3A_86 = arith.constant 0 : i32
      %dma_start3A_87 = tpu.memref_slice %arg7[%dma_start3A_86] : memref<16384xf32, #tpu.memory_space<vmem_shared>> -> memref<16384xf32, #tpu.memory_space<vmem_shared>>
      tpu.enqueue_indirect_dma source(%arg6 : memref<128xf32, #tpu.memory_space<vmem>>) target(%dma_start3A_87 : memref<16384xf32, #tpu.memory_space<vmem_shared>>) offsets(%dma_start3A_85 : memref<128xi32, #tpu.memory_space<vmem>>) semaphore(%arg8 : memref<!tpu.dma_semaphore, #tpu.memory_space<semaphore_mem>>) {add = true}
      %dma_start3A_88 = arith.constant 7 : i32
      %dma_start3A_89 = arith.constant 0 : i32
      %dma_start3A_90 = tpu.memref_slice %arg5[%dma_start3A_88, %dma_start3A_89] : memref<16x128xi32, #tpu.memory_space<vmem>> -> memref<1x128xi32, #tpu.memory_space<vmem>>
      %dma_start3A_91 = tpu.memref_squeeze %dma_start3A_90 : memref<1x128xi32, #tpu.memory_space<vmem>> -> memref<128xi32, #tpu.memory_space<vmem>>
      %dma_start3A_92 = arith.constant 0 : i32
      %dma_start3A_93 = tpu.memref_slice %arg7[%dma_start3A_92] : memref<16384xf32, #tpu.memory_space<vmem_shared>> -> memref<16384xf32, #tpu.memory_space<vmem_shared>>
      tpu.enqueue_indirect_dma source(%arg6 : memref<128xf32, #tpu.memory_space<vmem>>) target(%dma_start3A_93 : memref<16384xf32, #tpu.memory_space<vmem_shared>>) offsets(%dma_start3A_91 : memref<128xi32, #tpu.memory_space<vmem>>) semaphore(%arg8 : memref<!tpu.dma_semaphore, #tpu.memory_space<semaphore_mem>>) {add = true}
      %dma_start3A_94 = arith.constant 8 : i32
      %dma_start3A_95 = arith.constant 0 : i32
      %dma_start3A_96 = tpu.memref_slice %arg5[%dma_start3A_94, %dma_start3A_95] : memref<16x128xi32, #tpu.memory_space<vmem>> -> memref<1x128xi32, #tpu.memory_space<vmem>>
      %dma_start3A_97 = tpu.memref_squeeze %dma_start3A_96 : memref<1x128xi32, #tpu.memory_space<vmem>> -> memref<128xi32, #tpu.memory_space<vmem>>
      %dma_start3A_98 = arith.constant 0 : i32
      %dma_start3A_99 = tpu.memref_slice %arg7[%dma_start3A_98] : memref<16384xf32, #tpu.memory_space<vmem_shared>> -> memref<16384xf32, #tpu.memory_space<vmem_shared>>
      tpu.enqueue_indirect_dma source(%arg6 : memref<128xf32, #tpu.memory_space<vmem>>) target(%dma_start3A_99 : memref<16384xf32, #tpu.memory_space<vmem_shared>>) offsets(%dma_start3A_97 : memref<128xi32, #tpu.memory_space<vmem>>) semaphore(%arg8 : memref<!tpu.dma_semaphore, #tpu.memory_space<semaphore_mem>>) {add = true}
      %dma_start3A_100 = arith.constant 9 : i32
      %dma_start3A_101 = arith.constant 0 : i32
      %dma_start3A_102 = tpu.memref_slice %arg5[%dma_start3A_100, %dma_start3A_101] : memref<16x128xi32, #tpu.memory_space<vmem>> -> memref<1x128xi32, #tpu.memory_space<vmem>>
      %dma_start3A_103 = tpu.memref_squeeze %dma_start3A_102 : memref<1x128xi32, #tpu.memory_space<vmem>> -> memref<128xi32, #tpu.memory_space<vmem>>
      %dma_start3A_104 = arith.constant 0 : i32
      %dma_start3A_105 = tpu.memref_slice %arg7[%dma_start3A_104] : memref<16384xf32, #tpu.memory_space<vmem_shared>> -> memref<16384xf32, #tpu.memory_space<vmem_shared>>
      tpu.enqueue_indirect_dma source(%arg6 : memref<128xf32, #tpu.memory_space<vmem>>) target(%dma_start3A_105 : memref<16384xf32, #tpu.memory_space<vmem_shared>>) offsets(%dma_start3A_103 : memref<128xi32, #tpu.memory_space<vmem>>) semaphore(%arg8 : memref<!tpu.dma_semaphore, #tpu.memory_space<semaphore_mem>>) {add = true}
      %dma_start3A_106 = arith.constant 10 : i32
      %dma_start3A_107 = arith.constant 0 : i32
      %dma_start3A_108 = tpu.memref_slice %arg5[%dma_start3A_106, %dma_start3A_107] : memref<16x128xi32, #tpu.memory_space<vmem>> -> memref<1x128xi32, #tpu.memory_space<vmem>>
      %dma_start3A_109 = tpu.memref_squeeze %dma_start3A_108 : memref<1x128xi32, #tpu.memory_space<vmem>> -> memref<128xi32, #tpu.memory_space<vmem>>
      %dma_start3A_110 = arith.constant 0 : i32
      %dma_start3A_111 = tpu.memref_slice %arg7[%dma_start3A_110] : memref<16384xf32, #tpu.memory_space<vmem_shared>> -> memref<16384xf32, #tpu.memory_space<vmem_shared>>
      tpu.enqueue_indirect_dma source(%arg6 : memref<128xf32, #tpu.memory_space<vmem>>) target(%dma_start3A_111 : memref<16384xf32, #tpu.memory_space<vmem_shared>>) offsets(%dma_start3A_109 : memref<128xi32, #tpu.memory_space<vmem>>) semaphore(%arg8 : memref<!tpu.dma_semaphore, #tpu.memory_space<semaphore_mem>>) {add = true}
      %dma_start3A_112 = arith.constant 11 : i32
      %dma_start3A_113 = arith.constant 0 : i32
      %dma_start3A_114 = tpu.memref_slice %arg5[%dma_start3A_112, %dma_start3A_113] : memref<16x128xi32, #tpu.memory_space<vmem>> -> memref<1x128xi32, #tpu.memory_space<vmem>>
      %dma_start3A_115 = tpu.memref_squeeze %dma_start3A_114 : memref<1x128xi32, #tpu.memory_space<vmem>> -> memref<128xi32, #tpu.memory_space<vmem>>
      %dma_start3A_116 = arith.constant 0 : i32
      %dma_start3A_117 = tpu.memref_slice %arg7[%dma_start3A_116] : memref<16384xf32, #tpu.memory_space<vmem_shared>> -> memref<16384xf32, #tpu.memory_space<vmem_shared>>
      tpu.enqueue_indirect_dma source(%arg6 : memref<128xf32, #tpu.memory_space<vmem>>) target(%dma_start3A_117 : memref<16384xf32, #tpu.memory_space<vmem_shared>>) offsets(%dma_start3A_115 : memref<128xi32, #tpu.memory_space<vmem>>) semaphore(%arg8 : memref<!tpu.dma_semaphore, #tpu.memory_space<semaphore_mem>>) {add = true}
      %dma_start3A_118 = arith.constant 12 : i32
      %dma_start3A_119 = arith.constant 0 : i32
      %dma_start3A_120 = tpu.memref_slice %arg5[%dma_start3A_118, %dma_start3A_119] : memref<16x128xi32, #tpu.memory_space<vmem>> -> memref<1x128xi32, #tpu.memory_space<vmem>>
      %dma_start3A_121 = tpu.memref_squeeze %dma_start3A_120 : memref<1x128xi32, #tpu.memory_space<vmem>> -> memref<128xi32, #tpu.memory_space<vmem>>
      %dma_start3A_122 = arith.constant 0 : i32
      %dma_start3A_123 = tpu.memref_slice %arg7[%dma_start3A_122] : memref<16384xf32, #tpu.memory_space<vmem_shared>> -> memref<16384xf32, #tpu.memory_space<vmem_shared>>
      tpu.enqueue_indirect_dma source(%arg6 : memref<128xf32, #tpu.memory_space<vmem>>) target(%dma_start3A_123 : memref<16384xf32, #tpu.memory_space<vmem_shared>>) offsets(%dma_start3A_121 : memref<128xi32, #tpu.memory_space<vmem>>) semaphore(%arg8 : memref<!tpu.dma_semaphore, #tpu.memory_space<semaphore_mem>>) {add = true}
      %dma_start3A_124 = arith.constant 13 : i32
      %dma_start3A_125 = arith.constant 0 : i32
      %dma_start3A_126 = tpu.memref_slice %arg5[%dma_start3A_124, %dma_start3A_125] : memref<16x128xi32, #tpu.memory_space<vmem>> -> memref<1x128xi32, #tpu.memory_space<vmem>>
      %dma_start3A_127 = tpu.memref_squeeze %dma_start3A_126 : memref<1x128xi32, #tpu.memory_space<vmem>> -> memref<128xi32, #tpu.memory_space<vmem>>
      %dma_start3A_128 = arith.constant 0 : i32
      %dma_start3A_129 = tpu.memref_slice %arg7[%dma_start3A_128] : memref<16384xf32, #tpu.memory_space<vmem_shared>> -> memref<16384xf32, #tpu.memory_space<vmem_shared>>
      tpu.enqueue_indirect_dma source(%arg6 : memref<128xf32, #tpu.memory_space<vmem>>) target(%dma_start3A_129 : memref<16384xf32, #tpu.memory_space<vmem_shared>>) offsets(%dma_start3A_127 : memref<128xi32, #tpu.memory_space<vmem>>) semaphore(%arg8 : memref<!tpu.dma_semaphore, #tpu.memory_space<semaphore_mem>>) {add = true}
      %dma_start3A_130 = arith.constant 14 : i32
      %dma_start3A_131 = arith.constant 0 : i32
      %dma_start3A_132 = tpu.memref_slice %arg5[%dma_start3A_130, %dma_start3A_131] : memref<16x128xi32, #tpu.memory_space<vmem>> -> memref<1x128xi32, #tpu.memory_space<vmem>>
      %dma_start3A_133 = tpu.memref_squeeze %dma_start3A_132 : memref<1x128xi32, #tpu.memory_space<vmem>> -> memref<128xi32, #tpu.memory_space<vmem>>
      %dma_start3A_134 = arith.constant 0 : i32
      %dma_start3A_135 = tpu.memref_slice %arg7[%dma_start3A_134] : memref<16384xf32, #tpu.memory_space<vmem_shared>> -> memref<16384xf32, #tpu.memory_space<vmem_shared>>
      tpu.enqueue_indirect_dma source(%arg6 : memref<128xf32, #tpu.memory_space<vmem>>) target(%dma_start3A_135 : memref<16384xf32, #tpu.memory_space<vmem_shared>>) offsets(%dma_start3A_133 : memref<128xi32, #tpu.memory_space<vmem>>) semaphore(%arg8 : memref<!tpu.dma_semaphore, #tpu.memory_space<semaphore_mem>>) {add = true}
      %dma_start3A_136 = arith.constant 15 : i32
      %dma_start3A_137 = arith.constant 0 : i32
      %dma_start3A_138 = tpu.memref_slice %arg5[%dma_start3A_136, %dma_start3A_137] : memref<16x128xi32, #tpu.memory_space<vmem>> -> memref<1x128xi32, #tpu.memory_space<vmem>>
      %dma_start3A_139 = tpu.memref_squeeze %dma_start3A_138 : memref<1x128xi32, #tpu.memory_space<vmem>> -> memref<128xi32, #tpu.memory_space<vmem>>
      %dma_start3A_140 = arith.constant 0 : i32
      %dma_start3A_141 = tpu.memref_slice %arg7[%dma_start3A_140] : memref<16384xf32, #tpu.memory_space<vmem_shared>> -> memref<16384xf32, #tpu.memory_space<vmem_shared>>
      tpu.enqueue_indirect_dma source(%arg6 : memref<128xf32, #tpu.memory_space<vmem>>) target(%dma_start3A_141 : memref<16384xf32, #tpu.memory_space<vmem_shared>>) offsets(%dma_start3A_139 : memref<128xi32, #tpu.memory_space<vmem>>) semaphore(%arg8 : memref<!tpu.dma_semaphore, #tpu.memory_space<semaphore_mem>>) {add = true}
      %dma_wait3A = arith.constant 0 : i32
      %dma_wait3A_142 = arith.constant 0 : i32
      %dma_wait3A_143 = tpu.memref_slice %arg5[%dma_wait3A, %dma_wait3A_142] : memref<16x128xi32, #tpu.memory_space<vmem>> -> memref<1x128xi32, #tpu.memory_space<vmem>>
      %dma_wait3A_144 = tpu.memref_squeeze %dma_wait3A_143 : memref<1x128xi32, #tpu.memory_space<vmem>> -> memref<128xi32, #tpu.memory_space<vmem>>
      %dma_wait3A_145 = arith.constant 0 : i32
      %dma_wait3A_146 = tpu.memref_slice %arg7[%dma_wait3A_145] : memref<16384xf32, #tpu.memory_space<vmem_shared>> -> memref<16384xf32, #tpu.memory_space<vmem_shared>>
      tpu.wait_indirect_dma semaphore(%arg8 : memref<!tpu.dma_semaphore, #tpu.memory_space<semaphore_mem>>) src(%arg6 : memref<128xf32, #tpu.memory_space<vmem>>) dst(%dma_wait3A_146 : memref<16384xf32, #tpu.memory_space<vmem_shared>>)
      %dma_wait3A_147 = arith.constant 1 : i32
      %dma_wait3A_148 = arith.constant 0 : i32
      %dma_wait3A_149 = tpu.memref_slice %arg5[%dma_wait3A_147, %dma_wait3A_148] : memref<16x128xi32, #tpu.memory_space<vmem>> -> memref<1x128xi32, #tpu.memory_space<vmem>>
      %dma_wait3A_150 = tpu.memref_squeeze %dma_wait3A_149 : memref<1x128xi32, #tpu.memory_space<vmem>> -> memref<128xi32, #tpu.memory_space<vmem>>
      %dma_wait3A_151 = arith.constant 0 : i32
      %dma_wait3A_152 = tpu.memref_slice %arg7[%dma_wait3A_151] : memref<16384xf32, #tpu.memory_space<vmem_shared>> -> memref<16384xf32, #tpu.memory_space<vmem_shared>>
      tpu.wait_indirect_dma semaphore(%arg8 : memref<!tpu.dma_semaphore, #tpu.memory_space<semaphore_mem>>) src(%arg6 : memref<128xf32, #tpu.memory_space<vmem>>) dst(%dma_wait3A_152 : memref<16384xf32, #tpu.memory_space<vmem_shared>>)
      %dma_wait3A_153 = arith.constant 2 : i32
      %dma_wait3A_154 = arith.constant 0 : i32
      %dma_wait3A_155 = tpu.memref_slice %arg5[%dma_wait3A_153, %dma_wait3A_154] : memref<16x128xi32, #tpu.memory_space<vmem>> -> memref<1x128xi32, #tpu.memory_space<vmem>>
      %dma_wait3A_156 = tpu.memref_squeeze %dma_wait3A_155 : memref<1x128xi32, #tpu.memory_space<vmem>> -> memref<128xi32, #tpu.memory_space<vmem>>
      %dma_wait3A_157 = arith.constant 0 : i32
      %dma_wait3A_158 = tpu.memref_slice %arg7[%dma_wait3A_157] : memref<16384xf32, #tpu.memory_space<vmem_shared>> -> memref<16384xf32, #tpu.memory_space<vmem_shared>>
      tpu.wait_indirect_dma semaphore(%arg8 : memref<!tpu.dma_semaphore, #tpu.memory_space<semaphore_mem>>) src(%arg6 : memref<128xf32, #tpu.memory_space<vmem>>) dst(%dma_wait3A_158 : memref<16384xf32, #tpu.memory_space<vmem_shared>>)
      %dma_wait3A_159 = arith.constant 3 : i32
      %dma_wait3A_160 = arith.constant 0 : i32
      %dma_wait3A_161 = tpu.memref_slice %arg5[%dma_wait3A_159, %dma_wait3A_160] : memref<16x128xi32, #tpu.memory_space<vmem>> -> memref<1x128xi32, #tpu.memory_space<vmem>>
      %dma_wait3A_162 = tpu.memref_squeeze %dma_wait3A_161 : memref<1x128xi32, #tpu.memory_space<vmem>> -> memref<128xi32, #tpu.memory_space<vmem>>
      %dma_wait3A_163 = arith.constant 0 : i32
      %dma_wait3A_164 = tpu.memref_slice %arg7[%dma_wait3A_163] : memref<16384xf32, #tpu.memory_space<vmem_shared>> -> memref<16384xf32, #tpu.memory_space<vmem_shared>>
      tpu.wait_indirect_dma semaphore(%arg8 : memref<!tpu.dma_semaphore, #tpu.memory_space<semaphore_mem>>) src(%arg6 : memref<128xf32, #tpu.memory_space<vmem>>) dst(%dma_wait3A_164 : memref<16384xf32, #tpu.memory_space<vmem_shared>>)
      %dma_wait3A_165 = arith.constant 4 : i32
      %dma_wait3A_166 = arith.constant 0 : i32
      %dma_wait3A_167 = tpu.memref_slice %arg5[%dma_wait3A_165, %dma_wait3A_166] : memref<16x128xi32, #tpu.memory_space<vmem>> -> memref<1x128xi32, #tpu.memory_space<vmem>>
      %dma_wait3A_168 = tpu.memref_squeeze %dma_wait3A_167 : memref<1x128xi32, #tpu.memory_space<vmem>> -> memref<128xi32, #tpu.memory_space<vmem>>
      %dma_wait3A_169 = arith.constant 0 : i32
      %dma_wait3A_170 = tpu.memref_slice %arg7[%dma_wait3A_169] : memref<16384xf32, #tpu.memory_space<vmem_shared>> -> memref<16384xf32, #tpu.memory_space<vmem_shared>>
      tpu.wait_indirect_dma semaphore(%arg8 : memref<!tpu.dma_semaphore, #tpu.memory_space<semaphore_mem>>) src(%arg6 : memref<128xf32, #tpu.memory_space<vmem>>) dst(%dma_wait3A_170 : memref<16384xf32, #tpu.memory_space<vmem_shared>>)
      %dma_wait3A_171 = arith.constant 5 : i32
      %dma_wait3A_172 = arith.constant 0 : i32
      %dma_wait3A_173 = tpu.memref_slice %arg5[%dma_wait3A_171, %dma_wait3A_172] : memref<16x128xi32, #tpu.memory_space<vmem>> -> memref<1x128xi32, #tpu.memory_space<vmem>>
      %dma_wait3A_174 = tpu.memref_squeeze %dma_wait3A_173 : memref<1x128xi32, #tpu.memory_space<vmem>> -> memref<128xi32, #tpu.memory_space<vmem>>
      %dma_wait3A_175 = arith.constant 0 : i32
      %dma_wait3A_176 = tpu.memref_slice %arg7[%dma_wait3A_175] : memref<16384xf32, #tpu.memory_space<vmem_shared>> -> memref<16384xf32, #tpu.memory_space<vmem_shared>>
      tpu.wait_indirect_dma semaphore(%arg8 : memref<!tpu.dma_semaphore, #tpu.memory_space<semaphore_mem>>) src(%arg6 : memref<128xf32, #tpu.memory_space<vmem>>) dst(%dma_wait3A_176 : memref<16384xf32, #tpu.memory_space<vmem_shared>>)
      %dma_wait3A_177 = arith.constant 6 : i32
      %dma_wait3A_178 = arith.constant 0 : i32
      %dma_wait3A_179 = tpu.memref_slice %arg5[%dma_wait3A_177, %dma_wait3A_178] : memref<16x128xi32, #tpu.memory_space<vmem>> -> memref<1x128xi32, #tpu.memory_space<vmem>>
      %dma_wait3A_180 = tpu.memref_squeeze %dma_wait3A_179 : memref<1x128xi32, #tpu.memory_space<vmem>> -> memref<128xi32, #tpu.memory_space<vmem>>
      %dma_wait3A_181 = arith.constant 0 : i32
      %dma_wait3A_182 = tpu.memref_slice %arg7[%dma_wait3A_181] : memref<16384xf32, #tpu.memory_space<vmem_shared>> -> memref<16384xf32, #tpu.memory_space<vmem_shared>>
      tpu.wait_indirect_dma semaphore(%arg8 : memref<!tpu.dma_semaphore, #tpu.memory_space<semaphore_mem>>) src(%arg6 : memref<128xf32, #tpu.memory_space<vmem>>) dst(%dma_wait3A_182 : memref<16384xf32, #tpu.memory_space<vmem_shared>>)
      %dma_wait3A_183 = arith.constant 7 : i32
      %dma_wait3A_184 = arith.constant 0 : i32
      %dma_wait3A_185 = tpu.memref_slice %arg5[%dma_wait3A_183, %dma_wait3A_184] : memref<16x128xi32, #tpu.memory_space<vmem>> -> memref<1x128xi32, #tpu.memory_space<vmem>>
      %dma_wait3A_186 = tpu.memref_squeeze %dma_wait3A_185 : memref<1x128xi32, #tpu.memory_space<vmem>> -> memref<128xi32, #tpu.memory_space<vmem>>
      %dma_wait3A_187 = arith.constant 0 : i32
      %dma_wait3A_188 = tpu.memref_slice %arg7[%dma_wait3A_187] : memref<16384xf32, #tpu.memory_space<vmem_shared>> -> memref<16384xf32, #tpu.memory_space<vmem_shared>>
      tpu.wait_indirect_dma semaphore(%arg8 : memref<!tpu.dma_semaphore, #tpu.memory_space<semaphore_mem>>) src(%arg6 : memref<128xf32, #tpu.memory_space<vmem>>) dst(%dma_wait3A_188 : memref<16384xf32, #tpu.memory_space<vmem_shared>>)
      %dma_wait3A_189 = arith.constant 8 : i32
      %dma_wait3A_190 = arith.constant 0 : i32
      %dma_wait3A_191 = tpu.memref_slice %arg5[%dma_wait3A_189, %dma_wait3A_190] : memref<16x128xi32, #tpu.memory_space<vmem>> -> memref<1x128xi32, #tpu.memory_space<vmem>>
      %dma_wait3A_192 = tpu.memref_squeeze %dma_wait3A_191 : memref<1x128xi32, #tpu.memory_space<vmem>> -> memref<128xi32, #tpu.memory_space<vmem>>
      %dma_wait3A_193 = arith.constant 0 : i32
      %dma_wait3A_194 = tpu.memref_slice %arg7[%dma_wait3A_193] : memref<16384xf32, #tpu.memory_space<vmem_shared>> -> memref<16384xf32, #tpu.memory_space<vmem_shared>>
      tpu.wait_indirect_dma semaphore(%arg8 : memref<!tpu.dma_semaphore, #tpu.memory_space<semaphore_mem>>) src(%arg6 : memref<128xf32, #tpu.memory_space<vmem>>) dst(%dma_wait3A_194 : memref<16384xf32, #tpu.memory_space<vmem_shared>>)
      %dma_wait3A_195 = arith.constant 9 : i32
      %dma_wait3A_196 = arith.constant 0 : i32
      %dma_wait3A_197 = tpu.memref_slice %arg5[%dma_wait3A_195, %dma_wait3A_196] : memref<16x128xi32, #tpu.memory_space<vmem>> -> memref<1x128xi32, #tpu.memory_space<vmem>>
      %dma_wait3A_198 = tpu.memref_squeeze %dma_wait3A_197 : memref<1x128xi32, #tpu.memory_space<vmem>> -> memref<128xi32, #tpu.memory_space<vmem>>
      %dma_wait3A_199 = arith.constant 0 : i32
      %dma_wait3A_200 = tpu.memref_slice %arg7[%dma_wait3A_199] : memref<16384xf32, #tpu.memory_space<vmem_shared>> -> memref<16384xf32, #tpu.memory_space<vmem_shared>>
      tpu.wait_indirect_dma semaphore(%arg8 : memref<!tpu.dma_semaphore, #tpu.memory_space<semaphore_mem>>) src(%arg6 : memref<128xf32, #tpu.memory_space<vmem>>) dst(%dma_wait3A_200 : memref<16384xf32, #tpu.memory_space<vmem_shared>>)
      %dma_wait3A_201 = arith.constant 10 : i32
      %dma_wait3A_202 = arith.constant 0 : i32
      %dma_wait3A_203 = tpu.memref_slice %arg5[%dma_wait3A_201, %dma_wait3A_202] : memref<16x128xi32, #tpu.memory_space<vmem>> -> memref<1x128xi32, #tpu.memory_space<vmem>>
      %dma_wait3A_204 = tpu.memref_squeeze %dma_wait3A_203 : memref<1x128xi32, #tpu.memory_space<vmem>> -> memref<128xi32, #tpu.memory_space<vmem>>
      %dma_wait3A_205 = arith.constant 0 : i32
      %dma_wait3A_206 = tpu.memref_slice %arg7[%dma_wait3A_205] : memref<16384xf32, #tpu.memory_space<vmem_shared>> -> memref<16384xf32, #tpu.memory_space<vmem_shared>>
      tpu.wait_indirect_dma semaphore(%arg8 : memref<!tpu.dma_semaphore, #tpu.memory_space<semaphore_mem>>) src(%arg6 : memref<128xf32, #tpu.memory_space<vmem>>) dst(%dma_wait3A_206 : memref<16384xf32, #tpu.memory_space<vmem_shared>>)
      %dma_wait3A_207 = arith.constant 11 : i32
      %dma_wait3A_208 = arith.constant 0 : i32
      %dma_wait3A_209 = tpu.memref_slice %arg5[%dma_wait3A_207, %dma_wait3A_208] : memref<16x128xi32, #tpu.memory_space<vmem>> -> memref<1x128xi32, #tpu.memory_space<vmem>>
      %dma_wait3A_210 = tpu.memref_squeeze %dma_wait3A_209 : memref<1x128xi32, #tpu.memory_space<vmem>> -> memref<128xi32, #tpu.memory_space<vmem>>
      %dma_wait3A_211 = arith.constant 0 : i32
      %dma_wait3A_212 = tpu.memref_slice %arg7[%dma_wait3A_211] : memref<16384xf32, #tpu.memory_space<vmem_shared>> -> memref<16384xf32, #tpu.memory_space<vmem_shared>>
      tpu.wait_indirect_dma semaphore(%arg8 : memref<!tpu.dma_semaphore, #tpu.memory_space<semaphore_mem>>) src(%arg6 : memref<128xf32, #tpu.memory_space<vmem>>) dst(%dma_wait3A_212 : memref<16384xf32, #tpu.memory_space<vmem_shared>>)
      %dma_wait3A_213 = arith.constant 12 : i32
      %dma_wait3A_214 = arith.constant 0 : i32
      %dma_wait3A_215 = tpu.memref_slice %arg5[%dma_wait3A_213, %dma_wait3A_214] : memref<16x128xi32, #tpu.memory_space<vmem>> -> memref<1x128xi32, #tpu.memory_space<vmem>>
      %dma_wait3A_216 = tpu.memref_squeeze %dma_wait3A_215 : memref<1x128xi32, #tpu.memory_space<vmem>> -> memref<128xi32, #tpu.memory_space<vmem>>
      %dma_wait3A_217 = arith.constant 0 : i32
      %dma_wait3A_218 = tpu.memref_slice %arg7[%dma_wait3A_217] : memref<16384xf32, #tpu.memory_space<vmem_shared>> -> memref<16384xf32, #tpu.memory_space<vmem_shared>>
      tpu.wait_indirect_dma semaphore(%arg8 : memref<!tpu.dma_semaphore, #tpu.memory_space<semaphore_mem>>) src(%arg6 : memref<128xf32, #tpu.memory_space<vmem>>) dst(%dma_wait3A_218 : memref<16384xf32, #tpu.memory_space<vmem_shared>>)
      %dma_wait3A_219 = arith.constant 13 : i32
      %dma_wait3A_220 = arith.constant 0 : i32
      %dma_wait3A_221 = tpu.memref_slice %arg5[%dma_wait3A_219, %dma_wait3A_220] : memref<16x128xi32, #tpu.memory_space<vmem>> -> memref<1x128xi32, #tpu.memory_space<vmem>>
      %dma_wait3A_222 = tpu.memref_squeeze %dma_wait3A_221 : memref<1x128xi32, #tpu.memory_space<vmem>> -> memref<128xi32, #tpu.memory_space<vmem>>
      %dma_wait3A_223 = arith.constant 0 : i32
      %dma_wait3A_224 = tpu.memref_slice %arg7[%dma_wait3A_223] : memref<16384xf32, #tpu.memory_space<vmem_shared>> -> memref<16384xf32, #tpu.memory_space<vmem_shared>>
      tpu.wait_indirect_dma semaphore(%arg8 : memref<!tpu.dma_semaphore, #tpu.memory_space<semaphore_mem>>) src(%arg6 : memref<128xf32, #tpu.memory_space<vmem>>) dst(%dma_wait3A_224 : memref<16384xf32, #tpu.memory_space<vmem_shared>>)
      %dma_wait3A_225 = arith.constant 14 : i32
      %dma_wait3A_226 = arith.constant 0 : i32
      %dma_wait3A_227 = tpu.memref_slice %arg5[%dma_wait3A_225, %dma_wait3A_226] : memref<16x128xi32, #tpu.memory_space<vmem>> -> memref<1x128xi32, #tpu.memory_space<vmem>>
      %dma_wait3A_228 = tpu.memref_squeeze %dma_wait3A_227 : memref<1x128xi32, #tpu.memory_space<vmem>> -> memref<128xi32, #tpu.memory_space<vmem>>
      %dma_wait3A_229 = arith.constant 0 : i32
      %dma_wait3A_230 = tpu.memref_slice %arg7[%dma_wait3A_229] : memref<16384xf32, #tpu.memory_space<vmem_shared>> -> memref<16384xf32, #tpu.memory_space<vmem_shared>>
      tpu.wait_indirect_dma semaphore(%arg8 : memref<!tpu.dma_semaphore, #tpu.memory_space<semaphore_mem>>) src(%arg6 : memref<128xf32, #tpu.memory_space<vmem>>) dst(%dma_wait3A_230 : memref<16384xf32, #tpu.memory_space<vmem_shared>>)
      %dma_wait3A_231 = arith.constant 15 : i32
      %dma_wait3A_232 = arith.constant 0 : i32
      %dma_wait3A_233 = tpu.memref_slice %arg5[%dma_wait3A_231, %dma_wait3A_232] : memref<16x128xi32, #tpu.memory_space<vmem>> -> memref<1x128xi32, #tpu.memory_space<vmem>>
      %dma_wait3A_234 = tpu.memref_squeeze %dma_wait3A_233 : memref<1x128xi32, #tpu.memory_space<vmem>> -> memref<128xi32, #tpu.memory_space<vmem>>
      %dma_wait3A_235 = arith.constant 0 : i32
      %dma_wait3A_236 = tpu.memref_slice %arg7[%dma_wait3A_235] : memref<16384xf32, #tpu.memory_space<vmem_shared>> -> memref<16384xf32, #tpu.memory_space<vmem_shared>>
      tpu.wait_indirect_dma semaphore(%arg8 : memref<!tpu.dma_semaphore, #tpu.memory_space<semaphore_mem>>) src(%arg6 : memref<128xf32, #tpu.memory_space<vmem>>) dst(%dma_wait3A_236 : memref<16384xf32, #tpu.memory_space<vmem_shared>>)
    }
    %scan3A_39 = arith.constant 10 : i32
    %barrier3A_40 = arith.constant 0 : index
    tpu.barrier barrier_id(%barrier3A_40)
    %mul3A_41 = arith.constant 16384 : i32
    %mul3A_42 = arith.muli %arg0, %mul3A_41 : i32
    %add3A_43 = arith.addi %mul3A_42, %mul3A_2 : i32
    "tpu.region"() ({
      %run_scoped3A = tpu.sem_alloc : memref<!tpu.dma_semaphore, #tpu.memory_space<semaphore_mem>>
      %dma_start3A = tpu.memref_slice %arg4[%add3A_43] : memref<32768xf32, #tpu.memory_space<hbm>> -> memref<1024xf32, #tpu.memory_space<hbm>>
      %dma_start3A_44 = tpu.memref_slice %arg7[%mul3A_2] : memref<16384xf32, #tpu.memory_space<vmem_shared>> -> memref<1024xf32, #tpu.memory_space<vmem_shared>>
      tpu.enqueue_dma source(%dma_start3A_44 : memref<1024xf32, #tpu.memory_space<vmem_shared>>) target(%dma_start3A : memref<1024xf32, #tpu.memory_space<hbm>>) target_semaphore(%run_scoped3A : memref<!tpu.dma_semaphore, #tpu.memory_space<semaphore_mem>>)
      %dma_wait3A = tpu.memref_slice %arg4[%add3A_43] : memref<32768xf32, #tpu.memory_space<hbm>> -> memref<1024xf32, #tpu.memory_space<hbm>>
      %dma_wait3A_45 = tpu.memref_slice %arg7[%mul3A_2] : memref<16384xf32, #tpu.memory_space<vmem_shared>> -> memref<1024xf32, #tpu.memory_space<vmem_shared>>
      tpu.wait_dma2 semaphore(%run_scoped3A : memref<!tpu.dma_semaphore, #tpu.memory_space<semaphore_mem>>) src(%dma_wait3A_45 : memref<1024xf32, #tpu.memory_space<vmem_shared>>) dst(%dma_wait3A : memref<1024xf32, #tpu.memory_space<hbm>>)
      tpu.yield
    }) : () -> ()
    return
  }
}

#map = affine_map<(d0, d1) -> (0, 0)>
#map1 = affine_map<(d0, d1) -> (0, 0, 0)>
module attributes {stable_mosaic.version = 14 : i64} {
  func.func @_sc_msg_body(%arg0: i32, %arg1: i32, %arg2: memref<20000x128xf32, #tpu.memory_space<hbm>>, %arg3: memref<32x160x128xi32, #tpu.memory_space<hbm>>, %arg4: memref<32x160x128xi32, #tpu.memory_space<hbm>>, %arg5: memref<10112x128xf32, #tpu.memory_space<hbm>>, %arg6: memref<2x10112x128xf32, #tpu.memory_space<hbm>>, %arg7: memref<4x128xi32, #tpu.memory_space<vmem>>, %arg8: memref<4x128xi32, #tpu.memory_space<vmem>>, %arg9: memref<4x128xi32, #tpu.memory_space<vmem>>, %arg10: memref<4x128xi32, #tpu.memory_space<vmem>>, %arg11: memref<2x128x128xf32, #tpu.memory_space<vmem>>, %arg12: memref<10112x128xf32, #tpu.memory_space<vmem_shared>>, %arg13: memref<!tpu.dma_semaphore, #tpu.memory_space<semaphore_mem>>, %arg14: memref<!tpu.dma_semaphore, #tpu.memory_space<semaphore_mem>>, %arg15: memref<!tpu.dma_semaphore, #tpu.memory_space<semaphore_mem>>, %arg16: memref<!tpu.dma_semaphore, #tpu.memory_space<semaphore_mem>>, %arg17: memref<!tpu.dma_semaphore, #tpu.memory_space<semaphore_mem>>, %arg18: memref<!tpu.dma_semaphore, #tpu.memory_space<semaphore_mem>>) attributes {dimension_semantics = [#tpu.dimension_semantics<core_parallel>, #tpu.dimension_semantics<subcore_parallel>], iteration_bounds = array<i64: 2, 16>, scalar_prefetch = 0 : i64, scratch_operands = 12 : i64, tpu.core_type = #tpu.core_type<sc_vector_subcore>, window_params = [{transform_indices = #map}, {transform_indices = #map1}, {transform_indices = #map1}, {transform_indices = #map}, {transform_indices = #map1}]} {
    %mul3A = arith.constant 2 : i32
    %mul3A_0 = arith.muli %arg1, %mul3A : i32
    %add3A = arith.addi %mul3A_0, %arg0 : i32
    %mul3A_1 = arith.constant 632 : i32
    %mul3A_2 = arith.muli %arg1, %mul3A_1 : i32
    %dma_start3A = arith.constant 0 : i32
    %dma_start3A_3 = arith.constant 0 : i32
    %dma_start3A_4 = tpu.memref_slice %arg3[%add3A, %dma_start3A, %dma_start3A_3] : memref<32x160x128xi32, #tpu.memory_space<hbm>> -> memref<1x4x128xi32, #tpu.memory_space<hbm>>
    %dma_start3A_5 = tpu.memref_squeeze %dma_start3A_4 : memref<1x4x128xi32, #tpu.memory_space<hbm>> -> memref<4x128xi32, #tpu.memory_space<hbm>>
    %dma_start3A_6 = arith.constant 0 : i32
    %dma_start3A_7 = arith.constant 0 : i32
    %dma_start3A_8 = tpu.memref_slice %arg3[%add3A, %dma_start3A_6, %dma_start3A_7] : memref<32x160x128xi32, #tpu.memory_space<hbm>> -> memref<1x4x128xi32, #tpu.memory_space<hbm>>
    %dma_start3A_9 = tpu.memref_squeeze %dma_start3A_8 : memref<1x4x128xi32, #tpu.memory_space<hbm>> -> memref<4x128xi32, #tpu.memory_space<hbm>>
    tpu.enqueue_dma source(%dma_start3A_9 : memref<4x128xi32, #tpu.memory_space<hbm>>) target(%arg7 : memref<4x128xi32, #tpu.memory_space<vmem>>) target_semaphore(%arg17 : memref<!tpu.dma_semaphore, #tpu.memory_space<semaphore_mem>>)
    %dma_start3A_10 = arith.constant 0 : i32
    %dma_start3A_11 = arith.constant 0 : i32
    %dma_start3A_12 = tpu.memref_slice %arg4[%add3A, %dma_start3A_10, %dma_start3A_11] : memref<32x160x128xi32, #tpu.memory_space<hbm>> -> memref<1x4x128xi32, #tpu.memory_space<hbm>>
    %dma_start3A_13 = tpu.memref_squeeze %dma_start3A_12 : memref<1x4x128xi32, #tpu.memory_space<hbm>> -> memref<4x128xi32, #tpu.memory_space<hbm>>
    %dma_start3A_14 = arith.constant 0 : i32
    %dma_start3A_15 = arith.constant 0 : i32
    %dma_start3A_16 = tpu.memref_slice %arg4[%add3A, %dma_start3A_14, %dma_start3A_15] : memref<32x160x128xi32, #tpu.memory_space<hbm>> -> memref<1x4x128xi32, #tpu.memory_space<hbm>>
    %dma_start3A_17 = tpu.memref_squeeze %dma_start3A_16 : memref<1x4x128xi32, #tpu.memory_space<hbm>> -> memref<4x128xi32, #tpu.memory_space<hbm>>
    tpu.enqueue_dma source(%dma_start3A_17 : memref<4x128xi32, #tpu.memory_space<hbm>>) target(%arg8 : memref<4x128xi32, #tpu.memory_space<vmem>>) target_semaphore(%arg17 : memref<!tpu.dma_semaphore, #tpu.memory_space<semaphore_mem>>)
    %dma_start3A_18 = arith.constant 4 : i32
    %dma_start3A_19 = arith.constant 0 : i32
    %dma_start3A_20 = tpu.memref_slice %arg3[%add3A, %dma_start3A_18, %dma_start3A_19] : memref<32x160x128xi32, #tpu.memory_space<hbm>> -> memref<1x4x128xi32, #tpu.memory_space<hbm>>
    %dma_start3A_21 = tpu.memref_squeeze %dma_start3A_20 : memref<1x4x128xi32, #tpu.memory_space<hbm>> -> memref<4x128xi32, #tpu.memory_space<hbm>>
    %dma_start3A_22 = arith.constant 4 : i32
    %dma_start3A_23 = arith.constant 0 : i32
    %dma_start3A_24 = tpu.memref_slice %arg3[%add3A, %dma_start3A_22, %dma_start3A_23] : memref<32x160x128xi32, #tpu.memory_space<hbm>> -> memref<1x4x128xi32, #tpu.memory_space<hbm>>
    %dma_start3A_25 = tpu.memref_squeeze %dma_start3A_24 : memref<1x4x128xi32, #tpu.memory_space<hbm>> -> memref<4x128xi32, #tpu.memory_space<hbm>>
    tpu.enqueue_dma source(%dma_start3A_25 : memref<4x128xi32, #tpu.memory_space<hbm>>) target(%arg9 : memref<4x128xi32, #tpu.memory_space<vmem>>) target_semaphore(%arg18 : memref<!tpu.dma_semaphore, #tpu.memory_space<semaphore_mem>>)
    %dma_start3A_26 = arith.constant 4 : i32
    %dma_start3A_27 = arith.constant 0 : i32
    %dma_start3A_28 = tpu.memref_slice %arg4[%add3A, %dma_start3A_26, %dma_start3A_27] : memref<32x160x128xi32, #tpu.memory_space<hbm>> -> memref<1x4x128xi32, #tpu.memory_space<hbm>>
    %dma_start3A_29 = tpu.memref_squeeze %dma_start3A_28 : memref<1x4x128xi32, #tpu.memory_space<hbm>> -> memref<4x128xi32, #tpu.memory_space<hbm>>
    %dma_start3A_30 = arith.constant 4 : i32
    %dma_start3A_31 = arith.constant 0 : i32
    %dma_start3A_32 = tpu.memref_slice %arg4[%add3A, %dma_start3A_30, %dma_start3A_31] : memref<32x160x128xi32, #tpu.memory_space<hbm>> -> memref<1x4x128xi32, #tpu.memory_space<hbm>>
    %dma_start3A_33 = tpu.memref_squeeze %dma_start3A_32 : memref<1x4x128xi32, #tpu.memory_space<hbm>> -> memref<4x128xi32, #tpu.memory_space<hbm>>
    tpu.enqueue_dma source(%dma_start3A_33 : memref<4x128xi32, #tpu.memory_space<hbm>>) target(%arg10 : memref<4x128xi32, #tpu.memory_space<vmem>>) target_semaphore(%arg18 : memref<!tpu.dma_semaphore, #tpu.memory_space<semaphore_mem>>)
    "tpu.region"() ({
      %run_scoped3A = tpu.sem_alloc : memref<!tpu.dma_semaphore, #tpu.memory_space<semaphore_mem>>
      %dma_start3A_95 = arith.constant 0 : i32
      %dma_start3A_96 = tpu.memref_slice %arg12[%mul3A_2, %dma_start3A_95] : memref<10112x128xf32, #tpu.memory_space<vmem_shared>> -> memref<632x128xf32, #tpu.memory_space<vmem_shared>>
      %dma_start3A_97 = arith.constant 0 : i32
      %dma_start3A_98 = tpu.memref_slice %arg5[%mul3A_2, %dma_start3A_97] : memref<10112x128xf32, #tpu.memory_space<hbm>> -> memref<632x128xf32, #tpu.memory_space<hbm>>
      tpu.enqueue_dma source(%dma_start3A_98 : memref<632x128xf32, #tpu.memory_space<hbm>>) target(%dma_start3A_96 : memref<632x128xf32, #tpu.memory_space<vmem_shared>>) target_semaphore(%run_scoped3A : memref<!tpu.dma_semaphore, #tpu.memory_space<semaphore_mem>>)
      %dma_wait3A_99 = arith.constant 0 : i32
      %dma_wait3A_100 = tpu.memref_slice %arg12[%mul3A_2, %dma_wait3A_99] : memref<10112x128xf32, #tpu.memory_space<vmem_shared>> -> memref<632x128xf32, #tpu.memory_space<vmem_shared>>
      %dma_wait3A_101 = arith.constant 0 : i32
      %dma_wait3A_102 = tpu.memref_slice %arg5[%mul3A_2, %dma_wait3A_101] : memref<10112x128xf32, #tpu.memory_space<hbm>> -> memref<632x128xf32, #tpu.memory_space<hbm>>
      tpu.wait_dma2 semaphore(%run_scoped3A : memref<!tpu.dma_semaphore, #tpu.memory_space<semaphore_mem>>) src(%dma_wait3A_102 : memref<632x128xf32, #tpu.memory_space<hbm>>) dst(%dma_wait3A_100 : memref<632x128xf32, #tpu.memory_space<vmem_shared>>)
      tpu.yield
    }) : () -> ()
    %barrier3A = arith.constant 0 : index
    tpu.barrier barrier_id(%barrier3A)
    %dma_wait3A = arith.constant 0 : i32
    %dma_wait3A_34 = arith.constant 0 : i32
    %dma_wait3A_35 = tpu.memref_slice %arg3[%add3A, %dma_wait3A, %dma_wait3A_34] : memref<32x160x128xi32, #tpu.memory_space<hbm>> -> memref<1x4x128xi32, #tpu.memory_space<hbm>>
    %dma_wait3A_36 = tpu.memref_squeeze %dma_wait3A_35 : memref<1x4x128xi32, #tpu.memory_space<hbm>> -> memref<4x128xi32, #tpu.memory_space<hbm>>
    %dma_wait3A_37 = arith.constant 0 : i32
    %dma_wait3A_38 = arith.constant 0 : i32
    %dma_wait3A_39 = tpu.memref_slice %arg3[%add3A, %dma_wait3A_37, %dma_wait3A_38] : memref<32x160x128xi32, #tpu.memory_space<hbm>> -> memref<1x4x128xi32, #tpu.memory_space<hbm>>
    %dma_wait3A_40 = tpu.memref_squeeze %dma_wait3A_39 : memref<1x4x128xi32, #tpu.memory_space<hbm>> -> memref<4x128xi32, #tpu.memory_space<hbm>>
    tpu.wait_dma2 semaphore(%arg17 : memref<!tpu.dma_semaphore, #tpu.memory_space<semaphore_mem>>) src(%dma_wait3A_40 : memref<4x128xi32, #tpu.memory_space<hbm>>) dst(%arg7 : memref<4x128xi32, #tpu.memory_space<vmem>>)
    %dma_wait3A_41 = arith.constant 0 : i32
    %dma_wait3A_42 = arith.constant 0 : i32
    %dma_wait3A_43 = tpu.memref_slice %arg4[%add3A, %dma_wait3A_41, %dma_wait3A_42] : memref<32x160x128xi32, #tpu.memory_space<hbm>> -> memref<1x4x128xi32, #tpu.memory_space<hbm>>
    %dma_wait3A_44 = tpu.memref_squeeze %dma_wait3A_43 : memref<1x4x128xi32, #tpu.memory_space<hbm>> -> memref<4x128xi32, #tpu.memory_space<hbm>>
    %dma_wait3A_45 = arith.constant 0 : i32
    %dma_wait3A_46 = arith.constant 0 : i32
    %dma_wait3A_47 = tpu.memref_slice %arg4[%add3A, %dma_wait3A_45, %dma_wait3A_46] : memref<32x160x128xi32, #tpu.memory_space<hbm>> -> memref<1x4x128xi32, #tpu.memory_space<hbm>>
    %dma_wait3A_48 = tpu.memref_squeeze %dma_wait3A_47 : memref<1x4x128xi32, #tpu.memory_space<hbm>> -> memref<4x128xi32, #tpu.memory_space<hbm>>
    tpu.wait_dma2 semaphore(%arg17 : memref<!tpu.dma_semaphore, #tpu.memory_space<semaphore_mem>>) src(%dma_wait3A_48 : memref<4x128xi32, #tpu.memory_space<hbm>>) dst(%arg8 : memref<4x128xi32, #tpu.memory_space<vmem>>)
    %dma_wait3A_49 = arith.constant 4 : i32
    %dma_wait3A_50 = arith.constant 0 : i32
    %dma_wait3A_51 = tpu.memref_slice %arg3[%add3A, %dma_wait3A_49, %dma_wait3A_50] : memref<32x160x128xi32, #tpu.memory_space<hbm>> -> memref<1x4x128xi32, #tpu.memory_space<hbm>>
    %dma_wait3A_52 = tpu.memref_squeeze %dma_wait3A_51 : memref<1x4x128xi32, #tpu.memory_space<hbm>> -> memref<4x128xi32, #tpu.memory_space<hbm>>
    %dma_wait3A_53 = arith.constant 4 : i32
    %dma_wait3A_54 = arith.constant 0 : i32
    %dma_wait3A_55 = tpu.memref_slice %arg3[%add3A, %dma_wait3A_53, %dma_wait3A_54] : memref<32x160x128xi32, #tpu.memory_space<hbm>> -> memref<1x4x128xi32, #tpu.memory_space<hbm>>
    %dma_wait3A_56 = tpu.memref_squeeze %dma_wait3A_55 : memref<1x4x128xi32, #tpu.memory_space<hbm>> -> memref<4x128xi32, #tpu.memory_space<hbm>>
    tpu.wait_dma2 semaphore(%arg18 : memref<!tpu.dma_semaphore, #tpu.memory_space<semaphore_mem>>) src(%dma_wait3A_56 : memref<4x128xi32, #tpu.memory_space<hbm>>) dst(%arg9 : memref<4x128xi32, #tpu.memory_space<vmem>>)
    %dma_wait3A_57 = arith.constant 4 : i32
    %dma_wait3A_58 = arith.constant 0 : i32
    %dma_wait3A_59 = tpu.memref_slice %arg4[%add3A, %dma_wait3A_57, %dma_wait3A_58] : memref<32x160x128xi32, #tpu.memory_space<hbm>> -> memref<1x4x128xi32, #tpu.memory_space<hbm>>
    %dma_wait3A_60 = tpu.memref_squeeze %dma_wait3A_59 : memref<1x4x128xi32, #tpu.memory_space<hbm>> -> memref<4x128xi32, #tpu.memory_space<hbm>>
    %dma_wait3A_61 = arith.constant 4 : i32
    %dma_wait3A_62 = arith.constant 0 : i32
    %dma_wait3A_63 = tpu.memref_slice %arg4[%add3A, %dma_wait3A_61, %dma_wait3A_62] : memref<32x160x128xi32, #tpu.memory_space<hbm>> -> memref<1x4x128xi32, #tpu.memory_space<hbm>>
    %dma_wait3A_64 = tpu.memref_squeeze %dma_wait3A_63 : memref<1x4x128xi32, #tpu.memory_space<hbm>> -> memref<4x128xi32, #tpu.memory_space<hbm>>
    tpu.wait_dma2 semaphore(%arg18 : memref<!tpu.dma_semaphore, #tpu.memory_space<semaphore_mem>>) src(%dma_wait3A_64 : memref<4x128xi32, #tpu.memory_space<hbm>>) dst(%arg10 : memref<4x128xi32, #tpu.memory_space<vmem>>)
    %dma_start3A_65 = arith.constant 0 : i32
    %dma_start3A_66 = arith.constant 0 : i32
    %dma_start3A_67 = arith.constant 0 : i32
    %dma_start3A_68 = arith.constant 0 : i32
    %dma_start3A_69 = tpu.memref_slice %arg11[%dma_start3A_66, %dma_start3A_67, %dma_start3A_68] : memref<2x128x128xf32, #tpu.memory_space<vmem>> -> memref<1x128x128xf32, #tpu.memory_space<vmem>>
    %dma_start3A_70 = tpu.memref_squeeze %dma_start3A_69 : memref<1x128x128xf32, #tpu.memory_space<vmem>> -> memref<128x128xf32, #tpu.memory_space<vmem>>
    %dma_start3A_71 = arith.constant 0 : i32
    %dma_start3A_72 = tpu.memref_slice %arg7[%dma_start3A_65, %dma_start3A_71] : memref<4x128xi32, #tpu.memory_space<vmem>> -> memref<1x128xi32, #tpu.memory_space<vmem>>
    %dma_start3A_73 = tpu.memref_squeeze %dma_start3A_72 : memref<1x128xi32, #tpu.memory_space<vmem>> -> memref<128xi32, #tpu.memory_space<vmem>>
    %dma_start3A_74 = arith.constant 0 : i32
    %dma_start3A_75 = arith.constant 0 : i32
    %dma_start3A_76 = tpu.memref_slice %arg2[%dma_start3A_74, %dma_start3A_75] : memref<20000x128xf32, #tpu.memory_space<hbm>> -> memref<20000x128xf32, #tpu.memory_space<hbm>>
    tpu.enqueue_indirect_dma source(%dma_start3A_76 : memref<20000x128xf32, #tpu.memory_space<hbm>>) target(%dma_start3A_70 : memref<128x128xf32, #tpu.memory_space<vmem>>) offsets(%dma_start3A_73 : memref<128xi32, #tpu.memory_space<vmem>>) semaphore(%arg13 : memref<!tpu.dma_semaphore, #tpu.memory_space<semaphore_mem>>)
    %dma_start3A_77 = arith.constant 1 : i32
    %dma_start3A_78 = arith.constant 1 : i32
    %dma_start3A_79 = arith.constant 0 : i32
    %dma_start3A_80 = arith.constant 0 : i32
    %dma_start3A_81 = tpu.memref_slice %arg11[%dma_start3A_78, %dma_start3A_79, %dma_start3A_80] : memref<2x128x128xf32, #tpu.memory_space<vmem>> -> memref<1x128x128xf32, #tpu.memory_space<vmem>>
    %dma_start3A_82 = tpu.memref_squeeze %dma_start3A_81 : memref<1x128x128xf32, #tpu.memory_space<vmem>> -> memref<128x128xf32, #tpu.memory_space<vmem>>
    %dma_start3A_83 = arith.constant 0 : i32
    %dma_start3A_84 = tpu.memref_slice %arg7[%dma_start3A_77, %dma_start3A_83] : memref<4x128xi32, #tpu.memory_space<vmem>> -> memref<1x128xi32, #tpu.memory_space<vmem>>
    %dma_start3A_85 = tpu.memref_squeeze %dma_start3A_84 : memref<1x128xi32, #tpu.memory_space<vmem>> -> memref<128xi32, #tpu.memory_space<vmem>>
    %dma_start3A_86 = arith.constant 0 : i32
    %dma_start3A_87 = arith.constant 0 : i32
    %dma_start3A_88 = tpu.memref_slice %arg2[%dma_start3A_86, %dma_start3A_87] : memref<20000x128xf32, #tpu.memory_space<hbm>> -> memref<20000x128xf32, #tpu.memory_space<hbm>>
    tpu.enqueue_indirect_dma source(%dma_start3A_88 : memref<20000x128xf32, #tpu.memory_space<hbm>>) target(%dma_start3A_82 : memref<128x128xf32, #tpu.memory_space<vmem>>) offsets(%dma_start3A_85 : memref<128xi32, #tpu.memory_space<vmem>>) semaphore(%arg14 : memref<!tpu.dma_semaphore, #tpu.memory_space<semaphore_mem>>)
    %scan3A = arith.constant 0 : i32
    %scan3A_89 = arith.constant 0 : i32
    %scan3A_90 = arith.constant 20 : i32
    %scan3A_91 = arith.addi %scan3A_89, %scan3A_90 : i32
    %scan3A_92 = arith.constant 1 : i32
    scf.for %scan3A_95 = %scan3A_89 to %scan3A_91 step %scan3A_92  : i32 {
      %dma_wait3A_96 = arith.constant 0 : i32
      %dma_wait3A_97 = arith.constant 0 : i32
      %dma_wait3A_98 = arith.constant 0 : i32
      %dma_wait3A_99 = arith.constant 0 : i32
      %dma_wait3A_100 = tpu.memref_slice %arg11[%dma_wait3A_97, %dma_wait3A_98, %dma_wait3A_99] : memref<2x128x128xf32, #tpu.memory_space<vmem>> -> memref<1x128x128xf32, #tpu.memory_space<vmem>>
      %dma_wait3A_101 = tpu.memref_squeeze %dma_wait3A_100 : memref<1x128x128xf32, #tpu.memory_space<vmem>> -> memref<128x128xf32, #tpu.memory_space<vmem>>
      %dma_wait3A_102 = arith.constant 0 : i32
      %dma_wait3A_103 = tpu.memref_slice %arg7[%dma_wait3A_96, %dma_wait3A_102] : memref<4x128xi32, #tpu.memory_space<vmem>> -> memref<1x128xi32, #tpu.memory_space<vmem>>
      %dma_wait3A_104 = tpu.memref_squeeze %dma_wait3A_103 : memref<1x128xi32, #tpu.memory_space<vmem>> -> memref<128xi32, #tpu.memory_space<vmem>>
      %dma_wait3A_105 = arith.constant 0 : i32
      %dma_wait3A_106 = arith.constant 0 : i32
      %dma_wait3A_107 = tpu.memref_slice %arg2[%dma_wait3A_105, %dma_wait3A_106] : memref<20000x128xf32, #tpu.memory_space<hbm>> -> memref<20000x128xf32, #tpu.memory_space<hbm>>
      tpu.wait_indirect_dma semaphore(%arg13 : memref<!tpu.dma_semaphore, #tpu.memory_space<semaphore_mem>>) src(%dma_wait3A_107 : memref<20000x128xf32, #tpu.memory_space<hbm>>) dst(%dma_wait3A_101 : memref<128x128xf32, #tpu.memory_space<vmem>>)
      %dma_start3A_108 = arith.constant 0 : i32
      %dma_start3A_109 = arith.constant 0 : i32
      %dma_start3A_110 = arith.constant 0 : i32
      %dma_start3A_111 = arith.constant 0 : i32
      %dma_start3A_112 = tpu.memref_slice %arg11[%dma_start3A_108, %dma_start3A_110, %dma_start3A_111] : memref<2x128x128xf32, #tpu.memory_space<vmem>> -> memref<1x128x128xf32, #tpu.memory_space<vmem>>
      %dma_start3A_113 = tpu.memref_squeeze %dma_start3A_112 : memref<1x128x128xf32, #tpu.memory_space<vmem>> -> memref<128x128xf32, #tpu.memory_space<vmem>>
      %dma_start3A_114 = arith.constant 0 : i32
      %dma_start3A_115 = tpu.memref_slice %arg8[%dma_start3A_109, %dma_start3A_114] : memref<4x128xi32, #tpu.memory_space<vmem>> -> memref<1x128xi32, #tpu.memory_space<vmem>>
      %dma_start3A_116 = tpu.memref_squeeze %dma_start3A_115 : memref<1x128xi32, #tpu.memory_space<vmem>> -> memref<128xi32, #tpu.memory_space<vmem>>
      %dma_start3A_117 = arith.constant 0 : i32
      %dma_start3A_118 = arith.constant 0 : i32
      %dma_start3A_119 = tpu.memref_slice %arg12[%dma_start3A_117, %dma_start3A_118] : memref<10112x128xf32, #tpu.memory_space<vmem_shared>> -> memref<10112x128xf32, #tpu.memory_space<vmem_shared>>
      tpu.enqueue_indirect_dma source(%dma_start3A_113 : memref<128x128xf32, #tpu.memory_space<vmem>>) target(%dma_start3A_119 : memref<10112x128xf32, #tpu.memory_space<vmem_shared>>) offsets(%dma_start3A_116 : memref<128xi32, #tpu.memory_space<vmem>>) semaphore(%arg15 : memref<!tpu.dma_semaphore, #tpu.memory_space<semaphore_mem>>) {add = true}
      %dma_wait3A_120 = arith.constant 0 : i32
      %dma_wait3A_121 = arith.constant 0 : i32
      %dma_wait3A_122 = arith.constant 0 : i32
      %dma_wait3A_123 = arith.constant 0 : i32
      %dma_wait3A_124 = tpu.memref_slice %arg11[%dma_wait3A_120, %dma_wait3A_122, %dma_wait3A_123] : memref<2x128x128xf32, #tpu.memory_space<vmem>> -> memref<1x128x128xf32, #tpu.memory_space<vmem>>
      %dma_wait3A_125 = tpu.memref_squeeze %dma_wait3A_124 : memref<1x128x128xf32, #tpu.memory_space<vmem>> -> memref<128x128xf32, #tpu.memory_space<vmem>>
      %dma_wait3A_126 = arith.constant 0 : i32
      %dma_wait3A_127 = tpu.memref_slice %arg8[%dma_wait3A_121, %dma_wait3A_126] : memref<4x128xi32, #tpu.memory_space<vmem>> -> memref<1x128xi32, #tpu.memory_space<vmem>>
      %dma_wait3A_128 = tpu.memref_squeeze %dma_wait3A_127 : memref<1x128xi32, #tpu.memory_space<vmem>> -> memref<128xi32, #tpu.memory_space<vmem>>
      %dma_wait3A_129 = arith.constant 0 : i32
      %dma_wait3A_130 = arith.constant 0 : i32
      %dma_wait3A_131 = tpu.memref_slice %arg12[%dma_wait3A_129, %dma_wait3A_130] : memref<10112x128xf32, #tpu.memory_space<vmem_shared>> -> memref<10112x128xf32, #tpu.memory_space<vmem_shared>>
      tpu.wait_indirect_dma semaphore(%arg15 : memref<!tpu.dma_semaphore, #tpu.memory_space<semaphore_mem>>) src(%dma_wait3A_125 : memref<128x128xf32, #tpu.memory_space<vmem>>) dst(%dma_wait3A_131 : memref<10112x128xf32, #tpu.memory_space<vmem_shared>>)
      %dma_start3A_132 = arith.constant 2 : i32
      %dma_start3A_133 = arith.constant 0 : i32
      %dma_start3A_134 = arith.constant 0 : i32
      %dma_start3A_135 = arith.constant 0 : i32
      %dma_start3A_136 = tpu.memref_slice %arg11[%dma_start3A_133, %dma_start3A_134, %dma_start3A_135] : memref<2x128x128xf32, #tpu.memory_space<vmem>> -> memref<1x128x128xf32, #tpu.memory_space<vmem>>
      %dma_start3A_137 = tpu.memref_squeeze %dma_start3A_136 : memref<1x128x128xf32, #tpu.memory_space<vmem>> -> memref<128x128xf32, #tpu.memory_space<vmem>>
      %dma_start3A_138 = arith.constant 0 : i32
      %dma_start3A_139 = tpu.memref_slice %arg7[%dma_start3A_132, %dma_start3A_138] : memref<4x128xi32, #tpu.memory_space<vmem>> -> memref<1x128xi32, #tpu.memory_space<vmem>>
      %dma_start3A_140 = tpu.memref_squeeze %dma_start3A_139 : memref<1x128xi32, #tpu.memory_space<vmem>> -> memref<128xi32, #tpu.memory_space<vmem>>
      %dma_start3A_141 = arith.constant 0 : i32
      %dma_start3A_142 = arith.constant 0 : i32
      %dma_start3A_143 = tpu.memref_slice %arg2[%dma_start3A_141, %dma_start3A_142] : memref<20000x128xf32, #tpu.memory_space<hbm>> -> memref<20000x128xf32, #tpu.memory_space<hbm>>
      tpu.enqueue_indirect_dma source(%dma_start3A_143 : memref<20000x128xf32, #tpu.memory_space<hbm>>) target(%dma_start3A_137 : memref<128x128xf32, #tpu.memory_space<vmem>>) offsets(%dma_start3A_140 : memref<128xi32, #tpu.memory_space<vmem>>) semaphore(%arg13 : memref<!tpu.dma_semaphore, #tpu.memory_space<semaphore_mem>>)
      %dma_wait3A_144 = arith.constant 1 : i32
      %dma_wait3A_145 = arith.constant 1 : i32
      %dma_wait3A_146 = arith.constant 0 : i32
      %dma_wait3A_147 = arith.constant 0 : i32
      %dma_wait3A_148 = tpu.memref_slice %arg11[%dma_wait3A_145, %dma_wait3A_146, %dma_wait3A_147] : memref<2x128x128xf32, #tpu.memory_space<vmem>> -> memref<1x128x128xf32, #tpu.memory_space<vmem>>
      %dma_wait3A_149 = tpu.memref_squeeze %dma_wait3A_148 : memref<1x128x128xf32, #tpu.memory_space<vmem>> -> memref<128x128xf32, #tpu.memory_space<vmem>>
      %dma_wait3A_150 = arith.constant 0 : i32
      %dma_wait3A_151 = tpu.memref_slice %arg7[%dma_wait3A_144, %dma_wait3A_150] : memref<4x128xi32, #tpu.memory_space<vmem>> -> memref<1x128xi32, #tpu.memory_space<vmem>>
      %dma_wait3A_152 = tpu.memref_squeeze %dma_wait3A_151 : memref<1x128xi32, #tpu.memory_space<vmem>> -> memref<128xi32, #tpu.memory_space<vmem>>
      %dma_wait3A_153 = arith.constant 0 : i32
      %dma_wait3A_154 = arith.constant 0 : i32
      %dma_wait3A_155 = tpu.memref_slice %arg2[%dma_wait3A_153, %dma_wait3A_154] : memref<20000x128xf32, #tpu.memory_space<hbm>> -> memref<20000x128xf32, #tpu.memory_space<hbm>>
      tpu.wait_indirect_dma semaphore(%arg14 : memref<!tpu.dma_semaphore, #tpu.memory_space<semaphore_mem>>) src(%dma_wait3A_155 : memref<20000x128xf32, #tpu.memory_space<hbm>>) dst(%dma_wait3A_149 : memref<128x128xf32, #tpu.memory_space<vmem>>)
      %dma_start3A_156 = arith.constant 1 : i32
      %dma_start3A_157 = arith.constant 1 : i32
      %dma_start3A_158 = arith.constant 0 : i32
      %dma_start3A_159 = arith.constant 0 : i32
      %dma_start3A_160 = tpu.memref_slice %arg11[%dma_start3A_156, %dma_start3A_158, %dma_start3A_159] : memref<2x128x128xf32, #tpu.memory_space<vmem>> -> memref<1x128x128xf32, #tpu.memory_space<vmem>>
      %dma_start3A_161 = tpu.memref_squeeze %dma_start3A_160 : memref<1x128x128xf32, #tpu.memory_space<vmem>> -> memref<128x128xf32, #tpu.memory_space<vmem>>
      %dma_start3A_162 = arith.constant 0 : i32
      %dma_start3A_163 = tpu.memref_slice %arg8[%dma_start3A_157, %dma_start3A_162] : memref<4x128xi32, #tpu.memory_space<vmem>> -> memref<1x128xi32, #tpu.memory_space<vmem>>
      %dma_start3A_164 = tpu.memref_squeeze %dma_start3A_163 : memref<1x128xi32, #tpu.memory_space<vmem>> -> memref<128xi32, #tpu.memory_space<vmem>>
      %dma_start3A_165 = arith.constant 0 : i32
      %dma_start3A_166 = arith.constant 0 : i32
      %dma_start3A_167 = tpu.memref_slice %arg12[%dma_start3A_165, %dma_start3A_166] : memref<10112x128xf32, #tpu.memory_space<vmem_shared>> -> memref<10112x128xf32, #tpu.memory_space<vmem_shared>>
      tpu.enqueue_indirect_dma source(%dma_start3A_161 : memref<128x128xf32, #tpu.memory_space<vmem>>) target(%dma_start3A_167 : memref<10112x128xf32, #tpu.memory_space<vmem_shared>>) offsets(%dma_start3A_164 : memref<128xi32, #tpu.memory_space<vmem>>) semaphore(%arg16 : memref<!tpu.dma_semaphore, #tpu.memory_space<semaphore_mem>>) {add = true}
      %dma_wait3A_168 = arith.constant 1 : i32
      %dma_wait3A_169 = arith.constant 1 : i32
      %dma_wait3A_170 = arith.constant 0 : i32
      %dma_wait3A_171 = arith.constant 0 : i32
      %dma_wait3A_172 = tpu.memref_slice %arg11[%dma_wait3A_168, %dma_wait3A_170, %dma_wait3A_171] : memref<2x128x128xf32, #tpu.memory_space<vmem>> -> memref<1x128x128xf32, #tpu.memory_space<vmem>>
      %dma_wait3A_173 = tpu.memref_squeeze %dma_wait3A_172 : memref<1x128x128xf32, #tpu.memory_space<vmem>> -> memref<128x128xf32, #tpu.memory_space<vmem>>
      %dma_wait3A_174 = arith.constant 0 : i32
      %dma_wait3A_175 = tpu.memref_slice %arg8[%dma_wait3A_169, %dma_wait3A_174] : memref<4x128xi32, #tpu.memory_space<vmem>> -> memref<1x128xi32, #tpu.memory_space<vmem>>
      %dma_wait3A_176 = tpu.memref_squeeze %dma_wait3A_175 : memref<1x128xi32, #tpu.memory_space<vmem>> -> memref<128xi32, #tpu.memory_space<vmem>>
      %dma_wait3A_177 = arith.constant 0 : i32
      %dma_wait3A_178 = arith.constant 0 : i32
      %dma_wait3A_179 = tpu.memref_slice %arg12[%dma_wait3A_177, %dma_wait3A_178] : memref<10112x128xf32, #tpu.memory_space<vmem_shared>> -> memref<10112x128xf32, #tpu.memory_space<vmem_shared>>
      tpu.wait_indirect_dma semaphore(%arg16 : memref<!tpu.dma_semaphore, #tpu.memory_space<semaphore_mem>>) src(%dma_wait3A_173 : memref<128x128xf32, #tpu.memory_space<vmem>>) dst(%dma_wait3A_179 : memref<10112x128xf32, #tpu.memory_space<vmem_shared>>)
      %dma_start3A_180 = arith.constant 3 : i32
      %dma_start3A_181 = arith.constant 1 : i32
      %dma_start3A_182 = arith.constant 0 : i32
      %dma_start3A_183 = arith.constant 0 : i32
      %dma_start3A_184 = tpu.memref_slice %arg11[%dma_start3A_181, %dma_start3A_182, %dma_start3A_183] : memref<2x128x128xf32, #tpu.memory_space<vmem>> -> memref<1x128x128xf32, #tpu.memory_space<vmem>>
      %dma_start3A_185 = tpu.memref_squeeze %dma_start3A_184 : memref<1x128x128xf32, #tpu.memory_space<vmem>> -> memref<128x128xf32, #tpu.memory_space<vmem>>
      %dma_start3A_186 = arith.constant 0 : i32
      %dma_start3A_187 = tpu.memref_slice %arg7[%dma_start3A_180, %dma_start3A_186] : memref<4x128xi32, #tpu.memory_space<vmem>> -> memref<1x128xi32, #tpu.memory_space<vmem>>
      %dma_start3A_188 = tpu.memref_squeeze %dma_start3A_187 : memref<1x128xi32, #tpu.memory_space<vmem>> -> memref<128xi32, #tpu.memory_space<vmem>>
      %dma_start3A_189 = arith.constant 0 : i32
      %dma_start3A_190 = arith.constant 0 : i32
      %dma_start3A_191 = tpu.memref_slice %arg2[%dma_start3A_189, %dma_start3A_190] : memref<20000x128xf32, #tpu.memory_space<hbm>> -> memref<20000x128xf32, #tpu.memory_space<hbm>>
      tpu.enqueue_indirect_dma source(%dma_start3A_191 : memref<20000x128xf32, #tpu.memory_space<hbm>>) target(%dma_start3A_185 : memref<128x128xf32, #tpu.memory_space<vmem>>) offsets(%dma_start3A_188 : memref<128xi32, #tpu.memory_space<vmem>>) semaphore(%arg14 : memref<!tpu.dma_semaphore, #tpu.memory_space<semaphore_mem>>)
      %dma_wait3A_192 = arith.constant 2 : i32
      %dma_wait3A_193 = arith.constant 0 : i32
      %dma_wait3A_194 = arith.constant 0 : i32
      %dma_wait3A_195 = arith.constant 0 : i32
      %dma_wait3A_196 = tpu.memref_slice %arg11[%dma_wait3A_193, %dma_wait3A_194, %dma_wait3A_195] : memref<2x128x128xf32, #tpu.memory_space<vmem>> -> memref<1x128x128xf32, #tpu.memory_space<vmem>>
      %dma_wait3A_197 = tpu.memref_squeeze %dma_wait3A_196 : memref<1x128x128xf32, #tpu.memory_space<vmem>> -> memref<128x128xf32, #tpu.memory_space<vmem>>
      %dma_wait3A_198 = arith.constant 0 : i32
      %dma_wait3A_199 = tpu.memref_slice %arg7[%dma_wait3A_192, %dma_wait3A_198] : memref<4x128xi32, #tpu.memory_space<vmem>> -> memref<1x128xi32, #tpu.memory_space<vmem>>
      %dma_wait3A_200 = tpu.memref_squeeze %dma_wait3A_199 : memref<1x128xi32, #tpu.memory_space<vmem>> -> memref<128xi32, #tpu.memory_space<vmem>>
      %dma_wait3A_201 = arith.constant 0 : i32
      %dma_wait3A_202 = arith.constant 0 : i32
      %dma_wait3A_203 = tpu.memref_slice %arg2[%dma_wait3A_201, %dma_wait3A_202] : memref<20000x128xf32, #tpu.memory_space<hbm>> -> memref<20000x128xf32, #tpu.memory_space<hbm>>
      tpu.wait_indirect_dma semaphore(%arg13 : memref<!tpu.dma_semaphore, #tpu.memory_space<semaphore_mem>>) src(%dma_wait3A_203 : memref<20000x128xf32, #tpu.memory_space<hbm>>) dst(%dma_wait3A_197 : memref<128x128xf32, #tpu.memory_space<vmem>>)
      %dma_start3A_204 = arith.constant 0 : i32
      %dma_start3A_205 = arith.constant 2 : i32
      %dma_start3A_206 = arith.constant 0 : i32
      %dma_start3A_207 = arith.constant 0 : i32
      %dma_start3A_208 = tpu.memref_slice %arg11[%dma_start3A_204, %dma_start3A_206, %dma_start3A_207] : memref<2x128x128xf32, #tpu.memory_space<vmem>> -> memref<1x128x128xf32, #tpu.memory_space<vmem>>
      %dma_start3A_209 = tpu.memref_squeeze %dma_start3A_208 : memref<1x128x128xf32, #tpu.memory_space<vmem>> -> memref<128x128xf32, #tpu.memory_space<vmem>>
      %dma_start3A_210 = arith.constant 0 : i32
      %dma_start3A_211 = tpu.memref_slice %arg8[%dma_start3A_205, %dma_start3A_210] : memref<4x128xi32, #tpu.memory_space<vmem>> -> memref<1x128xi32, #tpu.memory_space<vmem>>
      %dma_start3A_212 = tpu.memref_squeeze %dma_start3A_211 : memref<1x128xi32, #tpu.memory_space<vmem>> -> memref<128xi32, #tpu.memory_space<vmem>>
      %dma_start3A_213 = arith.constant 0 : i32
      %dma_start3A_214 = arith.constant 0 : i32
      %dma_start3A_215 = tpu.memref_slice %arg12[%dma_start3A_213, %dma_start3A_214] : memref<10112x128xf32, #tpu.memory_space<vmem_shared>> -> memref<10112x128xf32, #tpu.memory_space<vmem_shared>>
      tpu.enqueue_indirect_dma source(%dma_start3A_209 : memref<128x128xf32, #tpu.memory_space<vmem>>) target(%dma_start3A_215 : memref<10112x128xf32, #tpu.memory_space<vmem_shared>>) offsets(%dma_start3A_212 : memref<128xi32, #tpu.memory_space<vmem>>) semaphore(%arg15 : memref<!tpu.dma_semaphore, #tpu.memory_space<semaphore_mem>>) {add = true}
      %dma_wait3A_216 = arith.constant 0 : i32
      %dma_wait3A_217 = arith.constant 2 : i32
      %dma_wait3A_218 = arith.constant 0 : i32
      %dma_wait3A_219 = arith.constant 0 : i32
      %dma_wait3A_220 = tpu.memref_slice %arg11[%dma_wait3A_216, %dma_wait3A_218, %dma_wait3A_219] : memref<2x128x128xf32, #tpu.memory_space<vmem>> -> memref<1x128x128xf32, #tpu.memory_space<vmem>>
      %dma_wait3A_221 = tpu.memref_squeeze %dma_wait3A_220 : memref<1x128x128xf32, #tpu.memory_space<vmem>> -> memref<128x128xf32, #tpu.memory_space<vmem>>
      %dma_wait3A_222 = arith.constant 0 : i32
      %dma_wait3A_223 = tpu.memref_slice %arg8[%dma_wait3A_217, %dma_wait3A_222] : memref<4x128xi32, #tpu.memory_space<vmem>> -> memref<1x128xi32, #tpu.memory_space<vmem>>
      %dma_wait3A_224 = tpu.memref_squeeze %dma_wait3A_223 : memref<1x128xi32, #tpu.memory_space<vmem>> -> memref<128xi32, #tpu.memory_space<vmem>>
      %dma_wait3A_225 = arith.constant 0 : i32
      %dma_wait3A_226 = arith.constant 0 : i32
      %dma_wait3A_227 = tpu.memref_slice %arg12[%dma_wait3A_225, %dma_wait3A_226] : memref<10112x128xf32, #tpu.memory_space<vmem_shared>> -> memref<10112x128xf32, #tpu.memory_space<vmem_shared>>
      tpu.wait_indirect_dma semaphore(%arg15 : memref<!tpu.dma_semaphore, #tpu.memory_space<semaphore_mem>>) src(%dma_wait3A_221 : memref<128x128xf32, #tpu.memory_space<vmem>>) dst(%dma_wait3A_227 : memref<10112x128xf32, #tpu.memory_space<vmem_shared>>)
      %gt3A = arith.constant 0 : i32
      %gt3A_228 = arith.cmpi sgt, %scan3A_95, %gt3A : i32
      %convert_element_type3A = arith.extui %gt3A_228 : i1 to i32
      %cond3A = arith.constant 0 : i32
      %cond3A_229 = arith.cmpi ne, %convert_element_type3A, %cond3A : i32
      scf.if %cond3A_229 {
        %mul3A_477 = arith.constant 2 : i32
        %mul3A_478 = arith.muli %mul3A_477, %scan3A_95 : i32
        %add3A_479 = arith.constant 1 : i32
        %add3A_480 = arith.addi %mul3A_478, %add3A_479 : i32
        %mul3A_481 = arith.constant 4 : i32
        %mul3A_482 = arith.muli %add3A_480, %mul3A_481 : i32
        %dma_wait3A_483 = arith.constant 0 : i32
        %dma_wait3A_484 = tpu.memref_slice %arg3[%add3A, %mul3A_482, %dma_wait3A_483] : memref<32x160x128xi32, #tpu.memory_space<hbm>> -> memref<1x4x128xi32, #tpu.memory_space<hbm>>
        %dma_wait3A_485 = tpu.memref_squeeze %dma_wait3A_484 : memref<1x4x128xi32, #tpu.memory_space<hbm>> -> memref<4x128xi32, #tpu.memory_space<hbm>>
        %dma_wait3A_486 = arith.constant 0 : i32
        %dma_wait3A_487 = tpu.memref_slice %arg3[%add3A, %mul3A_482, %dma_wait3A_486] : memref<32x160x128xi32, #tpu.memory_space<hbm>> -> memref<1x4x128xi32, #tpu.memory_space<hbm>>
        %dma_wait3A_488 = tpu.memref_squeeze %dma_wait3A_487 : memref<1x4x128xi32, #tpu.memory_space<hbm>> -> memref<4x128xi32, #tpu.memory_space<hbm>>
        tpu.wait_dma2 semaphore(%arg18 : memref<!tpu.dma_semaphore, #tpu.memory_space<semaphore_mem>>) src(%dma_wait3A_488 : memref<4x128xi32, #tpu.memory_space<hbm>>) dst(%arg9 : memref<4x128xi32, #tpu.memory_space<vmem>>)
        %mul3A_489 = arith.constant 2 : i32
        %mul3A_490 = arith.muli %mul3A_489, %scan3A_95 : i32
        %add3A_491 = arith.constant 1 : i32
        %add3A_492 = arith.addi %mul3A_490, %add3A_491 : i32
        %mul3A_493 = arith.constant 4 : i32
        %mul3A_494 = arith.muli %add3A_492, %mul3A_493 : i32
        %dma_wait3A_495 = arith.constant 0 : i32
        %dma_wait3A_496 = tpu.memref_slice %arg4[%add3A, %mul3A_494, %dma_wait3A_495] : memref<32x160x128xi32, #tpu.memory_space<hbm>> -> memref<1x4x128xi32, #tpu.memory_space<hbm>>
        %dma_wait3A_497 = tpu.memref_squeeze %dma_wait3A_496 : memref<1x4x128xi32, #tpu.memory_space<hbm>> -> memref<4x128xi32, #tpu.memory_space<hbm>>
        %dma_wait3A_498 = arith.constant 0 : i32
        %dma_wait3A_499 = tpu.memref_slice %arg4[%add3A, %mul3A_494, %dma_wait3A_498] : memref<32x160x128xi32, #tpu.memory_space<hbm>> -> memref<1x4x128xi32, #tpu.memory_space<hbm>>
        %dma_wait3A_500 = tpu.memref_squeeze %dma_wait3A_499 : memref<1x4x128xi32, #tpu.memory_space<hbm>> -> memref<4x128xi32, #tpu.memory_space<hbm>>
        tpu.wait_dma2 semaphore(%arg18 : memref<!tpu.dma_semaphore, #tpu.memory_space<semaphore_mem>>) src(%dma_wait3A_500 : memref<4x128xi32, #tpu.memory_space<hbm>>) dst(%arg10 : memref<4x128xi32, #tpu.memory_space<vmem>>)
      } else {
      }
      %dma_start3A_230 = arith.constant 0 : i32
      %dma_start3A_231 = arith.constant 0 : i32
      %dma_start3A_232 = arith.constant 0 : i32
      %dma_start3A_233 = arith.constant 0 : i32
      %dma_start3A_234 = tpu.memref_slice %arg11[%dma_start3A_231, %dma_start3A_232, %dma_start3A_233] : memref<2x128x128xf32, #tpu.memory_space<vmem>> -> memref<1x128x128xf32, #tpu.memory_space<vmem>>
      %dma_start3A_235 = tpu.memref_squeeze %dma_start3A_234 : memref<1x128x128xf32, #tpu.memory_space<vmem>> -> memref<128x128xf32, #tpu.memory_space<vmem>>
      %dma_start3A_236 = arith.constant 0 : i32
      %dma_start3A_237 = tpu.memref_slice %arg9[%dma_start3A_230, %dma_start3A_236] : memref<4x128xi32, #tpu.memory_space<vmem>> -> memref<1x128xi32, #tpu.memory_space<vmem>>
      %dma_start3A_238 = tpu.memref_squeeze %dma_start3A_237 : memref<1x128xi32, #tpu.memory_space<vmem>> -> memref<128xi32, #tpu.memory_space<vmem>>
      %dma_start3A_239 = arith.constant 0 : i32
      %dma_start3A_240 = arith.constant 0 : i32
      %dma_start3A_241 = tpu.memref_slice %arg2[%dma_start3A_239, %dma_start3A_240] : memref<20000x128xf32, #tpu.memory_space<hbm>> -> memref<20000x128xf32, #tpu.memory_space<hbm>>
      tpu.enqueue_indirect_dma source(%dma_start3A_241 : memref<20000x128xf32, #tpu.memory_space<hbm>>) target(%dma_start3A_235 : memref<128x128xf32, #tpu.memory_space<vmem>>) offsets(%dma_start3A_238 : memref<128xi32, #tpu.memory_space<vmem>>) semaphore(%arg13 : memref<!tpu.dma_semaphore, #tpu.memory_space<semaphore_mem>>)
      %dma_wait3A_242 = arith.constant 3 : i32
      %dma_wait3A_243 = arith.constant 1 : i32
      %dma_wait3A_244 = arith.constant 0 : i32
      %dma_wait3A_245 = arith.constant 0 : i32
      %dma_wait3A_246 = tpu.memref_slice %arg11[%dma_wait3A_243, %dma_wait3A_244, %dma_wait3A_245] : memref<2x128x128xf32, #tpu.memory_space<vmem>> -> memref<1x128x128xf32, #tpu.memory_space<vmem>>
      %dma_wait3A_247 = tpu.memref_squeeze %dma_wait3A_246 : memref<1x128x128xf32, #tpu.memory_space<vmem>> -> memref<128x128xf32, #tpu.memory_space<vmem>>
      %dma_wait3A_248 = arith.constant 0 : i32
      %dma_wait3A_249 = tpu.memref_slice %arg7[%dma_wait3A_242, %dma_wait3A_248] : memref<4x128xi32, #tpu.memory_space<vmem>> -> memref<1x128xi32, #tpu.memory_space<vmem>>
      %dma_wait3A_250 = tpu.memref_squeeze %dma_wait3A_249 : memref<1x128xi32, #tpu.memory_space<vmem>> -> memref<128xi32, #tpu.memory_space<vmem>>
      %dma_wait3A_251 = arith.constant 0 : i32
      %dma_wait3A_252 = arith.constant 0 : i32
      %dma_wait3A_253 = tpu.memref_slice %arg2[%dma_wait3A_251, %dma_wait3A_252] : memref<20000x128xf32, #tpu.memory_space<hbm>> -> memref<20000x128xf32, #tpu.memory_space<hbm>>
      tpu.wait_indirect_dma semaphore(%arg14 : memref<!tpu.dma_semaphore, #tpu.memory_space<semaphore_mem>>) src(%dma_wait3A_253 : memref<20000x128xf32, #tpu.memory_space<hbm>>) dst(%dma_wait3A_247 : memref<128x128xf32, #tpu.memory_space<vmem>>)
      %dma_start3A_254 = arith.constant 1 : i32
      %dma_start3A_255 = arith.constant 3 : i32
      %dma_start3A_256 = arith.constant 0 : i32
      %dma_start3A_257 = arith.constant 0 : i32
      %dma_start3A_258 = tpu.memref_slice %arg11[%dma_start3A_254, %dma_start3A_256, %dma_start3A_257] : memref<2x128x128xf32, #tpu.memory_space<vmem>> -> memref<1x128x128xf32, #tpu.memory_space<vmem>>
      %dma_start3A_259 = tpu.memref_squeeze %dma_start3A_258 : memref<1x128x128xf32, #tpu.memory_space<vmem>> -> memref<128x128xf32, #tpu.memory_space<vmem>>
      %dma_start3A_260 = arith.constant 0 : i32
      %dma_start3A_261 = tpu.memref_slice %arg8[%dma_start3A_255, %dma_start3A_260] : memref<4x128xi32, #tpu.memory_space<vmem>> -> memref<1x128xi32, #tpu.memory_space<vmem>>
      %dma_start3A_262 = tpu.memref_squeeze %dma_start3A_261 : memref<1x128xi32, #tpu.memory_space<vmem>> -> memref<128xi32, #tpu.memory_space<vmem>>
      %dma_start3A_263 = arith.constant 0 : i32
      %dma_start3A_264 = arith.constant 0 : i32
      %dma_start3A_265 = tpu.memref_slice %arg12[%dma_start3A_263, %dma_start3A_264] : memref<10112x128xf32, #tpu.memory_space<vmem_shared>> -> memref<10112x128xf32, #tpu.memory_space<vmem_shared>>
      tpu.enqueue_indirect_dma source(%dma_start3A_259 : memref<128x128xf32, #tpu.memory_space<vmem>>) target(%dma_start3A_265 : memref<10112x128xf32, #tpu.memory_space<vmem_shared>>) offsets(%dma_start3A_262 : memref<128xi32, #tpu.memory_space<vmem>>) semaphore(%arg16 : memref<!tpu.dma_semaphore, #tpu.memory_space<semaphore_mem>>) {add = true}
      %dma_wait3A_266 = arith.constant 1 : i32
      %dma_wait3A_267 = arith.constant 3 : i32
      %dma_wait3A_268 = arith.constant 0 : i32
      %dma_wait3A_269 = arith.constant 0 : i32
      %dma_wait3A_270 = tpu.memref_slice %arg11[%dma_wait3A_266, %dma_wait3A_268, %dma_wait3A_269] : memref<2x128x128xf32, #tpu.memory_space<vmem>> -> memref<1x128x128xf32, #tpu.memory_space<vmem>>
      %dma_wait3A_271 = tpu.memref_squeeze %dma_wait3A_270 : memref<1x128x128xf32, #tpu.memory_space<vmem>> -> memref<128x128xf32, #tpu.memory_space<vmem>>
      %dma_wait3A_272 = arith.constant 0 : i32
      %dma_wait3A_273 = tpu.memref_slice %arg8[%dma_wait3A_267, %dma_wait3A_272] : memref<4x128xi32, #tpu.memory_space<vmem>> -> memref<1x128xi32, #tpu.memory_space<vmem>>
      %dma_wait3A_274 = tpu.memref_squeeze %dma_wait3A_273 : memref<1x128xi32, #tpu.memory_space<vmem>> -> memref<128xi32, #tpu.memory_space<vmem>>
      %dma_wait3A_275 = arith.constant 0 : i32
      %dma_wait3A_276 = arith.constant 0 : i32
      %dma_wait3A_277 = tpu.memref_slice %arg12[%dma_wait3A_275, %dma_wait3A_276] : memref<10112x128xf32, #tpu.memory_space<vmem_shared>> -> memref<10112x128xf32, #tpu.memory_space<vmem_shared>>
      tpu.wait_indirect_dma semaphore(%arg16 : memref<!tpu.dma_semaphore, #tpu.memory_space<semaphore_mem>>) src(%dma_wait3A_271 : memref<128x128xf32, #tpu.memory_space<vmem>>) dst(%dma_wait3A_277 : memref<10112x128xf32, #tpu.memory_space<vmem_shared>>)
      %lt3A = arith.constant 19 : i32
      %lt3A_278 = arith.cmpi slt, %scan3A_95, %lt3A : i32
      %convert_element_type3A_279 = arith.extui %lt3A_278 : i1 to i32
      %cond3A_280 = arith.constant 0 : i32
      %cond3A_281 = arith.cmpi ne, %convert_element_type3A_279, %cond3A_280 : i32
      scf.if %cond3A_281 {
        %mul3A_477 = arith.constant 2 : i32
        %mul3A_478 = arith.muli %mul3A_477, %scan3A_95 : i32
        %add3A_479 = arith.constant 2 : i32
        %add3A_480 = arith.addi %mul3A_478, %add3A_479 : i32
        %mul3A_481 = arith.constant 4 : i32
        %mul3A_482 = arith.muli %add3A_480, %mul3A_481 : i32
        %dma_start3A_483 = arith.constant 0 : i32
        %dma_start3A_484 = tpu.memref_slice %arg3[%add3A, %mul3A_482, %dma_start3A_483] : memref<32x160x128xi32, #tpu.memory_space<hbm>> -> memref<1x4x128xi32, #tpu.memory_space<hbm>>
        %dma_start3A_485 = tpu.memref_squeeze %dma_start3A_484 : memref<1x4x128xi32, #tpu.memory_space<hbm>> -> memref<4x128xi32, #tpu.memory_space<hbm>>
        %dma_start3A_486 = arith.constant 0 : i32
        %dma_start3A_487 = tpu.memref_slice %arg3[%add3A, %mul3A_482, %dma_start3A_486] : memref<32x160x128xi32, #tpu.memory_space<hbm>> -> memref<1x4x128xi32, #tpu.memory_space<hbm>>
        %dma_start3A_488 = tpu.memref_squeeze %dma_start3A_487 : memref<1x4x128xi32, #tpu.memory_space<hbm>> -> memref<4x128xi32, #tpu.memory_space<hbm>>
        tpu.enqueue_dma source(%dma_start3A_488 : memref<4x128xi32, #tpu.memory_space<hbm>>) target(%arg7 : memref<4x128xi32, #tpu.memory_space<vmem>>) target_semaphore(%arg17 : memref<!tpu.dma_semaphore, #tpu.memory_space<semaphore_mem>>)
        %mul3A_489 = arith.constant 2 : i32
        %mul3A_490 = arith.muli %mul3A_489, %scan3A_95 : i32
        %add3A_491 = arith.constant 2 : i32
        %add3A_492 = arith.addi %mul3A_490, %add3A_491 : i32
        %mul3A_493 = arith.constant 4 : i32
        %mul3A_494 = arith.muli %add3A_492, %mul3A_493 : i32
        %dma_start3A_495 = arith.constant 0 : i32
        %dma_start3A_496 = tpu.memref_slice %arg4[%add3A, %mul3A_494, %dma_start3A_495] : memref<32x160x128xi32, #tpu.memory_space<hbm>> -> memref<1x4x128xi32, #tpu.memory_space<hbm>>
        %dma_start3A_497 = tpu.memref_squeeze %dma_start3A_496 : memref<1x4x128xi32, #tpu.memory_space<hbm>> -> memref<4x128xi32, #tpu.memory_space<hbm>>
        %dma_start3A_498 = arith.constant 0 : i32
        %dma_start3A_499 = tpu.memref_slice %arg4[%add3A, %mul3A_494, %dma_start3A_498] : memref<32x160x128xi32, #tpu.memory_space<hbm>> -> memref<1x4x128xi32, #tpu.memory_space<hbm>>
        %dma_start3A_500 = tpu.memref_squeeze %dma_start3A_499 : memref<1x4x128xi32, #tpu.memory_space<hbm>> -> memref<4x128xi32, #tpu.memory_space<hbm>>
        tpu.enqueue_dma source(%dma_start3A_500 : memref<4x128xi32, #tpu.memory_space<hbm>>) target(%arg8 : memref<4x128xi32, #tpu.memory_space<vmem>>) target_semaphore(%arg17 : memref<!tpu.dma_semaphore, #tpu.memory_space<semaphore_mem>>)
      } else {
      }
      %dma_start3A_282 = arith.constant 1 : i32
      %dma_start3A_283 = arith.constant 1 : i32
      %dma_start3A_284 = arith.constant 0 : i32
      %dma_start3A_285 = arith.constant 0 : i32
      %dma_start3A_286 = tpu.memref_slice %arg11[%dma_start3A_283, %dma_start3A_284, %dma_start3A_285] : memref<2x128x128xf32, #tpu.memory_space<vmem>> -> memref<1x128x128xf32, #tpu.memory_space<vmem>>
      %dma_start3A_287 = tpu.memref_squeeze %dma_start3A_286 : memref<1x128x128xf32, #tpu.memory_space<vmem>> -> memref<128x128xf32, #tpu.memory_space<vmem>>
      %dma_start3A_288 = arith.constant 0 : i32
      %dma_start3A_289 = tpu.memref_slice %arg9[%dma_start3A_282, %dma_start3A_288] : memref<4x128xi32, #tpu.memory_space<vmem>> -> memref<1x128xi32, #tpu.memory_space<vmem>>
      %dma_start3A_290 = tpu.memref_squeeze %dma_start3A_289 : memref<1x128xi32, #tpu.memory_space<vmem>> -> memref<128xi32, #tpu.memory_space<vmem>>
      %dma_start3A_291 = arith.constant 0 : i32
      %dma_start3A_292 = arith.constant 0 : i32
      %dma_start3A_293 = tpu.memref_slice %arg2[%dma_start3A_291, %dma_start3A_292] : memref<20000x128xf32, #tpu.memory_space<hbm>> -> memref<20000x128xf32, #tpu.memory_space<hbm>>
      tpu.enqueue_indirect_dma source(%dma_start3A_293 : memref<20000x128xf32, #tpu.memory_space<hbm>>) target(%dma_start3A_287 : memref<128x128xf32, #tpu.memory_space<vmem>>) offsets(%dma_start3A_290 : memref<128xi32, #tpu.memory_space<vmem>>) semaphore(%arg14 : memref<!tpu.dma_semaphore, #tpu.memory_space<semaphore_mem>>)
      %dma_wait3A_294 = arith.constant 0 : i32
      %dma_wait3A_295 = arith.constant 0 : i32
      %dma_wait3A_296 = arith.constant 0 : i32
      %dma_wait3A_297 = arith.constant 0 : i32
      %dma_wait3A_298 = tpu.memref_slice %arg11[%dma_wait3A_295, %dma_wait3A_296, %dma_wait3A_297] : memref<2x128x128xf32, #tpu.memory_space<vmem>> -> memref<1x128x128xf32, #tpu.memory_space<vmem>>
      %dma_wait3A_299 = tpu.memref_squeeze %dma_wait3A_298 : memref<1x128x128xf32, #tpu.memory_space<vmem>> -> memref<128x128xf32, #tpu.memory_space<vmem>>
      %dma_wait3A_300 = arith.constant 0 : i32
      %dma_wait3A_301 = tpu.memref_slice %arg9[%dma_wait3A_294, %dma_wait3A_300] : memref<4x128xi32, #tpu.memory_space<vmem>> -> memref<1x128xi32, #tpu.memory_space<vmem>>
      %dma_wait3A_302 = tpu.memref_squeeze %dma_wait3A_301 : memref<1x128xi32, #tpu.memory_space<vmem>> -> memref<128xi32, #tpu.memory_space<vmem>>
      %dma_wait3A_303 = arith.constant 0 : i32
      %dma_wait3A_304 = arith.constant 0 : i32
      %dma_wait3A_305 = tpu.memref_slice %arg2[%dma_wait3A_303, %dma_wait3A_304] : memref<20000x128xf32, #tpu.memory_space<hbm>> -> memref<20000x128xf32, #tpu.memory_space<hbm>>
      tpu.wait_indirect_dma semaphore(%arg13 : memref<!tpu.dma_semaphore, #tpu.memory_space<semaphore_mem>>) src(%dma_wait3A_305 : memref<20000x128xf32, #tpu.memory_space<hbm>>) dst(%dma_wait3A_299 : memref<128x128xf32, #tpu.memory_space<vmem>>)
      %dma_start3A_306 = arith.constant 0 : i32
      %dma_start3A_307 = arith.constant 0 : i32
      %dma_start3A_308 = arith.constant 0 : i32
      %dma_start3A_309 = arith.constant 0 : i32
      %dma_start3A_310 = tpu.memref_slice %arg11[%dma_start3A_306, %dma_start3A_308, %dma_start3A_309] : memref<2x128x128xf32, #tpu.memory_space<vmem>> -> memref<1x128x128xf32, #tpu.memory_space<vmem>>
      %dma_start3A_311 = tpu.memref_squeeze %dma_start3A_310 : memref<1x128x128xf32, #tpu.memory_space<vmem>> -> memref<128x128xf32, #tpu.memory_space<vmem>>
      %dma_start3A_312 = arith.constant 0 : i32
      %dma_start3A_313 = tpu.memref_slice %arg10[%dma_start3A_307, %dma_start3A_312] : memref<4x128xi32, #tpu.memory_space<vmem>> -> memref<1x128xi32, #tpu.memory_space<vmem>>
      %dma_start3A_314 = tpu.memref_squeeze %dma_start3A_313 : memref<1x128xi32, #tpu.memory_space<vmem>> -> memref<128xi32, #tpu.memory_space<vmem>>
      %dma_start3A_315 = arith.constant 0 : i32
      %dma_start3A_316 = arith.constant 0 : i32
      %dma_start3A_317 = tpu.memref_slice %arg12[%dma_start3A_315, %dma_start3A_316] : memref<10112x128xf32, #tpu.memory_space<vmem_shared>> -> memref<10112x128xf32, #tpu.memory_space<vmem_shared>>
      tpu.enqueue_indirect_dma source(%dma_start3A_311 : memref<128x128xf32, #tpu.memory_space<vmem>>) target(%dma_start3A_317 : memref<10112x128xf32, #tpu.memory_space<vmem_shared>>) offsets(%dma_start3A_314 : memref<128xi32, #tpu.memory_space<vmem>>) semaphore(%arg15 : memref<!tpu.dma_semaphore, #tpu.memory_space<semaphore_mem>>) {add = true}
      %dma_wait3A_318 = arith.constant 0 : i32
      %dma_wait3A_319 = arith.constant 0 : i32
      %dma_wait3A_320 = arith.constant 0 : i32
      %dma_wait3A_321 = arith.constant 0 : i32
      %dma_wait3A_322 = tpu.memref_slice %arg11[%dma_wait3A_318, %dma_wait3A_320, %dma_wait3A_321] : memref<2x128x128xf32, #tpu.memory_space<vmem>> -> memref<1x128x128xf32, #tpu.memory_space<vmem>>
      %dma_wait3A_323 = tpu.memref_squeeze %dma_wait3A_322 : memref<1x128x128xf32, #tpu.memory_space<vmem>> -> memref<128x128xf32, #tpu.memory_space<vmem>>
      %dma_wait3A_324 = arith.constant 0 : i32
      %dma_wait3A_325 = tpu.memref_slice %arg10[%dma_wait3A_319, %dma_wait3A_324] : memref<4x128xi32, #tpu.memory_space<vmem>> -> memref<1x128xi32, #tpu.memory_space<vmem>>
      %dma_wait3A_326 = tpu.memref_squeeze %dma_wait3A_325 : memref<1x128xi32, #tpu.memory_space<vmem>> -> memref<128xi32, #tpu.memory_space<vmem>>
      %dma_wait3A_327 = arith.constant 0 : i32
      %dma_wait3A_328 = arith.constant 0 : i32
      %dma_wait3A_329 = tpu.memref_slice %arg12[%dma_wait3A_327, %dma_wait3A_328] : memref<10112x128xf32, #tpu.memory_space<vmem_shared>> -> memref<10112x128xf32, #tpu.memory_space<vmem_shared>>
      tpu.wait_indirect_dma semaphore(%arg15 : memref<!tpu.dma_semaphore, #tpu.memory_space<semaphore_mem>>) src(%dma_wait3A_323 : memref<128x128xf32, #tpu.memory_space<vmem>>) dst(%dma_wait3A_329 : memref<10112x128xf32, #tpu.memory_space<vmem_shared>>)
      %dma_start3A_330 = arith.constant 2 : i32
      %dma_start3A_331 = arith.constant 0 : i32
      %dma_start3A_332 = arith.constant 0 : i32
      %dma_start3A_333 = arith.constant 0 : i32
      %dma_start3A_334 = tpu.memref_slice %arg11[%dma_start3A_331, %dma_start3A_332, %dma_start3A_333] : memref<2x128x128xf32, #tpu.memory_space<vmem>> -> memref<1x128x128xf32, #tpu.memory_space<vmem>>
      %dma_start3A_335 = tpu.memref_squeeze %dma_start3A_334 : memref<1x128x128xf32, #tpu.memory_space<vmem>> -> memref<128x128xf32, #tpu.memory_space<vmem>>
      %dma_start3A_336 = arith.constant 0 : i32
      %dma_start3A_337 = tpu.memref_slice %arg9[%dma_start3A_330, %dma_start3A_336] : memref<4x128xi32, #tpu.memory_space<vmem>> -> memref<1x128xi32, #tpu.memory_space<vmem>>
      %dma_start3A_338 = tpu.memref_squeeze %dma_start3A_337 : memref<1x128xi32, #tpu.memory_space<vmem>> -> memref<128xi32, #tpu.memory_space<vmem>>
      %dma_start3A_339 = arith.constant 0 : i32
      %dma_start3A_340 = arith.constant 0 : i32
      %dma_start3A_341 = tpu.memref_slice %arg2[%dma_start3A_339, %dma_start3A_340] : memref<20000x128xf32, #tpu.memory_space<hbm>> -> memref<20000x128xf32, #tpu.memory_space<hbm>>
      tpu.enqueue_indirect_dma source(%dma_start3A_341 : memref<20000x128xf32, #tpu.memory_space<hbm>>) target(%dma_start3A_335 : memref<128x128xf32, #tpu.memory_space<vmem>>) offsets(%dma_start3A_338 : memref<128xi32, #tpu.memory_space<vmem>>) semaphore(%arg13 : memref<!tpu.dma_semaphore, #tpu.memory_space<semaphore_mem>>)
      %dma_wait3A_342 = arith.constant 1 : i32
      %dma_wait3A_343 = arith.constant 1 : i32
      %dma_wait3A_344 = arith.constant 0 : i32
      %dma_wait3A_345 = arith.constant 0 : i32
      %dma_wait3A_346 = tpu.memref_slice %arg11[%dma_wait3A_343, %dma_wait3A_344, %dma_wait3A_345] : memref<2x128x128xf32, #tpu.memory_space<vmem>> -> memref<1x128x128xf32, #tpu.memory_space<vmem>>
      %dma_wait3A_347 = tpu.memref_squeeze %dma_wait3A_346 : memref<1x128x128xf32, #tpu.memory_space<vmem>> -> memref<128x128xf32, #tpu.memory_space<vmem>>
      %dma_wait3A_348 = arith.constant 0 : i32
      %dma_wait3A_349 = tpu.memref_slice %arg9[%dma_wait3A_342, %dma_wait3A_348] : memref<4x128xi32, #tpu.memory_space<vmem>> -> memref<1x128xi32, #tpu.memory_space<vmem>>
      %dma_wait3A_350 = tpu.memref_squeeze %dma_wait3A_349 : memref<1x128xi32, #tpu.memory_space<vmem>> -> memref<128xi32, #tpu.memory_space<vmem>>
      %dma_wait3A_351 = arith.constant 0 : i32
      %dma_wait3A_352 = arith.constant 0 : i32
      %dma_wait3A_353 = tpu.memref_slice %arg2[%dma_wait3A_351, %dma_wait3A_352] : memref<20000x128xf32, #tpu.memory_space<hbm>> -> memref<20000x128xf32, #tpu.memory_space<hbm>>
      tpu.wait_indirect_dma semaphore(%arg14 : memref<!tpu.dma_semaphore, #tpu.memory_space<semaphore_mem>>) src(%dma_wait3A_353 : memref<20000x128xf32, #tpu.memory_space<hbm>>) dst(%dma_wait3A_347 : memref<128x128xf32, #tpu.memory_space<vmem>>)
      %dma_start3A_354 = arith.constant 1 : i32
      %dma_start3A_355 = arith.constant 1 : i32
      %dma_start3A_356 = arith.constant 0 : i32
      %dma_start3A_357 = arith.constant 0 : i32
      %dma_start3A_358 = tpu.memref_slice %arg11[%dma_start3A_354, %dma_start3A_356, %dma_start3A_357] : memref<2x128x128xf32, #tpu.memory_space<vmem>> -> memref<1x128x128xf32, #tpu.memory_space<vmem>>
      %dma_start3A_359 = tpu.memref_squeeze %dma_start3A_358 : memref<1x128x128xf32, #tpu.memory_space<vmem>> -> memref<128x128xf32, #tpu.memory_space<vmem>>
      %dma_start3A_360 = arith.constant 0 : i32
      %dma_start3A_361 = tpu.memref_slice %arg10[%dma_start3A_355, %dma_start3A_360] : memref<4x128xi32, #tpu.memory_space<vmem>> -> memref<1x128xi32, #tpu.memory_space<vmem>>
      %dma_start3A_362 = tpu.memref_squeeze %dma_start3A_361 : memref<1x128xi32, #tpu.memory_space<vmem>> -> memref<128xi32, #tpu.memory_space<vmem>>
      %dma_start3A_363 = arith.constant 0 : i32
      %dma_start3A_364 = arith.constant 0 : i32
      %dma_start3A_365 = tpu.memref_slice %arg12[%dma_start3A_363, %dma_start3A_364] : memref<10112x128xf32, #tpu.memory_space<vmem_shared>> -> memref<10112x128xf32, #tpu.memory_space<vmem_shared>>
      tpu.enqueue_indirect_dma source(%dma_start3A_359 : memref<128x128xf32, #tpu.memory_space<vmem>>) target(%dma_start3A_365 : memref<10112x128xf32, #tpu.memory_space<vmem_shared>>) offsets(%dma_start3A_362 : memref<128xi32, #tpu.memory_space<vmem>>) semaphore(%arg16 : memref<!tpu.dma_semaphore, #tpu.memory_space<semaphore_mem>>) {add = true}
      %dma_wait3A_366 = arith.constant 1 : i32
      %dma_wait3A_367 = arith.constant 1 : i32
      %dma_wait3A_368 = arith.constant 0 : i32
      %dma_wait3A_369 = arith.constant 0 : i32
      %dma_wait3A_370 = tpu.memref_slice %arg11[%dma_wait3A_366, %dma_wait3A_368, %dma_wait3A_369] : memref<2x128x128xf32, #tpu.memory_space<vmem>> -> memref<1x128x128xf32, #tpu.memory_space<vmem>>
      %dma_wait3A_371 = tpu.memref_squeeze %dma_wait3A_370 : memref<1x128x128xf32, #tpu.memory_space<vmem>> -> memref<128x128xf32, #tpu.memory_space<vmem>>
      %dma_wait3A_372 = arith.constant 0 : i32
      %dma_wait3A_373 = tpu.memref_slice %arg10[%dma_wait3A_367, %dma_wait3A_372] : memref<4x128xi32, #tpu.memory_space<vmem>> -> memref<1x128xi32, #tpu.memory_space<vmem>>
      %dma_wait3A_374 = tpu.memref_squeeze %dma_wait3A_373 : memref<1x128xi32, #tpu.memory_space<vmem>> -> memref<128xi32, #tpu.memory_space<vmem>>
      %dma_wait3A_375 = arith.constant 0 : i32
      %dma_wait3A_376 = arith.constant 0 : i32
      %dma_wait3A_377 = tpu.memref_slice %arg12[%dma_wait3A_375, %dma_wait3A_376] : memref<10112x128xf32, #tpu.memory_space<vmem_shared>> -> memref<10112x128xf32, #tpu.memory_space<vmem_shared>>
      tpu.wait_indirect_dma semaphore(%arg16 : memref<!tpu.dma_semaphore, #tpu.memory_space<semaphore_mem>>) src(%dma_wait3A_371 : memref<128x128xf32, #tpu.memory_space<vmem>>) dst(%dma_wait3A_377 : memref<10112x128xf32, #tpu.memory_space<vmem_shared>>)
      %dma_start3A_378 = arith.constant 3 : i32
      %dma_start3A_379 = arith.constant 1 : i32
      %dma_start3A_380 = arith.constant 0 : i32
      %dma_start3A_381 = arith.constant 0 : i32
      %dma_start3A_382 = tpu.memref_slice %arg11[%dma_start3A_379, %dma_start3A_380, %dma_start3A_381] : memref<2x128x128xf32, #tpu.memory_space<vmem>> -> memref<1x128x128xf32, #tpu.memory_space<vmem>>
      %dma_start3A_383 = tpu.memref_squeeze %dma_start3A_382 : memref<1x128x128xf32, #tpu.memory_space<vmem>> -> memref<128x128xf32, #tpu.memory_space<vmem>>
      %dma_start3A_384 = arith.constant 0 : i32
      %dma_start3A_385 = tpu.memref_slice %arg9[%dma_start3A_378, %dma_start3A_384] : memref<4x128xi32, #tpu.memory_space<vmem>> -> memref<1x128xi32, #tpu.memory_space<vmem>>
      %dma_start3A_386 = tpu.memref_squeeze %dma_start3A_385 : memref<1x128xi32, #tpu.memory_space<vmem>> -> memref<128xi32, #tpu.memory_space<vmem>>
      %dma_start3A_387 = arith.constant 0 : i32
      %dma_start3A_388 = arith.constant 0 : i32
      %dma_start3A_389 = tpu.memref_slice %arg2[%dma_start3A_387, %dma_start3A_388] : memref<20000x128xf32, #tpu.memory_space<hbm>> -> memref<20000x128xf32, #tpu.memory_space<hbm>>
      tpu.enqueue_indirect_dma source(%dma_start3A_389 : memref<20000x128xf32, #tpu.memory_space<hbm>>) target(%dma_start3A_383 : memref<128x128xf32, #tpu.memory_space<vmem>>) offsets(%dma_start3A_386 : memref<128xi32, #tpu.memory_space<vmem>>) semaphore(%arg14 : memref<!tpu.dma_semaphore, #tpu.memory_space<semaphore_mem>>)
      %dma_wait3A_390 = arith.constant 2 : i32
      %dma_wait3A_391 = arith.constant 0 : i32
      %dma_wait3A_392 = arith.constant 0 : i32
      %dma_wait3A_393 = arith.constant 0 : i32
      %dma_wait3A_394 = tpu.memref_slice %arg11[%dma_wait3A_391, %dma_wait3A_392, %dma_wait3A_393] : memref<2x128x128xf32, #tpu.memory_space<vmem>> -> memref<1x128x128xf32, #tpu.memory_space<vmem>>
      %dma_wait3A_395 = tpu.memref_squeeze %dma_wait3A_394 : memref<1x128x128xf32, #tpu.memory_space<vmem>> -> memref<128x128xf32, #tpu.memory_space<vmem>>
      %dma_wait3A_396 = arith.constant 0 : i32
      %dma_wait3A_397 = tpu.memref_slice %arg9[%dma_wait3A_390, %dma_wait3A_396] : memref<4x128xi32, #tpu.memory_space<vmem>> -> memref<1x128xi32, #tpu.memory_space<vmem>>
      %dma_wait3A_398 = tpu.memref_squeeze %dma_wait3A_397 : memref<1x128xi32, #tpu.memory_space<vmem>> -> memref<128xi32, #tpu.memory_space<vmem>>
      %dma_wait3A_399 = arith.constant 0 : i32
      %dma_wait3A_400 = arith.constant 0 : i32
      %dma_wait3A_401 = tpu.memref_slice %arg2[%dma_wait3A_399, %dma_wait3A_400] : memref<20000x128xf32, #tpu.memory_space<hbm>> -> memref<20000x128xf32, #tpu.memory_space<hbm>>
      tpu.wait_indirect_dma semaphore(%arg13 : memref<!tpu.dma_semaphore, #tpu.memory_space<semaphore_mem>>) src(%dma_wait3A_401 : memref<20000x128xf32, #tpu.memory_space<hbm>>) dst(%dma_wait3A_395 : memref<128x128xf32, #tpu.memory_space<vmem>>)
      %dma_start3A_402 = arith.constant 0 : i32
      %dma_start3A_403 = arith.constant 2 : i32
      %dma_start3A_404 = arith.constant 0 : i32
      %dma_start3A_405 = arith.constant 0 : i32
      %dma_start3A_406 = tpu.memref_slice %arg11[%dma_start3A_402, %dma_start3A_404, %dma_start3A_405] : memref<2x128x128xf32, #tpu.memory_space<vmem>> -> memref<1x128x128xf32, #tpu.memory_space<vmem>>
      %dma_start3A_407 = tpu.memref_squeeze %dma_start3A_406 : memref<1x128x128xf32, #tpu.memory_space<vmem>> -> memref<128x128xf32, #tpu.memory_space<vmem>>
      %dma_start3A_408 = arith.constant 0 : i32
      %dma_start3A_409 = tpu.memref_slice %arg10[%dma_start3A_403, %dma_start3A_408] : memref<4x128xi32, #tpu.memory_space<vmem>> -> memref<1x128xi32, #tpu.memory_space<vmem>>
      %dma_start3A_410 = tpu.memref_squeeze %dma_start3A_409 : memref<1x128xi32, #tpu.memory_space<vmem>> -> memref<128xi32, #tpu.memory_space<vmem>>
      %dma_start3A_411 = arith.constant 0 : i32
      %dma_start3A_412 = arith.constant 0 : i32
      %dma_start3A_413 = tpu.memref_slice %arg12[%dma_start3A_411, %dma_start3A_412] : memref<10112x128xf32, #tpu.memory_space<vmem_shared>> -> memref<10112x128xf32, #tpu.memory_space<vmem_shared>>
      tpu.enqueue_indirect_dma source(%dma_start3A_407 : memref<128x128xf32, #tpu.memory_space<vmem>>) target(%dma_start3A_413 : memref<10112x128xf32, #tpu.memory_space<vmem_shared>>) offsets(%dma_start3A_410 : memref<128xi32, #tpu.memory_space<vmem>>) semaphore(%arg15 : memref<!tpu.dma_semaphore, #tpu.memory_space<semaphore_mem>>) {add = true}
      %dma_wait3A_414 = arith.constant 0 : i32
      %dma_wait3A_415 = arith.constant 2 : i32
      %dma_wait3A_416 = arith.constant 0 : i32
      %dma_wait3A_417 = arith.constant 0 : i32
      %dma_wait3A_418 = tpu.memref_slice %arg11[%dma_wait3A_414, %dma_wait3A_416, %dma_wait3A_417] : memref<2x128x128xf32, #tpu.memory_space<vmem>> -> memref<1x128x128xf32, #tpu.memory_space<vmem>>
      %dma_wait3A_419 = tpu.memref_squeeze %dma_wait3A_418 : memref<1x128x128xf32, #tpu.memory_space<vmem>> -> memref<128x128xf32, #tpu.memory_space<vmem>>
      %dma_wait3A_420 = arith.constant 0 : i32
      %dma_wait3A_421 = tpu.memref_slice %arg10[%dma_wait3A_415, %dma_wait3A_420] : memref<4x128xi32, #tpu.memory_space<vmem>> -> memref<1x128xi32, #tpu.memory_space<vmem>>
      %dma_wait3A_422 = tpu.memref_squeeze %dma_wait3A_421 : memref<1x128xi32, #tpu.memory_space<vmem>> -> memref<128xi32, #tpu.memory_space<vmem>>
      %dma_wait3A_423 = arith.constant 0 : i32
      %dma_wait3A_424 = arith.constant 0 : i32
      %dma_wait3A_425 = tpu.memref_slice %arg12[%dma_wait3A_423, %dma_wait3A_424] : memref<10112x128xf32, #tpu.memory_space<vmem_shared>> -> memref<10112x128xf32, #tpu.memory_space<vmem_shared>>
      tpu.wait_indirect_dma semaphore(%arg15 : memref<!tpu.dma_semaphore, #tpu.memory_space<semaphore_mem>>) src(%dma_wait3A_419 : memref<128x128xf32, #tpu.memory_space<vmem>>) dst(%dma_wait3A_425 : memref<10112x128xf32, #tpu.memory_space<vmem_shared>>)
      %lt3A_426 = arith.constant 19 : i32
      %lt3A_427 = arith.cmpi slt, %scan3A_95, %lt3A_426 : i32
      %convert_element_type3A_428 = arith.extui %lt3A_427 : i1 to i32
      %cond3A_429 = arith.constant 0 : i32
      %cond3A_430 = arith.cmpi ne, %convert_element_type3A_428, %cond3A_429 : i32
      scf.if %cond3A_430 {
        %mul3A_477 = arith.constant 2 : i32
        %mul3A_478 = arith.muli %mul3A_477, %scan3A_95 : i32
        %add3A_479 = arith.constant 2 : i32
        %add3A_480 = arith.addi %mul3A_478, %add3A_479 : i32
        %mul3A_481 = arith.constant 4 : i32
        %mul3A_482 = arith.muli %add3A_480, %mul3A_481 : i32
        %dma_wait3A_483 = arith.constant 0 : i32
        %dma_wait3A_484 = tpu.memref_slice %arg3[%add3A, %mul3A_482, %dma_wait3A_483] : memref<32x160x128xi32, #tpu.memory_space<hbm>> -> memref<1x4x128xi32, #tpu.memory_space<hbm>>
        %dma_wait3A_485 = tpu.memref_squeeze %dma_wait3A_484 : memref<1x4x128xi32, #tpu.memory_space<hbm>> -> memref<4x128xi32, #tpu.memory_space<hbm>>
        %dma_wait3A_486 = arith.constant 0 : i32
        %dma_wait3A_487 = tpu.memref_slice %arg3[%add3A, %mul3A_482, %dma_wait3A_486] : memref<32x160x128xi32, #tpu.memory_space<hbm>> -> memref<1x4x128xi32, #tpu.memory_space<hbm>>
        %dma_wait3A_488 = tpu.memref_squeeze %dma_wait3A_487 : memref<1x4x128xi32, #tpu.memory_space<hbm>> -> memref<4x128xi32, #tpu.memory_space<hbm>>
        tpu.wait_dma2 semaphore(%arg17 : memref<!tpu.dma_semaphore, #tpu.memory_space<semaphore_mem>>) src(%dma_wait3A_488 : memref<4x128xi32, #tpu.memory_space<hbm>>) dst(%arg7 : memref<4x128xi32, #tpu.memory_space<vmem>>)
        %mul3A_489 = arith.constant 2 : i32
        %mul3A_490 = arith.muli %mul3A_489, %scan3A_95 : i32
        %add3A_491 = arith.constant 2 : i32
        %add3A_492 = arith.addi %mul3A_490, %add3A_491 : i32
        %mul3A_493 = arith.constant 4 : i32
        %mul3A_494 = arith.muli %add3A_492, %mul3A_493 : i32
        %dma_wait3A_495 = arith.constant 0 : i32
        %dma_wait3A_496 = tpu.memref_slice %arg4[%add3A, %mul3A_494, %dma_wait3A_495] : memref<32x160x128xi32, #tpu.memory_space<hbm>> -> memref<1x4x128xi32, #tpu.memory_space<hbm>>
        %dma_wait3A_497 = tpu.memref_squeeze %dma_wait3A_496 : memref<1x4x128xi32, #tpu.memory_space<hbm>> -> memref<4x128xi32, #tpu.memory_space<hbm>>
        %dma_wait3A_498 = arith.constant 0 : i32
        %dma_wait3A_499 = tpu.memref_slice %arg4[%add3A, %mul3A_494, %dma_wait3A_498] : memref<32x160x128xi32, #tpu.memory_space<hbm>> -> memref<1x4x128xi32, #tpu.memory_space<hbm>>
        %dma_wait3A_500 = tpu.memref_squeeze %dma_wait3A_499 : memref<1x4x128xi32, #tpu.memory_space<hbm>> -> memref<4x128xi32, #tpu.memory_space<hbm>>
        tpu.wait_dma2 semaphore(%arg17 : memref<!tpu.dma_semaphore, #tpu.memory_space<semaphore_mem>>) src(%dma_wait3A_500 : memref<4x128xi32, #tpu.memory_space<hbm>>) dst(%arg8 : memref<4x128xi32, #tpu.memory_space<vmem>>)
        %dma_start3A_501 = arith.constant 0 : i32
        %dma_start3A_502 = arith.constant 0 : i32
        %dma_start3A_503 = arith.constant 0 : i32
        %dma_start3A_504 = arith.constant 0 : i32
        %dma_start3A_505 = tpu.memref_slice %arg11[%dma_start3A_502, %dma_start3A_503, %dma_start3A_504] : memref<2x128x128xf32, #tpu.memory_space<vmem>> -> memref<1x128x128xf32, #tpu.memory_space<vmem>>
        %dma_start3A_506 = tpu.memref_squeeze %dma_start3A_505 : memref<1x128x128xf32, #tpu.memory_space<vmem>> -> memref<128x128xf32, #tpu.memory_space<vmem>>
        %dma_start3A_507 = arith.constant 0 : i32
        %dma_start3A_508 = tpu.memref_slice %arg7[%dma_start3A_501, %dma_start3A_507] : memref<4x128xi32, #tpu.memory_space<vmem>> -> memref<1x128xi32, #tpu.memory_space<vmem>>
        %dma_start3A_509 = tpu.memref_squeeze %dma_start3A_508 : memref<1x128xi32, #tpu.memory_space<vmem>> -> memref<128xi32, #tpu.memory_space<vmem>>
        %dma_start3A_510 = arith.constant 0 : i32
        %dma_start3A_511 = arith.constant 0 : i32
        %dma_start3A_512 = tpu.memref_slice %arg2[%dma_start3A_510, %dma_start3A_511] : memref<20000x128xf32, #tpu.memory_space<hbm>> -> memref<20000x128xf32, #tpu.memory_space<hbm>>
        tpu.enqueue_indirect_dma source(%dma_start3A_512 : memref<20000x128xf32, #tpu.memory_space<hbm>>) target(%dma_start3A_506 : memref<128x128xf32, #tpu.memory_space<vmem>>) offsets(%dma_start3A_509 : memref<128xi32, #tpu.memory_space<vmem>>) semaphore(%arg13 : memref<!tpu.dma_semaphore, #tpu.memory_space<semaphore_mem>>)
      } else {
      }
      %dma_wait3A_431 = arith.constant 3 : i32
      %dma_wait3A_432 = arith.constant 1 : i32
      %dma_wait3A_433 = arith.constant 0 : i32
      %dma_wait3A_434 = arith.constant 0 : i32
      %dma_wait3A_435 = tpu.memref_slice %arg11[%dma_wait3A_432, %dma_wait3A_433, %dma_wait3A_434] : memref<2x128x128xf32, #tpu.memory_space<vmem>> -> memref<1x128x128xf32, #tpu.memory_space<vmem>>
      %dma_wait3A_436 = tpu.memref_squeeze %dma_wait3A_435 : memref<1x128x128xf32, #tpu.memory_space<vmem>> -> memref<128x128xf32, #tpu.memory_space<vmem>>
      %dma_wait3A_437 = arith.constant 0 : i32
      %dma_wait3A_438 = tpu.memref_slice %arg9[%dma_wait3A_431, %dma_wait3A_437] : memref<4x128xi32, #tpu.memory_space<vmem>> -> memref<1x128xi32, #tpu.memory_space<vmem>>
      %dma_wait3A_439 = tpu.memref_squeeze %dma_wait3A_438 : memref<1x128xi32, #tpu.memory_space<vmem>> -> memref<128xi32, #tpu.memory_space<vmem>>
      %dma_wait3A_440 = arith.constant 0 : i32
      %dma_wait3A_441 = arith.constant 0 : i32
      %dma_wait3A_442 = tpu.memref_slice %arg2[%dma_wait3A_440, %dma_wait3A_441] : memref<20000x128xf32, #tpu.memory_space<hbm>> -> memref<20000x128xf32, #tpu.memory_space<hbm>>
      tpu.wait_indirect_dma semaphore(%arg14 : memref<!tpu.dma_semaphore, #tpu.memory_space<semaphore_mem>>) src(%dma_wait3A_442 : memref<20000x128xf32, #tpu.memory_space<hbm>>) dst(%dma_wait3A_436 : memref<128x128xf32, #tpu.memory_space<vmem>>)
      %dma_start3A_443 = arith.constant 1 : i32
      %dma_start3A_444 = arith.constant 3 : i32
      %dma_start3A_445 = arith.constant 0 : i32
      %dma_start3A_446 = arith.constant 0 : i32
      %dma_start3A_447 = tpu.memref_slice %arg11[%dma_start3A_443, %dma_start3A_445, %dma_start3A_446] : memref<2x128x128xf32, #tpu.memory_space<vmem>> -> memref<1x128x128xf32, #tpu.memory_space<vmem>>
      %dma_start3A_448 = tpu.memref_squeeze %dma_start3A_447 : memref<1x128x128xf32, #tpu.memory_space<vmem>> -> memref<128x128xf32, #tpu.memory_space<vmem>>
      %dma_start3A_449 = arith.constant 0 : i32
      %dma_start3A_450 = tpu.memref_slice %arg10[%dma_start3A_444, %dma_start3A_449] : memref<4x128xi32, #tpu.memory_space<vmem>> -> memref<1x128xi32, #tpu.memory_space<vmem>>
      %dma_start3A_451 = tpu.memref_squeeze %dma_start3A_450 : memref<1x128xi32, #tpu.memory_space<vmem>> -> memref<128xi32, #tpu.memory_space<vmem>>
      %dma_start3A_452 = arith.constant 0 : i32
      %dma_start3A_453 = arith.constant 0 : i32
      %dma_start3A_454 = tpu.memref_slice %arg12[%dma_start3A_452, %dma_start3A_453] : memref<10112x128xf32, #tpu.memory_space<vmem_shared>> -> memref<10112x128xf32, #tpu.memory_space<vmem_shared>>
      tpu.enqueue_indirect_dma source(%dma_start3A_448 : memref<128x128xf32, #tpu.memory_space<vmem>>) target(%dma_start3A_454 : memref<10112x128xf32, #tpu.memory_space<vmem_shared>>) offsets(%dma_start3A_451 : memref<128xi32, #tpu.memory_space<vmem>>) semaphore(%arg16 : memref<!tpu.dma_semaphore, #tpu.memory_space<semaphore_mem>>) {add = true}
      %dma_wait3A_455 = arith.constant 1 : i32
      %dma_wait3A_456 = arith.constant 3 : i32
      %dma_wait3A_457 = arith.constant 0 : i32
      %dma_wait3A_458 = arith.constant 0 : i32
      %dma_wait3A_459 = tpu.memref_slice %arg11[%dma_wait3A_455, %dma_wait3A_457, %dma_wait3A_458] : memref<2x128x128xf32, #tpu.memory_space<vmem>> -> memref<1x128x128xf32, #tpu.memory_space<vmem>>
      %dma_wait3A_460 = tpu.memref_squeeze %dma_wait3A_459 : memref<1x128x128xf32, #tpu.memory_space<vmem>> -> memref<128x128xf32, #tpu.memory_space<vmem>>
      %dma_wait3A_461 = arith.constant 0 : i32
      %dma_wait3A_462 = tpu.memref_slice %arg10[%dma_wait3A_456, %dma_wait3A_461] : memref<4x128xi32, #tpu.memory_space<vmem>> -> memref<1x128xi32, #tpu.memory_space<vmem>>
      %dma_wait3A_463 = tpu.memref_squeeze %dma_wait3A_462 : memref<1x128xi32, #tpu.memory_space<vmem>> -> memref<128xi32, #tpu.memory_space<vmem>>
      %dma_wait3A_464 = arith.constant 0 : i32
      %dma_wait3A_465 = arith.constant 0 : i32
      %dma_wait3A_466 = tpu.memref_slice %arg12[%dma_wait3A_464, %dma_wait3A_465] : memref<10112x128xf32, #tpu.memory_space<vmem_shared>> -> memref<10112x128xf32, #tpu.memory_space<vmem_shared>>
      tpu.wait_indirect_dma semaphore(%arg16 : memref<!tpu.dma_semaphore, #tpu.memory_space<semaphore_mem>>) src(%dma_wait3A_460 : memref<128x128xf32, #tpu.memory_space<vmem>>) dst(%dma_wait3A_466 : memref<10112x128xf32, #tpu.memory_space<vmem_shared>>)
      %lt3A_467 = arith.constant 19 : i32
      %lt3A_468 = arith.cmpi slt, %scan3A_95, %lt3A_467 : i32
      %convert_element_type3A_469 = arith.extui %lt3A_468 : i1 to i32
      %cond3A_470 = arith.constant 0 : i32
      %cond3A_471 = arith.cmpi ne, %convert_element_type3A_469, %cond3A_470 : i32
      scf.if %cond3A_471 {
        %mul3A_477 = arith.constant 2 : i32
        %mul3A_478 = arith.muli %mul3A_477, %scan3A_95 : i32
        %add3A_479 = arith.constant 3 : i32
        %add3A_480 = arith.addi %mul3A_478, %add3A_479 : i32
        %mul3A_481 = arith.constant 4 : i32
        %mul3A_482 = arith.muli %add3A_480, %mul3A_481 : i32
        %dma_start3A_483 = arith.constant 0 : i32
        %dma_start3A_484 = tpu.memref_slice %arg3[%add3A, %mul3A_482, %dma_start3A_483] : memref<32x160x128xi32, #tpu.memory_space<hbm>> -> memref<1x4x128xi32, #tpu.memory_space<hbm>>
        %dma_start3A_485 = tpu.memref_squeeze %dma_start3A_484 : memref<1x4x128xi32, #tpu.memory_space<hbm>> -> memref<4x128xi32, #tpu.memory_space<hbm>>
        %dma_start3A_486 = arith.constant 0 : i32
        %dma_start3A_487 = tpu.memref_slice %arg3[%add3A, %mul3A_482, %dma_start3A_486] : memref<32x160x128xi32, #tpu.memory_space<hbm>> -> memref<1x4x128xi32, #tpu.memory_space<hbm>>
        %dma_start3A_488 = tpu.memref_squeeze %dma_start3A_487 : memref<1x4x128xi32, #tpu.memory_space<hbm>> -> memref<4x128xi32, #tpu.memory_space<hbm>>
        tpu.enqueue_dma source(%dma_start3A_488 : memref<4x128xi32, #tpu.memory_space<hbm>>) target(%arg9 : memref<4x128xi32, #tpu.memory_space<vmem>>) target_semaphore(%arg18 : memref<!tpu.dma_semaphore, #tpu.memory_space<semaphore_mem>>)
        %mul3A_489 = arith.constant 2 : i32
        %mul3A_490 = arith.muli %mul3A_489, %scan3A_95 : i32
        %add3A_491 = arith.constant 3 : i32
        %add3A_492 = arith.addi %mul3A_490, %add3A_491 : i32
        %mul3A_493 = arith.constant 4 : i32
        %mul3A_494 = arith.muli %add3A_492, %mul3A_493 : i32
        %dma_start3A_495 = arith.constant 0 : i32
        %dma_start3A_496 = tpu.memref_slice %arg4[%add3A, %mul3A_494, %dma_start3A_495] : memref<32x160x128xi32, #tpu.memory_space<hbm>> -> memref<1x4x128xi32, #tpu.memory_space<hbm>>
        %dma_start3A_497 = tpu.memref_squeeze %dma_start3A_496 : memref<1x4x128xi32, #tpu.memory_space<hbm>> -> memref<4x128xi32, #tpu.memory_space<hbm>>
        %dma_start3A_498 = arith.constant 0 : i32
        %dma_start3A_499 = tpu.memref_slice %arg4[%add3A, %mul3A_494, %dma_start3A_498] : memref<32x160x128xi32, #tpu.memory_space<hbm>> -> memref<1x4x128xi32, #tpu.memory_space<hbm>>
        %dma_start3A_500 = tpu.memref_squeeze %dma_start3A_499 : memref<1x4x128xi32, #tpu.memory_space<hbm>> -> memref<4x128xi32, #tpu.memory_space<hbm>>
        tpu.enqueue_dma source(%dma_start3A_500 : memref<4x128xi32, #tpu.memory_space<hbm>>) target(%arg10 : memref<4x128xi32, #tpu.memory_space<vmem>>) target_semaphore(%arg18 : memref<!tpu.dma_semaphore, #tpu.memory_space<semaphore_mem>>)
      } else {
      }
      %lt3A_472 = arith.constant 19 : i32
      %lt3A_473 = arith.cmpi slt, %scan3A_95, %lt3A_472 : i32
      %convert_element_type3A_474 = arith.extui %lt3A_473 : i1 to i32
      %cond3A_475 = arith.constant 0 : i32
      %cond3A_476 = arith.cmpi ne, %convert_element_type3A_474, %cond3A_475 : i32
      scf.if %cond3A_476 {
        %dma_start3A_477 = arith.constant 1 : i32
        %dma_start3A_478 = arith.constant 1 : i32
        %dma_start3A_479 = arith.constant 0 : i32
        %dma_start3A_480 = arith.constant 0 : i32
        %dma_start3A_481 = tpu.memref_slice %arg11[%dma_start3A_478, %dma_start3A_479, %dma_start3A_480] : memref<2x128x128xf32, #tpu.memory_space<vmem>> -> memref<1x128x128xf32, #tpu.memory_space<vmem>>
        %dma_start3A_482 = tpu.memref_squeeze %dma_start3A_481 : memref<1x128x128xf32, #tpu.memory_space<vmem>> -> memref<128x128xf32, #tpu.memory_space<vmem>>
        %dma_start3A_483 = arith.constant 0 : i32
        %dma_start3A_484 = tpu.memref_slice %arg7[%dma_start3A_477, %dma_start3A_483] : memref<4x128xi32, #tpu.memory_space<vmem>> -> memref<1x128xi32, #tpu.memory_space<vmem>>
        %dma_start3A_485 = tpu.memref_squeeze %dma_start3A_484 : memref<1x128xi32, #tpu.memory_space<vmem>> -> memref<128xi32, #tpu.memory_space<vmem>>
        %dma_start3A_486 = arith.constant 0 : i32
        %dma_start3A_487 = arith.constant 0 : i32
        %dma_start3A_488 = tpu.memref_slice %arg2[%dma_start3A_486, %dma_start3A_487] : memref<20000x128xf32, #tpu.memory_space<hbm>> -> memref<20000x128xf32, #tpu.memory_space<hbm>>
        tpu.enqueue_indirect_dma source(%dma_start3A_488 : memref<20000x128xf32, #tpu.memory_space<hbm>>) target(%dma_start3A_482 : memref<128x128xf32, #tpu.memory_space<vmem>>) offsets(%dma_start3A_485 : memref<128xi32, #tpu.memory_space<vmem>>) semaphore(%arg14 : memref<!tpu.dma_semaphore, #tpu.memory_space<semaphore_mem>>)
      } else {
      }
    }
    %scan3A_93 = arith.constant 20 : i32
    %barrier3A_94 = arith.constant 0 : index
    tpu.barrier barrier_id(%barrier3A_94)
    "tpu.region"() ({
      %run_scoped3A = tpu.sem_alloc : memref<!tpu.dma_semaphore, #tpu.memory_space<semaphore_mem>>
      %dma_start3A_95 = arith.constant 0 : i32
      %dma_start3A_96 = tpu.memref_slice %arg6[%arg0, %mul3A_2, %dma_start3A_95] : memref<2x10112x128xf32, #tpu.memory_space<hbm>> -> memref<1x632x128xf32, #tpu.memory_space<hbm>>
      %dma_start3A_97 = tpu.memref_squeeze %dma_start3A_96 : memref<1x632x128xf32, #tpu.memory_space<hbm>> -> memref<632x128xf32, #tpu.memory_space<hbm>>
      %dma_start3A_98 = arith.constant 0 : i32
      %dma_start3A_99 = tpu.memref_slice %arg12[%mul3A_2, %dma_start3A_98] : memref<10112x128xf32, #tpu.memory_space<vmem_shared>> -> memref<632x128xf32, #tpu.memory_space<vmem_shared>>
      tpu.enqueue_dma source(%dma_start3A_99 : memref<632x128xf32, #tpu.memory_space<vmem_shared>>) target(%dma_start3A_97 : memref<632x128xf32, #tpu.memory_space<hbm>>) target_semaphore(%run_scoped3A : memref<!tpu.dma_semaphore, #tpu.memory_space<semaphore_mem>>)
      %dma_wait3A_100 = arith.constant 0 : i32
      %dma_wait3A_101 = tpu.memref_slice %arg6[%arg0, %mul3A_2, %dma_wait3A_100] : memref<2x10112x128xf32, #tpu.memory_space<hbm>> -> memref<1x632x128xf32, #tpu.memory_space<hbm>>
      %dma_wait3A_102 = tpu.memref_squeeze %dma_wait3A_101 : memref<1x632x128xf32, #tpu.memory_space<hbm>> -> memref<632x128xf32, #tpu.memory_space<hbm>>
      %dma_wait3A_103 = arith.constant 0 : i32
      %dma_wait3A_104 = tpu.memref_slice %arg12[%mul3A_2, %dma_wait3A_103] : memref<10112x128xf32, #tpu.memory_space<vmem_shared>> -> memref<632x128xf32, #tpu.memory_space<vmem_shared>>
      tpu.wait_dma2 semaphore(%run_scoped3A : memref<!tpu.dma_semaphore, #tpu.memory_space<semaphore_mem>>) src(%dma_wait3A_104 : memref<632x128xf32, #tpu.memory_space<vmem_shared>>) dst(%dma_wait3A_102 : memref<632x128xf32, #tpu.memory_space<hbm>>)
      tpu.yield
    }) : () -> ()
    return
  }
}

#map = affine_map<(d0, d1) -> (0, 0)>
#map1 = affine_map<(d0, d1) -> (0, 0, 0)>
module attributes {stable_mosaic.version = 14 : i64} {
  func.func @_sc_msg_body(%arg0: i32, %arg1: i32, %arg2: memref<20000x128xf32, #tpu.memory_space<hbm>>, %arg3: memref<32x160x128xi32, #tpu.memory_space<hbm>>, %arg4: memref<32x160x128xi32, #tpu.memory_space<hbm>>, %arg5: memref<10112x128xf32, #tpu.memory_space<hbm>>, %arg6: memref<2x10112x128xf32, #tpu.memory_space<hbm>>, %arg7: memref<4x128xi32, #tpu.memory_space<vmem>>, %arg8: memref<4x128xi32, #tpu.memory_space<vmem>>, %arg9: memref<4x128xi32, #tpu.memory_space<vmem>>, %arg10: memref<4x128xi32, #tpu.memory_space<vmem>>, %arg11: memref<2x128x128xf32, #tpu.memory_space<vmem>>, %arg12: memref<10112x128xf32, #tpu.memory_space<vmem_shared>>, %arg13: memref<!tpu.dma_semaphore, #tpu.memory_space<semaphore_mem>>, %arg14: memref<!tpu.dma_semaphore, #tpu.memory_space<semaphore_mem>>, %arg15: memref<!tpu.dma_semaphore, #tpu.memory_space<semaphore_mem>>, %arg16: memref<!tpu.dma_semaphore, #tpu.memory_space<semaphore_mem>>, %arg17: memref<!tpu.dma_semaphore, #tpu.memory_space<semaphore_mem>>, %arg18: memref<!tpu.dma_semaphore, #tpu.memory_space<semaphore_mem>>) attributes {dimension_semantics = [#tpu.dimension_semantics<core_parallel>, #tpu.dimension_semantics<subcore_parallel>], iteration_bounds = array<i64: 2, 16>, scalar_prefetch = 0 : i64, scratch_operands = 12 : i64, tpu.core_type = #tpu.core_type<sc_vector_subcore>, window_params = [{transform_indices = #map}, {transform_indices = #map1}, {transform_indices = #map1}, {transform_indices = #map}, {transform_indices = #map1}]} {
    %mul3A = arith.constant 2 : i32
    %mul3A_0 = arith.muli %arg1, %mul3A : i32
    %add3A = arith.addi %mul3A_0, %arg0 : i32
    %mul3A_1 = arith.constant 632 : i32
    %mul3A_2 = arith.muli %arg1, %mul3A_1 : i32
    %dma_start3A = arith.constant 0 : i32
    %dma_start3A_3 = arith.constant 0 : i32
    %dma_start3A_4 = tpu.memref_slice %arg3[%add3A, %dma_start3A, %dma_start3A_3] : memref<32x160x128xi32, #tpu.memory_space<hbm>> -> memref<1x4x128xi32, #tpu.memory_space<hbm>>
    %dma_start3A_5 = tpu.memref_squeeze %dma_start3A_4 : memref<1x4x128xi32, #tpu.memory_space<hbm>> -> memref<4x128xi32, #tpu.memory_space<hbm>>
    %dma_start3A_6 = arith.constant 0 : i32
    %dma_start3A_7 = arith.constant 0 : i32
    %dma_start3A_8 = tpu.memref_slice %arg3[%add3A, %dma_start3A_6, %dma_start3A_7] : memref<32x160x128xi32, #tpu.memory_space<hbm>> -> memref<1x4x128xi32, #tpu.memory_space<hbm>>
    %dma_start3A_9 = tpu.memref_squeeze %dma_start3A_8 : memref<1x4x128xi32, #tpu.memory_space<hbm>> -> memref<4x128xi32, #tpu.memory_space<hbm>>
    tpu.enqueue_dma source(%dma_start3A_9 : memref<4x128xi32, #tpu.memory_space<hbm>>) target(%arg7 : memref<4x128xi32, #tpu.memory_space<vmem>>) target_semaphore(%arg17 : memref<!tpu.dma_semaphore, #tpu.memory_space<semaphore_mem>>)
    %dma_start3A_10 = arith.constant 0 : i32
    %dma_start3A_11 = arith.constant 0 : i32
    %dma_start3A_12 = tpu.memref_slice %arg4[%add3A, %dma_start3A_10, %dma_start3A_11] : memref<32x160x128xi32, #tpu.memory_space<hbm>> -> memref<1x4x128xi32, #tpu.memory_space<hbm>>
    %dma_start3A_13 = tpu.memref_squeeze %dma_start3A_12 : memref<1x4x128xi32, #tpu.memory_space<hbm>> -> memref<4x128xi32, #tpu.memory_space<hbm>>
    %dma_start3A_14 = arith.constant 0 : i32
    %dma_start3A_15 = arith.constant 0 : i32
    %dma_start3A_16 = tpu.memref_slice %arg4[%add3A, %dma_start3A_14, %dma_start3A_15] : memref<32x160x128xi32, #tpu.memory_space<hbm>> -> memref<1x4x128xi32, #tpu.memory_space<hbm>>
    %dma_start3A_17 = tpu.memref_squeeze %dma_start3A_16 : memref<1x4x128xi32, #tpu.memory_space<hbm>> -> memref<4x128xi32, #tpu.memory_space<hbm>>
    tpu.enqueue_dma source(%dma_start3A_17 : memref<4x128xi32, #tpu.memory_space<hbm>>) target(%arg8 : memref<4x128xi32, #tpu.memory_space<vmem>>) target_semaphore(%arg17 : memref<!tpu.dma_semaphore, #tpu.memory_space<semaphore_mem>>)
    %dma_start3A_18 = arith.constant 4 : i32
    %dma_start3A_19 = arith.constant 0 : i32
    %dma_start3A_20 = tpu.memref_slice %arg3[%add3A, %dma_start3A_18, %dma_start3A_19] : memref<32x160x128xi32, #tpu.memory_space<hbm>> -> memref<1x4x128xi32, #tpu.memory_space<hbm>>
    %dma_start3A_21 = tpu.memref_squeeze %dma_start3A_20 : memref<1x4x128xi32, #tpu.memory_space<hbm>> -> memref<4x128xi32, #tpu.memory_space<hbm>>
    %dma_start3A_22 = arith.constant 4 : i32
    %dma_start3A_23 = arith.constant 0 : i32
    %dma_start3A_24 = tpu.memref_slice %arg3[%add3A, %dma_start3A_22, %dma_start3A_23] : memref<32x160x128xi32, #tpu.memory_space<hbm>> -> memref<1x4x128xi32, #tpu.memory_space<hbm>>
    %dma_start3A_25 = tpu.memref_squeeze %dma_start3A_24 : memref<1x4x128xi32, #tpu.memory_space<hbm>> -> memref<4x128xi32, #tpu.memory_space<hbm>>
    tpu.enqueue_dma source(%dma_start3A_25 : memref<4x128xi32, #tpu.memory_space<hbm>>) target(%arg9 : memref<4x128xi32, #tpu.memory_space<vmem>>) target_semaphore(%arg18 : memref<!tpu.dma_semaphore, #tpu.memory_space<semaphore_mem>>)
    %dma_start3A_26 = arith.constant 4 : i32
    %dma_start3A_27 = arith.constant 0 : i32
    %dma_start3A_28 = tpu.memref_slice %arg4[%add3A, %dma_start3A_26, %dma_start3A_27] : memref<32x160x128xi32, #tpu.memory_space<hbm>> -> memref<1x4x128xi32, #tpu.memory_space<hbm>>
    %dma_start3A_29 = tpu.memref_squeeze %dma_start3A_28 : memref<1x4x128xi32, #tpu.memory_space<hbm>> -> memref<4x128xi32, #tpu.memory_space<hbm>>
    %dma_start3A_30 = arith.constant 4 : i32
    %dma_start3A_31 = arith.constant 0 : i32
    %dma_start3A_32 = tpu.memref_slice %arg4[%add3A, %dma_start3A_30, %dma_start3A_31] : memref<32x160x128xi32, #tpu.memory_space<hbm>> -> memref<1x4x128xi32, #tpu.memory_space<hbm>>
    %dma_start3A_33 = tpu.memref_squeeze %dma_start3A_32 : memref<1x4x128xi32, #tpu.memory_space<hbm>> -> memref<4x128xi32, #tpu.memory_space<hbm>>
    tpu.enqueue_dma source(%dma_start3A_33 : memref<4x128xi32, #tpu.memory_space<hbm>>) target(%arg10 : memref<4x128xi32, #tpu.memory_space<vmem>>) target_semaphore(%arg18 : memref<!tpu.dma_semaphore, #tpu.memory_space<semaphore_mem>>)
    "tpu.region"() ({
      %run_scoped3A = tpu.sem_alloc : memref<!tpu.dma_semaphore, #tpu.memory_space<semaphore_mem>>
      %dma_start3A_95 = arith.constant 0 : i32
      %dma_start3A_96 = tpu.memref_slice %arg12[%mul3A_2, %dma_start3A_95] : memref<10112x128xf32, #tpu.memory_space<vmem_shared>> -> memref<632x128xf32, #tpu.memory_space<vmem_shared>>
      %dma_start3A_97 = arith.constant 0 : i32
      %dma_start3A_98 = tpu.memref_slice %arg5[%mul3A_2, %dma_start3A_97] : memref<10112x128xf32, #tpu.memory_space<hbm>> -> memref<632x128xf32, #tpu.memory_space<hbm>>
      tpu.enqueue_dma source(%dma_start3A_98 : memref<632x128xf32, #tpu.memory_space<hbm>>) target(%dma_start3A_96 : memref<632x128xf32, #tpu.memory_space<vmem_shared>>) target_semaphore(%run_scoped3A : memref<!tpu.dma_semaphore, #tpu.memory_space<semaphore_mem>>)
      %dma_wait3A_99 = arith.constant 0 : i32
      %dma_wait3A_100 = tpu.memref_slice %arg12[%mul3A_2, %dma_wait3A_99] : memref<10112x128xf32, #tpu.memory_space<vmem_shared>> -> memref<632x128xf32, #tpu.memory_space<vmem_shared>>
      %dma_wait3A_101 = arith.constant 0 : i32
      %dma_wait3A_102 = tpu.memref_slice %arg5[%mul3A_2, %dma_wait3A_101] : memref<10112x128xf32, #tpu.memory_space<hbm>> -> memref<632x128xf32, #tpu.memory_space<hbm>>
      tpu.wait_dma2 semaphore(%run_scoped3A : memref<!tpu.dma_semaphore, #tpu.memory_space<semaphore_mem>>) src(%dma_wait3A_102 : memref<632x128xf32, #tpu.memory_space<hbm>>) dst(%dma_wait3A_100 : memref<632x128xf32, #tpu.memory_space<vmem_shared>>)
      tpu.yield
    }) : () -> ()
    %barrier3A = arith.constant 0 : index
    tpu.barrier barrier_id(%barrier3A)
    %dma_wait3A = arith.constant 0 : i32
    %dma_wait3A_34 = arith.constant 0 : i32
    %dma_wait3A_35 = tpu.memref_slice %arg3[%add3A, %dma_wait3A, %dma_wait3A_34] : memref<32x160x128xi32, #tpu.memory_space<hbm>> -> memref<1x4x128xi32, #tpu.memory_space<hbm>>
    %dma_wait3A_36 = tpu.memref_squeeze %dma_wait3A_35 : memref<1x4x128xi32, #tpu.memory_space<hbm>> -> memref<4x128xi32, #tpu.memory_space<hbm>>
    %dma_wait3A_37 = arith.constant 0 : i32
    %dma_wait3A_38 = arith.constant 0 : i32
    %dma_wait3A_39 = tpu.memref_slice %arg3[%add3A, %dma_wait3A_37, %dma_wait3A_38] : memref<32x160x128xi32, #tpu.memory_space<hbm>> -> memref<1x4x128xi32, #tpu.memory_space<hbm>>
    %dma_wait3A_40 = tpu.memref_squeeze %dma_wait3A_39 : memref<1x4x128xi32, #tpu.memory_space<hbm>> -> memref<4x128xi32, #tpu.memory_space<hbm>>
    tpu.wait_dma2 semaphore(%arg17 : memref<!tpu.dma_semaphore, #tpu.memory_space<semaphore_mem>>) src(%dma_wait3A_40 : memref<4x128xi32, #tpu.memory_space<hbm>>) dst(%arg7 : memref<4x128xi32, #tpu.memory_space<vmem>>)
    %dma_wait3A_41 = arith.constant 0 : i32
    %dma_wait3A_42 = arith.constant 0 : i32
    %dma_wait3A_43 = tpu.memref_slice %arg4[%add3A, %dma_wait3A_41, %dma_wait3A_42] : memref<32x160x128xi32, #tpu.memory_space<hbm>> -> memref<1x4x128xi32, #tpu.memory_space<hbm>>
    %dma_wait3A_44 = tpu.memref_squeeze %dma_wait3A_43 : memref<1x4x128xi32, #tpu.memory_space<hbm>> -> memref<4x128xi32, #tpu.memory_space<hbm>>
    %dma_wait3A_45 = arith.constant 0 : i32
    %dma_wait3A_46 = arith.constant 0 : i32
    %dma_wait3A_47 = tpu.memref_slice %arg4[%add3A, %dma_wait3A_45, %dma_wait3A_46] : memref<32x160x128xi32, #tpu.memory_space<hbm>> -> memref<1x4x128xi32, #tpu.memory_space<hbm>>
    %dma_wait3A_48 = tpu.memref_squeeze %dma_wait3A_47 : memref<1x4x128xi32, #tpu.memory_space<hbm>> -> memref<4x128xi32, #tpu.memory_space<hbm>>
    tpu.wait_dma2 semaphore(%arg17 : memref<!tpu.dma_semaphore, #tpu.memory_space<semaphore_mem>>) src(%dma_wait3A_48 : memref<4x128xi32, #tpu.memory_space<hbm>>) dst(%arg8 : memref<4x128xi32, #tpu.memory_space<vmem>>)
    %dma_wait3A_49 = arith.constant 4 : i32
    %dma_wait3A_50 = arith.constant 0 : i32
    %dma_wait3A_51 = tpu.memref_slice %arg3[%add3A, %dma_wait3A_49, %dma_wait3A_50] : memref<32x160x128xi32, #tpu.memory_space<hbm>> -> memref<1x4x128xi32, #tpu.memory_space<hbm>>
    %dma_wait3A_52 = tpu.memref_squeeze %dma_wait3A_51 : memref<1x4x128xi32, #tpu.memory_space<hbm>> -> memref<4x128xi32, #tpu.memory_space<hbm>>
    %dma_wait3A_53 = arith.constant 4 : i32
    %dma_wait3A_54 = arith.constant 0 : i32
    %dma_wait3A_55 = tpu.memref_slice %arg3[%add3A, %dma_wait3A_53, %dma_wait3A_54] : memref<32x160x128xi32, #tpu.memory_space<hbm>> -> memref<1x4x128xi32, #tpu.memory_space<hbm>>
    %dma_wait3A_56 = tpu.memref_squeeze %dma_wait3A_55 : memref<1x4x128xi32, #tpu.memory_space<hbm>> -> memref<4x128xi32, #tpu.memory_space<hbm>>
    tpu.wait_dma2 semaphore(%arg18 : memref<!tpu.dma_semaphore, #tpu.memory_space<semaphore_mem>>) src(%dma_wait3A_56 : memref<4x128xi32, #tpu.memory_space<hbm>>) dst(%arg9 : memref<4x128xi32, #tpu.memory_space<vmem>>)
    %dma_wait3A_57 = arith.constant 4 : i32
    %dma_wait3A_58 = arith.constant 0 : i32
    %dma_wait3A_59 = tpu.memref_slice %arg4[%add3A, %dma_wait3A_57, %dma_wait3A_58] : memref<32x160x128xi32, #tpu.memory_space<hbm>> -> memref<1x4x128xi32, #tpu.memory_space<hbm>>
    %dma_wait3A_60 = tpu.memref_squeeze %dma_wait3A_59 : memref<1x4x128xi32, #tpu.memory_space<hbm>> -> memref<4x128xi32, #tpu.memory_space<hbm>>
    %dma_wait3A_61 = arith.constant 4 : i32
    %dma_wait3A_62 = arith.constant 0 : i32
    %dma_wait3A_63 = tpu.memref_slice %arg4[%add3A, %dma_wait3A_61, %dma_wait3A_62] : memref<32x160x128xi32, #tpu.memory_space<hbm>> -> memref<1x4x128xi32, #tpu.memory_space<hbm>>
    %dma_wait3A_64 = tpu.memref_squeeze %dma_wait3A_63 : memref<1x4x128xi32, #tpu.memory_space<hbm>> -> memref<4x128xi32, #tpu.memory_space<hbm>>
    tpu.wait_dma2 semaphore(%arg18 : memref<!tpu.dma_semaphore, #tpu.memory_space<semaphore_mem>>) src(%dma_wait3A_64 : memref<4x128xi32, #tpu.memory_space<hbm>>) dst(%arg10 : memref<4x128xi32, #tpu.memory_space<vmem>>)
    %dma_start3A_65 = arith.constant 0 : i32
    %dma_start3A_66 = arith.constant 0 : i32
    %dma_start3A_67 = arith.constant 0 : i32
    %dma_start3A_68 = arith.constant 0 : i32
    %dma_start3A_69 = tpu.memref_slice %arg11[%dma_start3A_66, %dma_start3A_67, %dma_start3A_68] : memref<2x128x128xf32, #tpu.memory_space<vmem>> -> memref<1x128x128xf32, #tpu.memory_space<vmem>>
    %dma_start3A_70 = tpu.memref_squeeze %dma_start3A_69 : memref<1x128x128xf32, #tpu.memory_space<vmem>> -> memref<128x128xf32, #tpu.memory_space<vmem>>
    %dma_start3A_71 = arith.constant 0 : i32
    %dma_start3A_72 = tpu.memref_slice %arg7[%dma_start3A_65, %dma_start3A_71] : memref<4x128xi32, #tpu.memory_space<vmem>> -> memref<1x128xi32, #tpu.memory_space<vmem>>
    %dma_start3A_73 = tpu.memref_squeeze %dma_start3A_72 : memref<1x128xi32, #tpu.memory_space<vmem>> -> memref<128xi32, #tpu.memory_space<vmem>>
    %dma_start3A_74 = arith.constant 0 : i32
    %dma_start3A_75 = arith.constant 0 : i32
    %dma_start3A_76 = tpu.memref_slice %arg2[%dma_start3A_74, %dma_start3A_75] : memref<20000x128xf32, #tpu.memory_space<hbm>> -> memref<20000x128xf32, #tpu.memory_space<hbm>>
    tpu.enqueue_indirect_dma source(%dma_start3A_76 : memref<20000x128xf32, #tpu.memory_space<hbm>>) target(%dma_start3A_70 : memref<128x128xf32, #tpu.memory_space<vmem>>) offsets(%dma_start3A_73 : memref<128xi32, #tpu.memory_space<vmem>>) semaphore(%arg13 : memref<!tpu.dma_semaphore, #tpu.memory_space<semaphore_mem>>)
    %dma_start3A_77 = arith.constant 1 : i32
    %dma_start3A_78 = arith.constant 1 : i32
    %dma_start3A_79 = arith.constant 0 : i32
    %dma_start3A_80 = arith.constant 0 : i32
    %dma_start3A_81 = tpu.memref_slice %arg11[%dma_start3A_78, %dma_start3A_79, %dma_start3A_80] : memref<2x128x128xf32, #tpu.memory_space<vmem>> -> memref<1x128x128xf32, #tpu.memory_space<vmem>>
    %dma_start3A_82 = tpu.memref_squeeze %dma_start3A_81 : memref<1x128x128xf32, #tpu.memory_space<vmem>> -> memref<128x128xf32, #tpu.memory_space<vmem>>
    %dma_start3A_83 = arith.constant 0 : i32
    %dma_start3A_84 = tpu.memref_slice %arg7[%dma_start3A_77, %dma_start3A_83] : memref<4x128xi32, #tpu.memory_space<vmem>> -> memref<1x128xi32, #tpu.memory_space<vmem>>
    %dma_start3A_85 = tpu.memref_squeeze %dma_start3A_84 : memref<1x128xi32, #tpu.memory_space<vmem>> -> memref<128xi32, #tpu.memory_space<vmem>>
    %dma_start3A_86 = arith.constant 0 : i32
    %dma_start3A_87 = arith.constant 0 : i32
    %dma_start3A_88 = tpu.memref_slice %arg2[%dma_start3A_86, %dma_start3A_87] : memref<20000x128xf32, #tpu.memory_space<hbm>> -> memref<20000x128xf32, #tpu.memory_space<hbm>>
    tpu.enqueue_indirect_dma source(%dma_start3A_88 : memref<20000x128xf32, #tpu.memory_space<hbm>>) target(%dma_start3A_82 : memref<128x128xf32, #tpu.memory_space<vmem>>) offsets(%dma_start3A_85 : memref<128xi32, #tpu.memory_space<vmem>>) semaphore(%arg14 : memref<!tpu.dma_semaphore, #tpu.memory_space<semaphore_mem>>)
    %scan3A = arith.constant 0 : i32
    %scan3A_89 = arith.constant 0 : i32
    %scan3A_90 = arith.constant 20 : i32
    %scan3A_91 = arith.addi %scan3A_89, %scan3A_90 : i32
    %scan3A_92 = arith.constant 1 : i32
    scf.for %scan3A_95 = %scan3A_89 to %scan3A_91 step %scan3A_92  : i32 {
      %dma_wait3A_96 = arith.constant 0 : i32
      %dma_wait3A_97 = arith.constant 0 : i32
      %dma_wait3A_98 = arith.constant 0 : i32
      %dma_wait3A_99 = arith.constant 0 : i32
      %dma_wait3A_100 = tpu.memref_slice %arg11[%dma_wait3A_97, %dma_wait3A_98, %dma_wait3A_99] : memref<2x128x128xf32, #tpu.memory_space<vmem>> -> memref<1x128x128xf32, #tpu.memory_space<vmem>>
      %dma_wait3A_101 = tpu.memref_squeeze %dma_wait3A_100 : memref<1x128x128xf32, #tpu.memory_space<vmem>> -> memref<128x128xf32, #tpu.memory_space<vmem>>
      %dma_wait3A_102 = arith.constant 0 : i32
      %dma_wait3A_103 = tpu.memref_slice %arg7[%dma_wait3A_96, %dma_wait3A_102] : memref<4x128xi32, #tpu.memory_space<vmem>> -> memref<1x128xi32, #tpu.memory_space<vmem>>
      %dma_wait3A_104 = tpu.memref_squeeze %dma_wait3A_103 : memref<1x128xi32, #tpu.memory_space<vmem>> -> memref<128xi32, #tpu.memory_space<vmem>>
      %dma_wait3A_105 = arith.constant 0 : i32
      %dma_wait3A_106 = arith.constant 0 : i32
      %dma_wait3A_107 = tpu.memref_slice %arg2[%dma_wait3A_105, %dma_wait3A_106] : memref<20000x128xf32, #tpu.memory_space<hbm>> -> memref<20000x128xf32, #tpu.memory_space<hbm>>
      tpu.wait_indirect_dma semaphore(%arg13 : memref<!tpu.dma_semaphore, #tpu.memory_space<semaphore_mem>>) src(%dma_wait3A_107 : memref<20000x128xf32, #tpu.memory_space<hbm>>) dst(%dma_wait3A_101 : memref<128x128xf32, #tpu.memory_space<vmem>>)
      %dma_start3A_108 = arith.constant 0 : i32
      %dma_start3A_109 = arith.constant 0 : i32
      %dma_start3A_110 = arith.constant 0 : i32
      %dma_start3A_111 = arith.constant 0 : i32
      %dma_start3A_112 = tpu.memref_slice %arg11[%dma_start3A_108, %dma_start3A_110, %dma_start3A_111] : memref<2x128x128xf32, #tpu.memory_space<vmem>> -> memref<1x128x128xf32, #tpu.memory_space<vmem>>
      %dma_start3A_113 = tpu.memref_squeeze %dma_start3A_112 : memref<1x128x128xf32, #tpu.memory_space<vmem>> -> memref<128x128xf32, #tpu.memory_space<vmem>>
      %dma_start3A_114 = arith.constant 0 : i32
      %dma_start3A_115 = tpu.memref_slice %arg8[%dma_start3A_109, %dma_start3A_114] : memref<4x128xi32, #tpu.memory_space<vmem>> -> memref<1x128xi32, #tpu.memory_space<vmem>>
      %dma_start3A_116 = tpu.memref_squeeze %dma_start3A_115 : memref<1x128xi32, #tpu.memory_space<vmem>> -> memref<128xi32, #tpu.memory_space<vmem>>
      %dma_start3A_117 = arith.constant 0 : i32
      %dma_start3A_118 = arith.constant 0 : i32
      %dma_start3A_119 = tpu.memref_slice %arg12[%dma_start3A_117, %dma_start3A_118] : memref<10112x128xf32, #tpu.memory_space<vmem_shared>> -> memref<10112x128xf32, #tpu.memory_space<vmem_shared>>
      tpu.enqueue_indirect_dma source(%dma_start3A_113 : memref<128x128xf32, #tpu.memory_space<vmem>>) target(%dma_start3A_119 : memref<10112x128xf32, #tpu.memory_space<vmem_shared>>) offsets(%dma_start3A_116 : memref<128xi32, #tpu.memory_space<vmem>>) semaphore(%arg15 : memref<!tpu.dma_semaphore, #tpu.memory_space<semaphore_mem>>) {add = true}
      %dma_wait3A_120 = arith.constant 0 : i32
      %dma_wait3A_121 = arith.constant 0 : i32
      %dma_wait3A_122 = arith.constant 0 : i32
      %dma_wait3A_123 = arith.constant 0 : i32
      %dma_wait3A_124 = tpu.memref_slice %arg11[%dma_wait3A_120, %dma_wait3A_122, %dma_wait3A_123] : memref<2x128x128xf32, #tpu.memory_space<vmem>> -> memref<1x128x128xf32, #tpu.memory_space<vmem>>
      %dma_wait3A_125 = tpu.memref_squeeze %dma_wait3A_124 : memref<1x128x128xf32, #tpu.memory_space<vmem>> -> memref<128x128xf32, #tpu.memory_space<vmem>>
      %dma_wait3A_126 = arith.constant 0 : i32
      %dma_wait3A_127 = tpu.memref_slice %arg8[%dma_wait3A_121, %dma_wait3A_126] : memref<4x128xi32, #tpu.memory_space<vmem>> -> memref<1x128xi32, #tpu.memory_space<vmem>>
      %dma_wait3A_128 = tpu.memref_squeeze %dma_wait3A_127 : memref<1x128xi32, #tpu.memory_space<vmem>> -> memref<128xi32, #tpu.memory_space<vmem>>
      %dma_wait3A_129 = arith.constant 0 : i32
      %dma_wait3A_130 = arith.constant 0 : i32
      %dma_wait3A_131 = tpu.memref_slice %arg12[%dma_wait3A_129, %dma_wait3A_130] : memref<10112x128xf32, #tpu.memory_space<vmem_shared>> -> memref<10112x128xf32, #tpu.memory_space<vmem_shared>>
      tpu.wait_indirect_dma semaphore(%arg15 : memref<!tpu.dma_semaphore, #tpu.memory_space<semaphore_mem>>) src(%dma_wait3A_125 : memref<128x128xf32, #tpu.memory_space<vmem>>) dst(%dma_wait3A_131 : memref<10112x128xf32, #tpu.memory_space<vmem_shared>>)
      %dma_start3A_132 = arith.constant 2 : i32
      %dma_start3A_133 = arith.constant 0 : i32
      %dma_start3A_134 = arith.constant 0 : i32
      %dma_start3A_135 = arith.constant 0 : i32
      %dma_start3A_136 = tpu.memref_slice %arg11[%dma_start3A_133, %dma_start3A_134, %dma_start3A_135] : memref<2x128x128xf32, #tpu.memory_space<vmem>> -> memref<1x128x128xf32, #tpu.memory_space<vmem>>
      %dma_start3A_137 = tpu.memref_squeeze %dma_start3A_136 : memref<1x128x128xf32, #tpu.memory_space<vmem>> -> memref<128x128xf32, #tpu.memory_space<vmem>>
      %dma_start3A_138 = arith.constant 0 : i32
      %dma_start3A_139 = tpu.memref_slice %arg7[%dma_start3A_132, %dma_start3A_138] : memref<4x128xi32, #tpu.memory_space<vmem>> -> memref<1x128xi32, #tpu.memory_space<vmem>>
      %dma_start3A_140 = tpu.memref_squeeze %dma_start3A_139 : memref<1x128xi32, #tpu.memory_space<vmem>> -> memref<128xi32, #tpu.memory_space<vmem>>
      %dma_start3A_141 = arith.constant 0 : i32
      %dma_start3A_142 = arith.constant 0 : i32
      %dma_start3A_143 = tpu.memref_slice %arg2[%dma_start3A_141, %dma_start3A_142] : memref<20000x128xf32, #tpu.memory_space<hbm>> -> memref<20000x128xf32, #tpu.memory_space<hbm>>
      tpu.enqueue_indirect_dma source(%dma_start3A_143 : memref<20000x128xf32, #tpu.memory_space<hbm>>) target(%dma_start3A_137 : memref<128x128xf32, #tpu.memory_space<vmem>>) offsets(%dma_start3A_140 : memref<128xi32, #tpu.memory_space<vmem>>) semaphore(%arg13 : memref<!tpu.dma_semaphore, #tpu.memory_space<semaphore_mem>>)
      %dma_wait3A_144 = arith.constant 1 : i32
      %dma_wait3A_145 = arith.constant 1 : i32
      %dma_wait3A_146 = arith.constant 0 : i32
      %dma_wait3A_147 = arith.constant 0 : i32
      %dma_wait3A_148 = tpu.memref_slice %arg11[%dma_wait3A_145, %dma_wait3A_146, %dma_wait3A_147] : memref<2x128x128xf32, #tpu.memory_space<vmem>> -> memref<1x128x128xf32, #tpu.memory_space<vmem>>
      %dma_wait3A_149 = tpu.memref_squeeze %dma_wait3A_148 : memref<1x128x128xf32, #tpu.memory_space<vmem>> -> memref<128x128xf32, #tpu.memory_space<vmem>>
      %dma_wait3A_150 = arith.constant 0 : i32
      %dma_wait3A_151 = tpu.memref_slice %arg7[%dma_wait3A_144, %dma_wait3A_150] : memref<4x128xi32, #tpu.memory_space<vmem>> -> memref<1x128xi32, #tpu.memory_space<vmem>>
      %dma_wait3A_152 = tpu.memref_squeeze %dma_wait3A_151 : memref<1x128xi32, #tpu.memory_space<vmem>> -> memref<128xi32, #tpu.memory_space<vmem>>
      %dma_wait3A_153 = arith.constant 0 : i32
      %dma_wait3A_154 = arith.constant 0 : i32
      %dma_wait3A_155 = tpu.memref_slice %arg2[%dma_wait3A_153, %dma_wait3A_154] : memref<20000x128xf32, #tpu.memory_space<hbm>> -> memref<20000x128xf32, #tpu.memory_space<hbm>>
      tpu.wait_indirect_dma semaphore(%arg14 : memref<!tpu.dma_semaphore, #tpu.memory_space<semaphore_mem>>) src(%dma_wait3A_155 : memref<20000x128xf32, #tpu.memory_space<hbm>>) dst(%dma_wait3A_149 : memref<128x128xf32, #tpu.memory_space<vmem>>)
      %dma_start3A_156 = arith.constant 1 : i32
      %dma_start3A_157 = arith.constant 1 : i32
      %dma_start3A_158 = arith.constant 0 : i32
      %dma_start3A_159 = arith.constant 0 : i32
      %dma_start3A_160 = tpu.memref_slice %arg11[%dma_start3A_156, %dma_start3A_158, %dma_start3A_159] : memref<2x128x128xf32, #tpu.memory_space<vmem>> -> memref<1x128x128xf32, #tpu.memory_space<vmem>>
      %dma_start3A_161 = tpu.memref_squeeze %dma_start3A_160 : memref<1x128x128xf32, #tpu.memory_space<vmem>> -> memref<128x128xf32, #tpu.memory_space<vmem>>
      %dma_start3A_162 = arith.constant 0 : i32
      %dma_start3A_163 = tpu.memref_slice %arg8[%dma_start3A_157, %dma_start3A_162] : memref<4x128xi32, #tpu.memory_space<vmem>> -> memref<1x128xi32, #tpu.memory_space<vmem>>
      %dma_start3A_164 = tpu.memref_squeeze %dma_start3A_163 : memref<1x128xi32, #tpu.memory_space<vmem>> -> memref<128xi32, #tpu.memory_space<vmem>>
      %dma_start3A_165 = arith.constant 0 : i32
      %dma_start3A_166 = arith.constant 0 : i32
      %dma_start3A_167 = tpu.memref_slice %arg12[%dma_start3A_165, %dma_start3A_166] : memref<10112x128xf32, #tpu.memory_space<vmem_shared>> -> memref<10112x128xf32, #tpu.memory_space<vmem_shared>>
      tpu.enqueue_indirect_dma source(%dma_start3A_161 : memref<128x128xf32, #tpu.memory_space<vmem>>) target(%dma_start3A_167 : memref<10112x128xf32, #tpu.memory_space<vmem_shared>>) offsets(%dma_start3A_164 : memref<128xi32, #tpu.memory_space<vmem>>) semaphore(%arg16 : memref<!tpu.dma_semaphore, #tpu.memory_space<semaphore_mem>>) {add = true}
      %dma_wait3A_168 = arith.constant 1 : i32
      %dma_wait3A_169 = arith.constant 1 : i32
      %dma_wait3A_170 = arith.constant 0 : i32
      %dma_wait3A_171 = arith.constant 0 : i32
      %dma_wait3A_172 = tpu.memref_slice %arg11[%dma_wait3A_168, %dma_wait3A_170, %dma_wait3A_171] : memref<2x128x128xf32, #tpu.memory_space<vmem>> -> memref<1x128x128xf32, #tpu.memory_space<vmem>>
      %dma_wait3A_173 = tpu.memref_squeeze %dma_wait3A_172 : memref<1x128x128xf32, #tpu.memory_space<vmem>> -> memref<128x128xf32, #tpu.memory_space<vmem>>
      %dma_wait3A_174 = arith.constant 0 : i32
      %dma_wait3A_175 = tpu.memref_slice %arg8[%dma_wait3A_169, %dma_wait3A_174] : memref<4x128xi32, #tpu.memory_space<vmem>> -> memref<1x128xi32, #tpu.memory_space<vmem>>
      %dma_wait3A_176 = tpu.memref_squeeze %dma_wait3A_175 : memref<1x128xi32, #tpu.memory_space<vmem>> -> memref<128xi32, #tpu.memory_space<vmem>>
      %dma_wait3A_177 = arith.constant 0 : i32
      %dma_wait3A_178 = arith.constant 0 : i32
      %dma_wait3A_179 = tpu.memref_slice %arg12[%dma_wait3A_177, %dma_wait3A_178] : memref<10112x128xf32, #tpu.memory_space<vmem_shared>> -> memref<10112x128xf32, #tpu.memory_space<vmem_shared>>
      tpu.wait_indirect_dma semaphore(%arg16 : memref<!tpu.dma_semaphore, #tpu.memory_space<semaphore_mem>>) src(%dma_wait3A_173 : memref<128x128xf32, #tpu.memory_space<vmem>>) dst(%dma_wait3A_179 : memref<10112x128xf32, #tpu.memory_space<vmem_shared>>)
      %dma_start3A_180 = arith.constant 3 : i32
      %dma_start3A_181 = arith.constant 1 : i32
      %dma_start3A_182 = arith.constant 0 : i32
      %dma_start3A_183 = arith.constant 0 : i32
      %dma_start3A_184 = tpu.memref_slice %arg11[%dma_start3A_181, %dma_start3A_182, %dma_start3A_183] : memref<2x128x128xf32, #tpu.memory_space<vmem>> -> memref<1x128x128xf32, #tpu.memory_space<vmem>>
      %dma_start3A_185 = tpu.memref_squeeze %dma_start3A_184 : memref<1x128x128xf32, #tpu.memory_space<vmem>> -> memref<128x128xf32, #tpu.memory_space<vmem>>
      %dma_start3A_186 = arith.constant 0 : i32
      %dma_start3A_187 = tpu.memref_slice %arg7[%dma_start3A_180, %dma_start3A_186] : memref<4x128xi32, #tpu.memory_space<vmem>> -> memref<1x128xi32, #tpu.memory_space<vmem>>
      %dma_start3A_188 = tpu.memref_squeeze %dma_start3A_187 : memref<1x128xi32, #tpu.memory_space<vmem>> -> memref<128xi32, #tpu.memory_space<vmem>>
      %dma_start3A_189 = arith.constant 0 : i32
      %dma_start3A_190 = arith.constant 0 : i32
      %dma_start3A_191 = tpu.memref_slice %arg2[%dma_start3A_189, %dma_start3A_190] : memref<20000x128xf32, #tpu.memory_space<hbm>> -> memref<20000x128xf32, #tpu.memory_space<hbm>>
      tpu.enqueue_indirect_dma source(%dma_start3A_191 : memref<20000x128xf32, #tpu.memory_space<hbm>>) target(%dma_start3A_185 : memref<128x128xf32, #tpu.memory_space<vmem>>) offsets(%dma_start3A_188 : memref<128xi32, #tpu.memory_space<vmem>>) semaphore(%arg14 : memref<!tpu.dma_semaphore, #tpu.memory_space<semaphore_mem>>)
      %dma_wait3A_192 = arith.constant 2 : i32
      %dma_wait3A_193 = arith.constant 0 : i32
      %dma_wait3A_194 = arith.constant 0 : i32
      %dma_wait3A_195 = arith.constant 0 : i32
      %dma_wait3A_196 = tpu.memref_slice %arg11[%dma_wait3A_193, %dma_wait3A_194, %dma_wait3A_195] : memref<2x128x128xf32, #tpu.memory_space<vmem>> -> memref<1x128x128xf32, #tpu.memory_space<vmem>>
      %dma_wait3A_197 = tpu.memref_squeeze %dma_wait3A_196 : memref<1x128x128xf32, #tpu.memory_space<vmem>> -> memref<128x128xf32, #tpu.memory_space<vmem>>
      %dma_wait3A_198 = arith.constant 0 : i32
      %dma_wait3A_199 = tpu.memref_slice %arg7[%dma_wait3A_192, %dma_wait3A_198] : memref<4x128xi32, #tpu.memory_space<vmem>> -> memref<1x128xi32, #tpu.memory_space<vmem>>
      %dma_wait3A_200 = tpu.memref_squeeze %dma_wait3A_199 : memref<1x128xi32, #tpu.memory_space<vmem>> -> memref<128xi32, #tpu.memory_space<vmem>>
      %dma_wait3A_201 = arith.constant 0 : i32
      %dma_wait3A_202 = arith.constant 0 : i32
      %dma_wait3A_203 = tpu.memref_slice %arg2[%dma_wait3A_201, %dma_wait3A_202] : memref<20000x128xf32, #tpu.memory_space<hbm>> -> memref<20000x128xf32, #tpu.memory_space<hbm>>
      tpu.wait_indirect_dma semaphore(%arg13 : memref<!tpu.dma_semaphore, #tpu.memory_space<semaphore_mem>>) src(%dma_wait3A_203 : memref<20000x128xf32, #tpu.memory_space<hbm>>) dst(%dma_wait3A_197 : memref<128x128xf32, #tpu.memory_space<vmem>>)
      %dma_start3A_204 = arith.constant 0 : i32
      %dma_start3A_205 = arith.constant 2 : i32
      %dma_start3A_206 = arith.constant 0 : i32
      %dma_start3A_207 = arith.constant 0 : i32
      %dma_start3A_208 = tpu.memref_slice %arg11[%dma_start3A_204, %dma_start3A_206, %dma_start3A_207] : memref<2x128x128xf32, #tpu.memory_space<vmem>> -> memref<1x128x128xf32, #tpu.memory_space<vmem>>
      %dma_start3A_209 = tpu.memref_squeeze %dma_start3A_208 : memref<1x128x128xf32, #tpu.memory_space<vmem>> -> memref<128x128xf32, #tpu.memory_space<vmem>>
      %dma_start3A_210 = arith.constant 0 : i32
      %dma_start3A_211 = tpu.memref_slice %arg8[%dma_start3A_205, %dma_start3A_210] : memref<4x128xi32, #tpu.memory_space<vmem>> -> memref<1x128xi32, #tpu.memory_space<vmem>>
      %dma_start3A_212 = tpu.memref_squeeze %dma_start3A_211 : memref<1x128xi32, #tpu.memory_space<vmem>> -> memref<128xi32, #tpu.memory_space<vmem>>
      %dma_start3A_213 = arith.constant 0 : i32
      %dma_start3A_214 = arith.constant 0 : i32
      %dma_start3A_215 = tpu.memref_slice %arg12[%dma_start3A_213, %dma_start3A_214] : memref<10112x128xf32, #tpu.memory_space<vmem_shared>> -> memref<10112x128xf32, #tpu.memory_space<vmem_shared>>
      tpu.enqueue_indirect_dma source(%dma_start3A_209 : memref<128x128xf32, #tpu.memory_space<vmem>>) target(%dma_start3A_215 : memref<10112x128xf32, #tpu.memory_space<vmem_shared>>) offsets(%dma_start3A_212 : memref<128xi32, #tpu.memory_space<vmem>>) semaphore(%arg15 : memref<!tpu.dma_semaphore, #tpu.memory_space<semaphore_mem>>) {add = true}
      %dma_wait3A_216 = arith.constant 0 : i32
      %dma_wait3A_217 = arith.constant 2 : i32
      %dma_wait3A_218 = arith.constant 0 : i32
      %dma_wait3A_219 = arith.constant 0 : i32
      %dma_wait3A_220 = tpu.memref_slice %arg11[%dma_wait3A_216, %dma_wait3A_218, %dma_wait3A_219] : memref<2x128x128xf32, #tpu.memory_space<vmem>> -> memref<1x128x128xf32, #tpu.memory_space<vmem>>
      %dma_wait3A_221 = tpu.memref_squeeze %dma_wait3A_220 : memref<1x128x128xf32, #tpu.memory_space<vmem>> -> memref<128x128xf32, #tpu.memory_space<vmem>>
      %dma_wait3A_222 = arith.constant 0 : i32
      %dma_wait3A_223 = tpu.memref_slice %arg8[%dma_wait3A_217, %dma_wait3A_222] : memref<4x128xi32, #tpu.memory_space<vmem>> -> memref<1x128xi32, #tpu.memory_space<vmem>>
      %dma_wait3A_224 = tpu.memref_squeeze %dma_wait3A_223 : memref<1x128xi32, #tpu.memory_space<vmem>> -> memref<128xi32, #tpu.memory_space<vmem>>
      %dma_wait3A_225 = arith.constant 0 : i32
      %dma_wait3A_226 = arith.constant 0 : i32
      %dma_wait3A_227 = tpu.memref_slice %arg12[%dma_wait3A_225, %dma_wait3A_226] : memref<10112x128xf32, #tpu.memory_space<vmem_shared>> -> memref<10112x128xf32, #tpu.memory_space<vmem_shared>>
      tpu.wait_indirect_dma semaphore(%arg15 : memref<!tpu.dma_semaphore, #tpu.memory_space<semaphore_mem>>) src(%dma_wait3A_221 : memref<128x128xf32, #tpu.memory_space<vmem>>) dst(%dma_wait3A_227 : memref<10112x128xf32, #tpu.memory_space<vmem_shared>>)
      %gt3A = arith.constant 0 : i32
      %gt3A_228 = arith.cmpi sgt, %scan3A_95, %gt3A : i32
      %convert_element_type3A = arith.extui %gt3A_228 : i1 to i32
      %cond3A = arith.constant 0 : i32
      %cond3A_229 = arith.cmpi ne, %convert_element_type3A, %cond3A : i32
      scf.if %cond3A_229 {
        %mul3A_477 = arith.constant 2 : i32
        %mul3A_478 = arith.muli %mul3A_477, %scan3A_95 : i32
        %add3A_479 = arith.constant 1 : i32
        %add3A_480 = arith.addi %mul3A_478, %add3A_479 : i32
        %mul3A_481 = arith.constant 4 : i32
        %mul3A_482 = arith.muli %add3A_480, %mul3A_481 : i32
        %dma_wait3A_483 = arith.constant 0 : i32
        %dma_wait3A_484 = tpu.memref_slice %arg3[%add3A, %mul3A_482, %dma_wait3A_483] : memref<32x160x128xi32, #tpu.memory_space<hbm>> -> memref<1x4x128xi32, #tpu.memory_space<hbm>>
        %dma_wait3A_485 = tpu.memref_squeeze %dma_wait3A_484 : memref<1x4x128xi32, #tpu.memory_space<hbm>> -> memref<4x128xi32, #tpu.memory_space<hbm>>
        %dma_wait3A_486 = arith.constant 0 : i32
        %dma_wait3A_487 = tpu.memref_slice %arg3[%add3A, %mul3A_482, %dma_wait3A_486] : memref<32x160x128xi32, #tpu.memory_space<hbm>> -> memref<1x4x128xi32, #tpu.memory_space<hbm>>
        %dma_wait3A_488 = tpu.memref_squeeze %dma_wait3A_487 : memref<1x4x128xi32, #tpu.memory_space<hbm>> -> memref<4x128xi32, #tpu.memory_space<hbm>>
        tpu.wait_dma2 semaphore(%arg18 : memref<!tpu.dma_semaphore, #tpu.memory_space<semaphore_mem>>) src(%dma_wait3A_488 : memref<4x128xi32, #tpu.memory_space<hbm>>) dst(%arg9 : memref<4x128xi32, #tpu.memory_space<vmem>>)
        %mul3A_489 = arith.constant 2 : i32
        %mul3A_490 = arith.muli %mul3A_489, %scan3A_95 : i32
        %add3A_491 = arith.constant 1 : i32
        %add3A_492 = arith.addi %mul3A_490, %add3A_491 : i32
        %mul3A_493 = arith.constant 4 : i32
        %mul3A_494 = arith.muli %add3A_492, %mul3A_493 : i32
        %dma_wait3A_495 = arith.constant 0 : i32
        %dma_wait3A_496 = tpu.memref_slice %arg4[%add3A, %mul3A_494, %dma_wait3A_495] : memref<32x160x128xi32, #tpu.memory_space<hbm>> -> memref<1x4x128xi32, #tpu.memory_space<hbm>>
        %dma_wait3A_497 = tpu.memref_squeeze %dma_wait3A_496 : memref<1x4x128xi32, #tpu.memory_space<hbm>> -> memref<4x128xi32, #tpu.memory_space<hbm>>
        %dma_wait3A_498 = arith.constant 0 : i32
        %dma_wait3A_499 = tpu.memref_slice %arg4[%add3A, %mul3A_494, %dma_wait3A_498] : memref<32x160x128xi32, #tpu.memory_space<hbm>> -> memref<1x4x128xi32, #tpu.memory_space<hbm>>
        %dma_wait3A_500 = tpu.memref_squeeze %dma_wait3A_499 : memref<1x4x128xi32, #tpu.memory_space<hbm>> -> memref<4x128xi32, #tpu.memory_space<hbm>>
        tpu.wait_dma2 semaphore(%arg18 : memref<!tpu.dma_semaphore, #tpu.memory_space<semaphore_mem>>) src(%dma_wait3A_500 : memref<4x128xi32, #tpu.memory_space<hbm>>) dst(%arg10 : memref<4x128xi32, #tpu.memory_space<vmem>>)
      } else {
      }
      %dma_start3A_230 = arith.constant 0 : i32
      %dma_start3A_231 = arith.constant 0 : i32
      %dma_start3A_232 = arith.constant 0 : i32
      %dma_start3A_233 = arith.constant 0 : i32
      %dma_start3A_234 = tpu.memref_slice %arg11[%dma_start3A_231, %dma_start3A_232, %dma_start3A_233] : memref<2x128x128xf32, #tpu.memory_space<vmem>> -> memref<1x128x128xf32, #tpu.memory_space<vmem>>
      %dma_start3A_235 = tpu.memref_squeeze %dma_start3A_234 : memref<1x128x128xf32, #tpu.memory_space<vmem>> -> memref<128x128xf32, #tpu.memory_space<vmem>>
      %dma_start3A_236 = arith.constant 0 : i32
      %dma_start3A_237 = tpu.memref_slice %arg9[%dma_start3A_230, %dma_start3A_236] : memref<4x128xi32, #tpu.memory_space<vmem>> -> memref<1x128xi32, #tpu.memory_space<vmem>>
      %dma_start3A_238 = tpu.memref_squeeze %dma_start3A_237 : memref<1x128xi32, #tpu.memory_space<vmem>> -> memref<128xi32, #tpu.memory_space<vmem>>
      %dma_start3A_239 = arith.constant 0 : i32
      %dma_start3A_240 = arith.constant 0 : i32
      %dma_start3A_241 = tpu.memref_slice %arg2[%dma_start3A_239, %dma_start3A_240] : memref<20000x128xf32, #tpu.memory_space<hbm>> -> memref<20000x128xf32, #tpu.memory_space<hbm>>
      tpu.enqueue_indirect_dma source(%dma_start3A_241 : memref<20000x128xf32, #tpu.memory_space<hbm>>) target(%dma_start3A_235 : memref<128x128xf32, #tpu.memory_space<vmem>>) offsets(%dma_start3A_238 : memref<128xi32, #tpu.memory_space<vmem>>) semaphore(%arg13 : memref<!tpu.dma_semaphore, #tpu.memory_space<semaphore_mem>>)
      %dma_wait3A_242 = arith.constant 3 : i32
      %dma_wait3A_243 = arith.constant 1 : i32
      %dma_wait3A_244 = arith.constant 0 : i32
      %dma_wait3A_245 = arith.constant 0 : i32
      %dma_wait3A_246 = tpu.memref_slice %arg11[%dma_wait3A_243, %dma_wait3A_244, %dma_wait3A_245] : memref<2x128x128xf32, #tpu.memory_space<vmem>> -> memref<1x128x128xf32, #tpu.memory_space<vmem>>
      %dma_wait3A_247 = tpu.memref_squeeze %dma_wait3A_246 : memref<1x128x128xf32, #tpu.memory_space<vmem>> -> memref<128x128xf32, #tpu.memory_space<vmem>>
      %dma_wait3A_248 = arith.constant 0 : i32
      %dma_wait3A_249 = tpu.memref_slice %arg7[%dma_wait3A_242, %dma_wait3A_248] : memref<4x128xi32, #tpu.memory_space<vmem>> -> memref<1x128xi32, #tpu.memory_space<vmem>>
      %dma_wait3A_250 = tpu.memref_squeeze %dma_wait3A_249 : memref<1x128xi32, #tpu.memory_space<vmem>> -> memref<128xi32, #tpu.memory_space<vmem>>
      %dma_wait3A_251 = arith.constant 0 : i32
      %dma_wait3A_252 = arith.constant 0 : i32
      %dma_wait3A_253 = tpu.memref_slice %arg2[%dma_wait3A_251, %dma_wait3A_252] : memref<20000x128xf32, #tpu.memory_space<hbm>> -> memref<20000x128xf32, #tpu.memory_space<hbm>>
      tpu.wait_indirect_dma semaphore(%arg14 : memref<!tpu.dma_semaphore, #tpu.memory_space<semaphore_mem>>) src(%dma_wait3A_253 : memref<20000x128xf32, #tpu.memory_space<hbm>>) dst(%dma_wait3A_247 : memref<128x128xf32, #tpu.memory_space<vmem>>)
      %dma_start3A_254 = arith.constant 1 : i32
      %dma_start3A_255 = arith.constant 3 : i32
      %dma_start3A_256 = arith.constant 0 : i32
      %dma_start3A_257 = arith.constant 0 : i32
      %dma_start3A_258 = tpu.memref_slice %arg11[%dma_start3A_254, %dma_start3A_256, %dma_start3A_257] : memref<2x128x128xf32, #tpu.memory_space<vmem>> -> memref<1x128x128xf32, #tpu.memory_space<vmem>>
      %dma_start3A_259 = tpu.memref_squeeze %dma_start3A_258 : memref<1x128x128xf32, #tpu.memory_space<vmem>> -> memref<128x128xf32, #tpu.memory_space<vmem>>
      %dma_start3A_260 = arith.constant 0 : i32
      %dma_start3A_261 = tpu.memref_slice %arg8[%dma_start3A_255, %dma_start3A_260] : memref<4x128xi32, #tpu.memory_space<vmem>> -> memref<1x128xi32, #tpu.memory_space<vmem>>
      %dma_start3A_262 = tpu.memref_squeeze %dma_start3A_261 : memref<1x128xi32, #tpu.memory_space<vmem>> -> memref<128xi32, #tpu.memory_space<vmem>>
      %dma_start3A_263 = arith.constant 0 : i32
      %dma_start3A_264 = arith.constant 0 : i32
      %dma_start3A_265 = tpu.memref_slice %arg12[%dma_start3A_263, %dma_start3A_264] : memref<10112x128xf32, #tpu.memory_space<vmem_shared>> -> memref<10112x128xf32, #tpu.memory_space<vmem_shared>>
      tpu.enqueue_indirect_dma source(%dma_start3A_259 : memref<128x128xf32, #tpu.memory_space<vmem>>) target(%dma_start3A_265 : memref<10112x128xf32, #tpu.memory_space<vmem_shared>>) offsets(%dma_start3A_262 : memref<128xi32, #tpu.memory_space<vmem>>) semaphore(%arg16 : memref<!tpu.dma_semaphore, #tpu.memory_space<semaphore_mem>>) {add = true}
      %dma_wait3A_266 = arith.constant 1 : i32
      %dma_wait3A_267 = arith.constant 3 : i32
      %dma_wait3A_268 = arith.constant 0 : i32
      %dma_wait3A_269 = arith.constant 0 : i32
      %dma_wait3A_270 = tpu.memref_slice %arg11[%dma_wait3A_266, %dma_wait3A_268, %dma_wait3A_269] : memref<2x128x128xf32, #tpu.memory_space<vmem>> -> memref<1x128x128xf32, #tpu.memory_space<vmem>>
      %dma_wait3A_271 = tpu.memref_squeeze %dma_wait3A_270 : memref<1x128x128xf32, #tpu.memory_space<vmem>> -> memref<128x128xf32, #tpu.memory_space<vmem>>
      %dma_wait3A_272 = arith.constant 0 : i32
      %dma_wait3A_273 = tpu.memref_slice %arg8[%dma_wait3A_267, %dma_wait3A_272] : memref<4x128xi32, #tpu.memory_space<vmem>> -> memref<1x128xi32, #tpu.memory_space<vmem>>
      %dma_wait3A_274 = tpu.memref_squeeze %dma_wait3A_273 : memref<1x128xi32, #tpu.memory_space<vmem>> -> memref<128xi32, #tpu.memory_space<vmem>>
      %dma_wait3A_275 = arith.constant 0 : i32
      %dma_wait3A_276 = arith.constant 0 : i32
      %dma_wait3A_277 = tpu.memref_slice %arg12[%dma_wait3A_275, %dma_wait3A_276] : memref<10112x128xf32, #tpu.memory_space<vmem_shared>> -> memref<10112x128xf32, #tpu.memory_space<vmem_shared>>
      tpu.wait_indirect_dma semaphore(%arg16 : memref<!tpu.dma_semaphore, #tpu.memory_space<semaphore_mem>>) src(%dma_wait3A_271 : memref<128x128xf32, #tpu.memory_space<vmem>>) dst(%dma_wait3A_277 : memref<10112x128xf32, #tpu.memory_space<vmem_shared>>)
      %lt3A = arith.constant 19 : i32
      %lt3A_278 = arith.cmpi slt, %scan3A_95, %lt3A : i32
      %convert_element_type3A_279 = arith.extui %lt3A_278 : i1 to i32
      %cond3A_280 = arith.constant 0 : i32
      %cond3A_281 = arith.cmpi ne, %convert_element_type3A_279, %cond3A_280 : i32
      scf.if %cond3A_281 {
        %mul3A_477 = arith.constant 2 : i32
        %mul3A_478 = arith.muli %mul3A_477, %scan3A_95 : i32
        %add3A_479 = arith.constant 2 : i32
        %add3A_480 = arith.addi %mul3A_478, %add3A_479 : i32
        %mul3A_481 = arith.constant 4 : i32
        %mul3A_482 = arith.muli %add3A_480, %mul3A_481 : i32
        %dma_start3A_483 = arith.constant 0 : i32
        %dma_start3A_484 = tpu.memref_slice %arg3[%add3A, %mul3A_482, %dma_start3A_483] : memref<32x160x128xi32, #tpu.memory_space<hbm>> -> memref<1x4x128xi32, #tpu.memory_space<hbm>>
        %dma_start3A_485 = tpu.memref_squeeze %dma_start3A_484 : memref<1x4x128xi32, #tpu.memory_space<hbm>> -> memref<4x128xi32, #tpu.memory_space<hbm>>
        %dma_start3A_486 = arith.constant 0 : i32
        %dma_start3A_487 = tpu.memref_slice %arg3[%add3A, %mul3A_482, %dma_start3A_486] : memref<32x160x128xi32, #tpu.memory_space<hbm>> -> memref<1x4x128xi32, #tpu.memory_space<hbm>>
        %dma_start3A_488 = tpu.memref_squeeze %dma_start3A_487 : memref<1x4x128xi32, #tpu.memory_space<hbm>> -> memref<4x128xi32, #tpu.memory_space<hbm>>
        tpu.enqueue_dma source(%dma_start3A_488 : memref<4x128xi32, #tpu.memory_space<hbm>>) target(%arg7 : memref<4x128xi32, #tpu.memory_space<vmem>>) target_semaphore(%arg17 : memref<!tpu.dma_semaphore, #tpu.memory_space<semaphore_mem>>)
        %mul3A_489 = arith.constant 2 : i32
        %mul3A_490 = arith.muli %mul3A_489, %scan3A_95 : i32
        %add3A_491 = arith.constant 2 : i32
        %add3A_492 = arith.addi %mul3A_490, %add3A_491 : i32
        %mul3A_493 = arith.constant 4 : i32
        %mul3A_494 = arith.muli %add3A_492, %mul3A_493 : i32
        %dma_start3A_495 = arith.constant 0 : i32
        %dma_start3A_496 = tpu.memref_slice %arg4[%add3A, %mul3A_494, %dma_start3A_495] : memref<32x160x128xi32, #tpu.memory_space<hbm>> -> memref<1x4x128xi32, #tpu.memory_space<hbm>>
        %dma_start3A_497 = tpu.memref_squeeze %dma_start3A_496 : memref<1x4x128xi32, #tpu.memory_space<hbm>> -> memref<4x128xi32, #tpu.memory_space<hbm>>
        %dma_start3A_498 = arith.constant 0 : i32
        %dma_start3A_499 = tpu.memref_slice %arg4[%add3A, %mul3A_494, %dma_start3A_498] : memref<32x160x128xi32, #tpu.memory_space<hbm>> -> memref<1x4x128xi32, #tpu.memory_space<hbm>>
        %dma_start3A_500 = tpu.memref_squeeze %dma_start3A_499 : memref<1x4x128xi32, #tpu.memory_space<hbm>> -> memref<4x128xi32, #tpu.memory_space<hbm>>
        tpu.enqueue_dma source(%dma_start3A_500 : memref<4x128xi32, #tpu.memory_space<hbm>>) target(%arg8 : memref<4x128xi32, #tpu.memory_space<vmem>>) target_semaphore(%arg17 : memref<!tpu.dma_semaphore, #tpu.memory_space<semaphore_mem>>)
      } else {
      }
      %dma_start3A_282 = arith.constant 1 : i32
      %dma_start3A_283 = arith.constant 1 : i32
      %dma_start3A_284 = arith.constant 0 : i32
      %dma_start3A_285 = arith.constant 0 : i32
      %dma_start3A_286 = tpu.memref_slice %arg11[%dma_start3A_283, %dma_start3A_284, %dma_start3A_285] : memref<2x128x128xf32, #tpu.memory_space<vmem>> -> memref<1x128x128xf32, #tpu.memory_space<vmem>>
      %dma_start3A_287 = tpu.memref_squeeze %dma_start3A_286 : memref<1x128x128xf32, #tpu.memory_space<vmem>> -> memref<128x128xf32, #tpu.memory_space<vmem>>
      %dma_start3A_288 = arith.constant 0 : i32
      %dma_start3A_289 = tpu.memref_slice %arg9[%dma_start3A_282, %dma_start3A_288] : memref<4x128xi32, #tpu.memory_space<vmem>> -> memref<1x128xi32, #tpu.memory_space<vmem>>
      %dma_start3A_290 = tpu.memref_squeeze %dma_start3A_289 : memref<1x128xi32, #tpu.memory_space<vmem>> -> memref<128xi32, #tpu.memory_space<vmem>>
      %dma_start3A_291 = arith.constant 0 : i32
      %dma_start3A_292 = arith.constant 0 : i32
      %dma_start3A_293 = tpu.memref_slice %arg2[%dma_start3A_291, %dma_start3A_292] : memref<20000x128xf32, #tpu.memory_space<hbm>> -> memref<20000x128xf32, #tpu.memory_space<hbm>>
      tpu.enqueue_indirect_dma source(%dma_start3A_293 : memref<20000x128xf32, #tpu.memory_space<hbm>>) target(%dma_start3A_287 : memref<128x128xf32, #tpu.memory_space<vmem>>) offsets(%dma_start3A_290 : memref<128xi32, #tpu.memory_space<vmem>>) semaphore(%arg14 : memref<!tpu.dma_semaphore, #tpu.memory_space<semaphore_mem>>)
      %dma_wait3A_294 = arith.constant 0 : i32
      %dma_wait3A_295 = arith.constant 0 : i32
      %dma_wait3A_296 = arith.constant 0 : i32
      %dma_wait3A_297 = arith.constant 0 : i32
      %dma_wait3A_298 = tpu.memref_slice %arg11[%dma_wait3A_295, %dma_wait3A_296, %dma_wait3A_297] : memref<2x128x128xf32, #tpu.memory_space<vmem>> -> memref<1x128x128xf32, #tpu.memory_space<vmem>>
      %dma_wait3A_299 = tpu.memref_squeeze %dma_wait3A_298 : memref<1x128x128xf32, #tpu.memory_space<vmem>> -> memref<128x128xf32, #tpu.memory_space<vmem>>
      %dma_wait3A_300 = arith.constant 0 : i32
      %dma_wait3A_301 = tpu.memref_slice %arg9[%dma_wait3A_294, %dma_wait3A_300] : memref<4x128xi32, #tpu.memory_space<vmem>> -> memref<1x128xi32, #tpu.memory_space<vmem>>
      %dma_wait3A_302 = tpu.memref_squeeze %dma_wait3A_301 : memref<1x128xi32, #tpu.memory_space<vmem>> -> memref<128xi32, #tpu.memory_space<vmem>>
      %dma_wait3A_303 = arith.constant 0 : i32
      %dma_wait3A_304 = arith.constant 0 : i32
      %dma_wait3A_305 = tpu.memref_slice %arg2[%dma_wait3A_303, %dma_wait3A_304] : memref<20000x128xf32, #tpu.memory_space<hbm>> -> memref<20000x128xf32, #tpu.memory_space<hbm>>
      tpu.wait_indirect_dma semaphore(%arg13 : memref<!tpu.dma_semaphore, #tpu.memory_space<semaphore_mem>>) src(%dma_wait3A_305 : memref<20000x128xf32, #tpu.memory_space<hbm>>) dst(%dma_wait3A_299 : memref<128x128xf32, #tpu.memory_space<vmem>>)
      %dma_start3A_306 = arith.constant 0 : i32
      %dma_start3A_307 = arith.constant 0 : i32
      %dma_start3A_308 = arith.constant 0 : i32
      %dma_start3A_309 = arith.constant 0 : i32
      %dma_start3A_310 = tpu.memref_slice %arg11[%dma_start3A_306, %dma_start3A_308, %dma_start3A_309] : memref<2x128x128xf32, #tpu.memory_space<vmem>> -> memref<1x128x128xf32, #tpu.memory_space<vmem>>
      %dma_start3A_311 = tpu.memref_squeeze %dma_start3A_310 : memref<1x128x128xf32, #tpu.memory_space<vmem>> -> memref<128x128xf32, #tpu.memory_space<vmem>>
      %dma_start3A_312 = arith.constant 0 : i32
      %dma_start3A_313 = tpu.memref_slice %arg10[%dma_start3A_307, %dma_start3A_312] : memref<4x128xi32, #tpu.memory_space<vmem>> -> memref<1x128xi32, #tpu.memory_space<vmem>>
      %dma_start3A_314 = tpu.memref_squeeze %dma_start3A_313 : memref<1x128xi32, #tpu.memory_space<vmem>> -> memref<128xi32, #tpu.memory_space<vmem>>
      %dma_start3A_315 = arith.constant 0 : i32
      %dma_start3A_316 = arith.constant 0 : i32
      %dma_start3A_317 = tpu.memref_slice %arg12[%dma_start3A_315, %dma_start3A_316] : memref<10112x128xf32, #tpu.memory_space<vmem_shared>> -> memref<10112x128xf32, #tpu.memory_space<vmem_shared>>
      tpu.enqueue_indirect_dma source(%dma_start3A_311 : memref<128x128xf32, #tpu.memory_space<vmem>>) target(%dma_start3A_317 : memref<10112x128xf32, #tpu.memory_space<vmem_shared>>) offsets(%dma_start3A_314 : memref<128xi32, #tpu.memory_space<vmem>>) semaphore(%arg15 : memref<!tpu.dma_semaphore, #tpu.memory_space<semaphore_mem>>) {add = true}
      %dma_wait3A_318 = arith.constant 0 : i32
      %dma_wait3A_319 = arith.constant 0 : i32
      %dma_wait3A_320 = arith.constant 0 : i32
      %dma_wait3A_321 = arith.constant 0 : i32
      %dma_wait3A_322 = tpu.memref_slice %arg11[%dma_wait3A_318, %dma_wait3A_320, %dma_wait3A_321] : memref<2x128x128xf32, #tpu.memory_space<vmem>> -> memref<1x128x128xf32, #tpu.memory_space<vmem>>
      %dma_wait3A_323 = tpu.memref_squeeze %dma_wait3A_322 : memref<1x128x128xf32, #tpu.memory_space<vmem>> -> memref<128x128xf32, #tpu.memory_space<vmem>>
      %dma_wait3A_324 = arith.constant 0 : i32
      %dma_wait3A_325 = tpu.memref_slice %arg10[%dma_wait3A_319, %dma_wait3A_324] : memref<4x128xi32, #tpu.memory_space<vmem>> -> memref<1x128xi32, #tpu.memory_space<vmem>>
      %dma_wait3A_326 = tpu.memref_squeeze %dma_wait3A_325 : memref<1x128xi32, #tpu.memory_space<vmem>> -> memref<128xi32, #tpu.memory_space<vmem>>
      %dma_wait3A_327 = arith.constant 0 : i32
      %dma_wait3A_328 = arith.constant 0 : i32
      %dma_wait3A_329 = tpu.memref_slice %arg12[%dma_wait3A_327, %dma_wait3A_328] : memref<10112x128xf32, #tpu.memory_space<vmem_shared>> -> memref<10112x128xf32, #tpu.memory_space<vmem_shared>>
      tpu.wait_indirect_dma semaphore(%arg15 : memref<!tpu.dma_semaphore, #tpu.memory_space<semaphore_mem>>) src(%dma_wait3A_323 : memref<128x128xf32, #tpu.memory_space<vmem>>) dst(%dma_wait3A_329 : memref<10112x128xf32, #tpu.memory_space<vmem_shared>>)
      %dma_start3A_330 = arith.constant 2 : i32
      %dma_start3A_331 = arith.constant 0 : i32
      %dma_start3A_332 = arith.constant 0 : i32
      %dma_start3A_333 = arith.constant 0 : i32
      %dma_start3A_334 = tpu.memref_slice %arg11[%dma_start3A_331, %dma_start3A_332, %dma_start3A_333] : memref<2x128x128xf32, #tpu.memory_space<vmem>> -> memref<1x128x128xf32, #tpu.memory_space<vmem>>
      %dma_start3A_335 = tpu.memref_squeeze %dma_start3A_334 : memref<1x128x128xf32, #tpu.memory_space<vmem>> -> memref<128x128xf32, #tpu.memory_space<vmem>>
      %dma_start3A_336 = arith.constant 0 : i32
      %dma_start3A_337 = tpu.memref_slice %arg9[%dma_start3A_330, %dma_start3A_336] : memref<4x128xi32, #tpu.memory_space<vmem>> -> memref<1x128xi32, #tpu.memory_space<vmem>>
      %dma_start3A_338 = tpu.memref_squeeze %dma_start3A_337 : memref<1x128xi32, #tpu.memory_space<vmem>> -> memref<128xi32, #tpu.memory_space<vmem>>
      %dma_start3A_339 = arith.constant 0 : i32
      %dma_start3A_340 = arith.constant 0 : i32
      %dma_start3A_341 = tpu.memref_slice %arg2[%dma_start3A_339, %dma_start3A_340] : memref<20000x128xf32, #tpu.memory_space<hbm>> -> memref<20000x128xf32, #tpu.memory_space<hbm>>
      tpu.enqueue_indirect_dma source(%dma_start3A_341 : memref<20000x128xf32, #tpu.memory_space<hbm>>) target(%dma_start3A_335 : memref<128x128xf32, #tpu.memory_space<vmem>>) offsets(%dma_start3A_338 : memref<128xi32, #tpu.memory_space<vmem>>) semaphore(%arg13 : memref<!tpu.dma_semaphore, #tpu.memory_space<semaphore_mem>>)
      %dma_wait3A_342 = arith.constant 1 : i32
      %dma_wait3A_343 = arith.constant 1 : i32
      %dma_wait3A_344 = arith.constant 0 : i32
      %dma_wait3A_345 = arith.constant 0 : i32
      %dma_wait3A_346 = tpu.memref_slice %arg11[%dma_wait3A_343, %dma_wait3A_344, %dma_wait3A_345] : memref<2x128x128xf32, #tpu.memory_space<vmem>> -> memref<1x128x128xf32, #tpu.memory_space<vmem>>
      %dma_wait3A_347 = tpu.memref_squeeze %dma_wait3A_346 : memref<1x128x128xf32, #tpu.memory_space<vmem>> -> memref<128x128xf32, #tpu.memory_space<vmem>>
      %dma_wait3A_348 = arith.constant 0 : i32
      %dma_wait3A_349 = tpu.memref_slice %arg9[%dma_wait3A_342, %dma_wait3A_348] : memref<4x128xi32, #tpu.memory_space<vmem>> -> memref<1x128xi32, #tpu.memory_space<vmem>>
      %dma_wait3A_350 = tpu.memref_squeeze %dma_wait3A_349 : memref<1x128xi32, #tpu.memory_space<vmem>> -> memref<128xi32, #tpu.memory_space<vmem>>
      %dma_wait3A_351 = arith.constant 0 : i32
      %dma_wait3A_352 = arith.constant 0 : i32
      %dma_wait3A_353 = tpu.memref_slice %arg2[%dma_wait3A_351, %dma_wait3A_352] : memref<20000x128xf32, #tpu.memory_space<hbm>> -> memref<20000x128xf32, #tpu.memory_space<hbm>>
      tpu.wait_indirect_dma semaphore(%arg14 : memref<!tpu.dma_semaphore, #tpu.memory_space<semaphore_mem>>) src(%dma_wait3A_353 : memref<20000x128xf32, #tpu.memory_space<hbm>>) dst(%dma_wait3A_347 : memref<128x128xf32, #tpu.memory_space<vmem>>)
      %dma_start3A_354 = arith.constant 1 : i32
      %dma_start3A_355 = arith.constant 1 : i32
      %dma_start3A_356 = arith.constant 0 : i32
      %dma_start3A_357 = arith.constant 0 : i32
      %dma_start3A_358 = tpu.memref_slice %arg11[%dma_start3A_354, %dma_start3A_356, %dma_start3A_357] : memref<2x128x128xf32, #tpu.memory_space<vmem>> -> memref<1x128x128xf32, #tpu.memory_space<vmem>>
      %dma_start3A_359 = tpu.memref_squeeze %dma_start3A_358 : memref<1x128x128xf32, #tpu.memory_space<vmem>> -> memref<128x128xf32, #tpu.memory_space<vmem>>
      %dma_start3A_360 = arith.constant 0 : i32
      %dma_start3A_361 = tpu.memref_slice %arg10[%dma_start3A_355, %dma_start3A_360] : memref<4x128xi32, #tpu.memory_space<vmem>> -> memref<1x128xi32, #tpu.memory_space<vmem>>
      %dma_start3A_362 = tpu.memref_squeeze %dma_start3A_361 : memref<1x128xi32, #tpu.memory_space<vmem>> -> memref<128xi32, #tpu.memory_space<vmem>>
      %dma_start3A_363 = arith.constant 0 : i32
      %dma_start3A_364 = arith.constant 0 : i32
      %dma_start3A_365 = tpu.memref_slice %arg12[%dma_start3A_363, %dma_start3A_364] : memref<10112x128xf32, #tpu.memory_space<vmem_shared>> -> memref<10112x128xf32, #tpu.memory_space<vmem_shared>>
      tpu.enqueue_indirect_dma source(%dma_start3A_359 : memref<128x128xf32, #tpu.memory_space<vmem>>) target(%dma_start3A_365 : memref<10112x128xf32, #tpu.memory_space<vmem_shared>>) offsets(%dma_start3A_362 : memref<128xi32, #tpu.memory_space<vmem>>) semaphore(%arg16 : memref<!tpu.dma_semaphore, #tpu.memory_space<semaphore_mem>>) {add = true}
      %dma_wait3A_366 = arith.constant 1 : i32
      %dma_wait3A_367 = arith.constant 1 : i32
      %dma_wait3A_368 = arith.constant 0 : i32
      %dma_wait3A_369 = arith.constant 0 : i32
      %dma_wait3A_370 = tpu.memref_slice %arg11[%dma_wait3A_366, %dma_wait3A_368, %dma_wait3A_369] : memref<2x128x128xf32, #tpu.memory_space<vmem>> -> memref<1x128x128xf32, #tpu.memory_space<vmem>>
      %dma_wait3A_371 = tpu.memref_squeeze %dma_wait3A_370 : memref<1x128x128xf32, #tpu.memory_space<vmem>> -> memref<128x128xf32, #tpu.memory_space<vmem>>
      %dma_wait3A_372 = arith.constant 0 : i32
      %dma_wait3A_373 = tpu.memref_slice %arg10[%dma_wait3A_367, %dma_wait3A_372] : memref<4x128xi32, #tpu.memory_space<vmem>> -> memref<1x128xi32, #tpu.memory_space<vmem>>
      %dma_wait3A_374 = tpu.memref_squeeze %dma_wait3A_373 : memref<1x128xi32, #tpu.memory_space<vmem>> -> memref<128xi32, #tpu.memory_space<vmem>>
      %dma_wait3A_375 = arith.constant 0 : i32
      %dma_wait3A_376 = arith.constant 0 : i32
      %dma_wait3A_377 = tpu.memref_slice %arg12[%dma_wait3A_375, %dma_wait3A_376] : memref<10112x128xf32, #tpu.memory_space<vmem_shared>> -> memref<10112x128xf32, #tpu.memory_space<vmem_shared>>
      tpu.wait_indirect_dma semaphore(%arg16 : memref<!tpu.dma_semaphore, #tpu.memory_space<semaphore_mem>>) src(%dma_wait3A_371 : memref<128x128xf32, #tpu.memory_space<vmem>>) dst(%dma_wait3A_377 : memref<10112x128xf32, #tpu.memory_space<vmem_shared>>)
      %dma_start3A_378 = arith.constant 3 : i32
      %dma_start3A_379 = arith.constant 1 : i32
      %dma_start3A_380 = arith.constant 0 : i32
      %dma_start3A_381 = arith.constant 0 : i32
      %dma_start3A_382 = tpu.memref_slice %arg11[%dma_start3A_379, %dma_start3A_380, %dma_start3A_381] : memref<2x128x128xf32, #tpu.memory_space<vmem>> -> memref<1x128x128xf32, #tpu.memory_space<vmem>>
      %dma_start3A_383 = tpu.memref_squeeze %dma_start3A_382 : memref<1x128x128xf32, #tpu.memory_space<vmem>> -> memref<128x128xf32, #tpu.memory_space<vmem>>
      %dma_start3A_384 = arith.constant 0 : i32
      %dma_start3A_385 = tpu.memref_slice %arg9[%dma_start3A_378, %dma_start3A_384] : memref<4x128xi32, #tpu.memory_space<vmem>> -> memref<1x128xi32, #tpu.memory_space<vmem>>
      %dma_start3A_386 = tpu.memref_squeeze %dma_start3A_385 : memref<1x128xi32, #tpu.memory_space<vmem>> -> memref<128xi32, #tpu.memory_space<vmem>>
      %dma_start3A_387 = arith.constant 0 : i32
      %dma_start3A_388 = arith.constant 0 : i32
      %dma_start3A_389 = tpu.memref_slice %arg2[%dma_start3A_387, %dma_start3A_388] : memref<20000x128xf32, #tpu.memory_space<hbm>> -> memref<20000x128xf32, #tpu.memory_space<hbm>>
      tpu.enqueue_indirect_dma source(%dma_start3A_389 : memref<20000x128xf32, #tpu.memory_space<hbm>>) target(%dma_start3A_383 : memref<128x128xf32, #tpu.memory_space<vmem>>) offsets(%dma_start3A_386 : memref<128xi32, #tpu.memory_space<vmem>>) semaphore(%arg14 : memref<!tpu.dma_semaphore, #tpu.memory_space<semaphore_mem>>)
      %dma_wait3A_390 = arith.constant 2 : i32
      %dma_wait3A_391 = arith.constant 0 : i32
      %dma_wait3A_392 = arith.constant 0 : i32
      %dma_wait3A_393 = arith.constant 0 : i32
      %dma_wait3A_394 = tpu.memref_slice %arg11[%dma_wait3A_391, %dma_wait3A_392, %dma_wait3A_393] : memref<2x128x128xf32, #tpu.memory_space<vmem>> -> memref<1x128x128xf32, #tpu.memory_space<vmem>>
      %dma_wait3A_395 = tpu.memref_squeeze %dma_wait3A_394 : memref<1x128x128xf32, #tpu.memory_space<vmem>> -> memref<128x128xf32, #tpu.memory_space<vmem>>
      %dma_wait3A_396 = arith.constant 0 : i32
      %dma_wait3A_397 = tpu.memref_slice %arg9[%dma_wait3A_390, %dma_wait3A_396] : memref<4x128xi32, #tpu.memory_space<vmem>> -> memref<1x128xi32, #tpu.memory_space<vmem>>
      %dma_wait3A_398 = tpu.memref_squeeze %dma_wait3A_397 : memref<1x128xi32, #tpu.memory_space<vmem>> -> memref<128xi32, #tpu.memory_space<vmem>>
      %dma_wait3A_399 = arith.constant 0 : i32
      %dma_wait3A_400 = arith.constant 0 : i32
      %dma_wait3A_401 = tpu.memref_slice %arg2[%dma_wait3A_399, %dma_wait3A_400] : memref<20000x128xf32, #tpu.memory_space<hbm>> -> memref<20000x128xf32, #tpu.memory_space<hbm>>
      tpu.wait_indirect_dma semaphore(%arg13 : memref<!tpu.dma_semaphore, #tpu.memory_space<semaphore_mem>>) src(%dma_wait3A_401 : memref<20000x128xf32, #tpu.memory_space<hbm>>) dst(%dma_wait3A_395 : memref<128x128xf32, #tpu.memory_space<vmem>>)
      %dma_start3A_402 = arith.constant 0 : i32
      %dma_start3A_403 = arith.constant 2 : i32
      %dma_start3A_404 = arith.constant 0 : i32
      %dma_start3A_405 = arith.constant 0 : i32
      %dma_start3A_406 = tpu.memref_slice %arg11[%dma_start3A_402, %dma_start3A_404, %dma_start3A_405] : memref<2x128x128xf32, #tpu.memory_space<vmem>> -> memref<1x128x128xf32, #tpu.memory_space<vmem>>
      %dma_start3A_407 = tpu.memref_squeeze %dma_start3A_406 : memref<1x128x128xf32, #tpu.memory_space<vmem>> -> memref<128x128xf32, #tpu.memory_space<vmem>>
      %dma_start3A_408 = arith.constant 0 : i32
      %dma_start3A_409 = tpu.memref_slice %arg10[%dma_start3A_403, %dma_start3A_408] : memref<4x128xi32, #tpu.memory_space<vmem>> -> memref<1x128xi32, #tpu.memory_space<vmem>>
      %dma_start3A_410 = tpu.memref_squeeze %dma_start3A_409 : memref<1x128xi32, #tpu.memory_space<vmem>> -> memref<128xi32, #tpu.memory_space<vmem>>
      %dma_start3A_411 = arith.constant 0 : i32
      %dma_start3A_412 = arith.constant 0 : i32
      %dma_start3A_413 = tpu.memref_slice %arg12[%dma_start3A_411, %dma_start3A_412] : memref<10112x128xf32, #tpu.memory_space<vmem_shared>> -> memref<10112x128xf32, #tpu.memory_space<vmem_shared>>
      tpu.enqueue_indirect_dma source(%dma_start3A_407 : memref<128x128xf32, #tpu.memory_space<vmem>>) target(%dma_start3A_413 : memref<10112x128xf32, #tpu.memory_space<vmem_shared>>) offsets(%dma_start3A_410 : memref<128xi32, #tpu.memory_space<vmem>>) semaphore(%arg15 : memref<!tpu.dma_semaphore, #tpu.memory_space<semaphore_mem>>) {add = true}
      %dma_wait3A_414 = arith.constant 0 : i32
      %dma_wait3A_415 = arith.constant 2 : i32
      %dma_wait3A_416 = arith.constant 0 : i32
      %dma_wait3A_417 = arith.constant 0 : i32
      %dma_wait3A_418 = tpu.memref_slice %arg11[%dma_wait3A_414, %dma_wait3A_416, %dma_wait3A_417] : memref<2x128x128xf32, #tpu.memory_space<vmem>> -> memref<1x128x128xf32, #tpu.memory_space<vmem>>
      %dma_wait3A_419 = tpu.memref_squeeze %dma_wait3A_418 : memref<1x128x128xf32, #tpu.memory_space<vmem>> -> memref<128x128xf32, #tpu.memory_space<vmem>>
      %dma_wait3A_420 = arith.constant 0 : i32
      %dma_wait3A_421 = tpu.memref_slice %arg10[%dma_wait3A_415, %dma_wait3A_420] : memref<4x128xi32, #tpu.memory_space<vmem>> -> memref<1x128xi32, #tpu.memory_space<vmem>>
      %dma_wait3A_422 = tpu.memref_squeeze %dma_wait3A_421 : memref<1x128xi32, #tpu.memory_space<vmem>> -> memref<128xi32, #tpu.memory_space<vmem>>
      %dma_wait3A_423 = arith.constant 0 : i32
      %dma_wait3A_424 = arith.constant 0 : i32
      %dma_wait3A_425 = tpu.memref_slice %arg12[%dma_wait3A_423, %dma_wait3A_424] : memref<10112x128xf32, #tpu.memory_space<vmem_shared>> -> memref<10112x128xf32, #tpu.memory_space<vmem_shared>>
      tpu.wait_indirect_dma semaphore(%arg15 : memref<!tpu.dma_semaphore, #tpu.memory_space<semaphore_mem>>) src(%dma_wait3A_419 : memref<128x128xf32, #tpu.memory_space<vmem>>) dst(%dma_wait3A_425 : memref<10112x128xf32, #tpu.memory_space<vmem_shared>>)
      %lt3A_426 = arith.constant 19 : i32
      %lt3A_427 = arith.cmpi slt, %scan3A_95, %lt3A_426 : i32
      %convert_element_type3A_428 = arith.extui %lt3A_427 : i1 to i32
      %cond3A_429 = arith.constant 0 : i32
      %cond3A_430 = arith.cmpi ne, %convert_element_type3A_428, %cond3A_429 : i32
      scf.if %cond3A_430 {
        %mul3A_477 = arith.constant 2 : i32
        %mul3A_478 = arith.muli %mul3A_477, %scan3A_95 : i32
        %add3A_479 = arith.constant 2 : i32
        %add3A_480 = arith.addi %mul3A_478, %add3A_479 : i32
        %mul3A_481 = arith.constant 4 : i32
        %mul3A_482 = arith.muli %add3A_480, %mul3A_481 : i32
        %dma_wait3A_483 = arith.constant 0 : i32
        %dma_wait3A_484 = tpu.memref_slice %arg3[%add3A, %mul3A_482, %dma_wait3A_483] : memref<32x160x128xi32, #tpu.memory_space<hbm>> -> memref<1x4x128xi32, #tpu.memory_space<hbm>>
        %dma_wait3A_485 = tpu.memref_squeeze %dma_wait3A_484 : memref<1x4x128xi32, #tpu.memory_space<hbm>> -> memref<4x128xi32, #tpu.memory_space<hbm>>
        %dma_wait3A_486 = arith.constant 0 : i32
        %dma_wait3A_487 = tpu.memref_slice %arg3[%add3A, %mul3A_482, %dma_wait3A_486] : memref<32x160x128xi32, #tpu.memory_space<hbm>> -> memref<1x4x128xi32, #tpu.memory_space<hbm>>
        %dma_wait3A_488 = tpu.memref_squeeze %dma_wait3A_487 : memref<1x4x128xi32, #tpu.memory_space<hbm>> -> memref<4x128xi32, #tpu.memory_space<hbm>>
        tpu.wait_dma2 semaphore(%arg17 : memref<!tpu.dma_semaphore, #tpu.memory_space<semaphore_mem>>) src(%dma_wait3A_488 : memref<4x128xi32, #tpu.memory_space<hbm>>) dst(%arg7 : memref<4x128xi32, #tpu.memory_space<vmem>>)
        %mul3A_489 = arith.constant 2 : i32
        %mul3A_490 = arith.muli %mul3A_489, %scan3A_95 : i32
        %add3A_491 = arith.constant 2 : i32
        %add3A_492 = arith.addi %mul3A_490, %add3A_491 : i32
        %mul3A_493 = arith.constant 4 : i32
        %mul3A_494 = arith.muli %add3A_492, %mul3A_493 : i32
        %dma_wait3A_495 = arith.constant 0 : i32
        %dma_wait3A_496 = tpu.memref_slice %arg4[%add3A, %mul3A_494, %dma_wait3A_495] : memref<32x160x128xi32, #tpu.memory_space<hbm>> -> memref<1x4x128xi32, #tpu.memory_space<hbm>>
        %dma_wait3A_497 = tpu.memref_squeeze %dma_wait3A_496 : memref<1x4x128xi32, #tpu.memory_space<hbm>> -> memref<4x128xi32, #tpu.memory_space<hbm>>
        %dma_wait3A_498 = arith.constant 0 : i32
        %dma_wait3A_499 = tpu.memref_slice %arg4[%add3A, %mul3A_494, %dma_wait3A_498] : memref<32x160x128xi32, #tpu.memory_space<hbm>> -> memref<1x4x128xi32, #tpu.memory_space<hbm>>
        %dma_wait3A_500 = tpu.memref_squeeze %dma_wait3A_499 : memref<1x4x128xi32, #tpu.memory_space<hbm>> -> memref<4x128xi32, #tpu.memory_space<hbm>>
        tpu.wait_dma2 semaphore(%arg17 : memref<!tpu.dma_semaphore, #tpu.memory_space<semaphore_mem>>) src(%dma_wait3A_500 : memref<4x128xi32, #tpu.memory_space<hbm>>) dst(%arg8 : memref<4x128xi32, #tpu.memory_space<vmem>>)
        %dma_start3A_501 = arith.constant 0 : i32
        %dma_start3A_502 = arith.constant 0 : i32
        %dma_start3A_503 = arith.constant 0 : i32
        %dma_start3A_504 = arith.constant 0 : i32
        %dma_start3A_505 = tpu.memref_slice %arg11[%dma_start3A_502, %dma_start3A_503, %dma_start3A_504] : memref<2x128x128xf32, #tpu.memory_space<vmem>> -> memref<1x128x128xf32, #tpu.memory_space<vmem>>
        %dma_start3A_506 = tpu.memref_squeeze %dma_start3A_505 : memref<1x128x128xf32, #tpu.memory_space<vmem>> -> memref<128x128xf32, #tpu.memory_space<vmem>>
        %dma_start3A_507 = arith.constant 0 : i32
        %dma_start3A_508 = tpu.memref_slice %arg7[%dma_start3A_501, %dma_start3A_507] : memref<4x128xi32, #tpu.memory_space<vmem>> -> memref<1x128xi32, #tpu.memory_space<vmem>>
        %dma_start3A_509 = tpu.memref_squeeze %dma_start3A_508 : memref<1x128xi32, #tpu.memory_space<vmem>> -> memref<128xi32, #tpu.memory_space<vmem>>
        %dma_start3A_510 = arith.constant 0 : i32
        %dma_start3A_511 = arith.constant 0 : i32
        %dma_start3A_512 = tpu.memref_slice %arg2[%dma_start3A_510, %dma_start3A_511] : memref<20000x128xf32, #tpu.memory_space<hbm>> -> memref<20000x128xf32, #tpu.memory_space<hbm>>
        tpu.enqueue_indirect_dma source(%dma_start3A_512 : memref<20000x128xf32, #tpu.memory_space<hbm>>) target(%dma_start3A_506 : memref<128x128xf32, #tpu.memory_space<vmem>>) offsets(%dma_start3A_509 : memref<128xi32, #tpu.memory_space<vmem>>) semaphore(%arg13 : memref<!tpu.dma_semaphore, #tpu.memory_space<semaphore_mem>>)
      } else {
      }
      %dma_wait3A_431 = arith.constant 3 : i32
      %dma_wait3A_432 = arith.constant 1 : i32
      %dma_wait3A_433 = arith.constant 0 : i32
      %dma_wait3A_434 = arith.constant 0 : i32
      %dma_wait3A_435 = tpu.memref_slice %arg11[%dma_wait3A_432, %dma_wait3A_433, %dma_wait3A_434] : memref<2x128x128xf32, #tpu.memory_space<vmem>> -> memref<1x128x128xf32, #tpu.memory_space<vmem>>
      %dma_wait3A_436 = tpu.memref_squeeze %dma_wait3A_435 : memref<1x128x128xf32, #tpu.memory_space<vmem>> -> memref<128x128xf32, #tpu.memory_space<vmem>>
      %dma_wait3A_437 = arith.constant 0 : i32
      %dma_wait3A_438 = tpu.memref_slice %arg9[%dma_wait3A_431, %dma_wait3A_437] : memref<4x128xi32, #tpu.memory_space<vmem>> -> memref<1x128xi32, #tpu.memory_space<vmem>>
      %dma_wait3A_439 = tpu.memref_squeeze %dma_wait3A_438 : memref<1x128xi32, #tpu.memory_space<vmem>> -> memref<128xi32, #tpu.memory_space<vmem>>
      %dma_wait3A_440 = arith.constant 0 : i32
      %dma_wait3A_441 = arith.constant 0 : i32
      %dma_wait3A_442 = tpu.memref_slice %arg2[%dma_wait3A_440, %dma_wait3A_441] : memref<20000x128xf32, #tpu.memory_space<hbm>> -> memref<20000x128xf32, #tpu.memory_space<hbm>>
      tpu.wait_indirect_dma semaphore(%arg14 : memref<!tpu.dma_semaphore, #tpu.memory_space<semaphore_mem>>) src(%dma_wait3A_442 : memref<20000x128xf32, #tpu.memory_space<hbm>>) dst(%dma_wait3A_436 : memref<128x128xf32, #tpu.memory_space<vmem>>)
      %dma_start3A_443 = arith.constant 1 : i32
      %dma_start3A_444 = arith.constant 3 : i32
      %dma_start3A_445 = arith.constant 0 : i32
      %dma_start3A_446 = arith.constant 0 : i32
      %dma_start3A_447 = tpu.memref_slice %arg11[%dma_start3A_443, %dma_start3A_445, %dma_start3A_446] : memref<2x128x128xf32, #tpu.memory_space<vmem>> -> memref<1x128x128xf32, #tpu.memory_space<vmem>>
      %dma_start3A_448 = tpu.memref_squeeze %dma_start3A_447 : memref<1x128x128xf32, #tpu.memory_space<vmem>> -> memref<128x128xf32, #tpu.memory_space<vmem>>
      %dma_start3A_449 = arith.constant 0 : i32
      %dma_start3A_450 = tpu.memref_slice %arg10[%dma_start3A_444, %dma_start3A_449] : memref<4x128xi32, #tpu.memory_space<vmem>> -> memref<1x128xi32, #tpu.memory_space<vmem>>
      %dma_start3A_451 = tpu.memref_squeeze %dma_start3A_450 : memref<1x128xi32, #tpu.memory_space<vmem>> -> memref<128xi32, #tpu.memory_space<vmem>>
      %dma_start3A_452 = arith.constant 0 : i32
      %dma_start3A_453 = arith.constant 0 : i32
      %dma_start3A_454 = tpu.memref_slice %arg12[%dma_start3A_452, %dma_start3A_453] : memref<10112x128xf32, #tpu.memory_space<vmem_shared>> -> memref<10112x128xf32, #tpu.memory_space<vmem_shared>>
      tpu.enqueue_indirect_dma source(%dma_start3A_448 : memref<128x128xf32, #tpu.memory_space<vmem>>) target(%dma_start3A_454 : memref<10112x128xf32, #tpu.memory_space<vmem_shared>>) offsets(%dma_start3A_451 : memref<128xi32, #tpu.memory_space<vmem>>) semaphore(%arg16 : memref<!tpu.dma_semaphore, #tpu.memory_space<semaphore_mem>>) {add = true}
      %dma_wait3A_455 = arith.constant 1 : i32
      %dma_wait3A_456 = arith.constant 3 : i32
      %dma_wait3A_457 = arith.constant 0 : i32
      %dma_wait3A_458 = arith.constant 0 : i32
      %dma_wait3A_459 = tpu.memref_slice %arg11[%dma_wait3A_455, %dma_wait3A_457, %dma_wait3A_458] : memref<2x128x128xf32, #tpu.memory_space<vmem>> -> memref<1x128x128xf32, #tpu.memory_space<vmem>>
      %dma_wait3A_460 = tpu.memref_squeeze %dma_wait3A_459 : memref<1x128x128xf32, #tpu.memory_space<vmem>> -> memref<128x128xf32, #tpu.memory_space<vmem>>
      %dma_wait3A_461 = arith.constant 0 : i32
      %dma_wait3A_462 = tpu.memref_slice %arg10[%dma_wait3A_456, %dma_wait3A_461] : memref<4x128xi32, #tpu.memory_space<vmem>> -> memref<1x128xi32, #tpu.memory_space<vmem>>
      %dma_wait3A_463 = tpu.memref_squeeze %dma_wait3A_462 : memref<1x128xi32, #tpu.memory_space<vmem>> -> memref<128xi32, #tpu.memory_space<vmem>>
      %dma_wait3A_464 = arith.constant 0 : i32
      %dma_wait3A_465 = arith.constant 0 : i32
      %dma_wait3A_466 = tpu.memref_slice %arg12[%dma_wait3A_464, %dma_wait3A_465] : memref<10112x128xf32, #tpu.memory_space<vmem_shared>> -> memref<10112x128xf32, #tpu.memory_space<vmem_shared>>
      tpu.wait_indirect_dma semaphore(%arg16 : memref<!tpu.dma_semaphore, #tpu.memory_space<semaphore_mem>>) src(%dma_wait3A_460 : memref<128x128xf32, #tpu.memory_space<vmem>>) dst(%dma_wait3A_466 : memref<10112x128xf32, #tpu.memory_space<vmem_shared>>)
      %lt3A_467 = arith.constant 19 : i32
      %lt3A_468 = arith.cmpi slt, %scan3A_95, %lt3A_467 : i32
      %convert_element_type3A_469 = arith.extui %lt3A_468 : i1 to i32
      %cond3A_470 = arith.constant 0 : i32
      %cond3A_471 = arith.cmpi ne, %convert_element_type3A_469, %cond3A_470 : i32
      scf.if %cond3A_471 {
        %mul3A_477 = arith.constant 2 : i32
        %mul3A_478 = arith.muli %mul3A_477, %scan3A_95 : i32
        %add3A_479 = arith.constant 3 : i32
        %add3A_480 = arith.addi %mul3A_478, %add3A_479 : i32
        %mul3A_481 = arith.constant 4 : i32
        %mul3A_482 = arith.muli %add3A_480, %mul3A_481 : i32
        %dma_start3A_483 = arith.constant 0 : i32
        %dma_start3A_484 = tpu.memref_slice %arg3[%add3A, %mul3A_482, %dma_start3A_483] : memref<32x160x128xi32, #tpu.memory_space<hbm>> -> memref<1x4x128xi32, #tpu.memory_space<hbm>>
        %dma_start3A_485 = tpu.memref_squeeze %dma_start3A_484 : memref<1x4x128xi32, #tpu.memory_space<hbm>> -> memref<4x128xi32, #tpu.memory_space<hbm>>
        %dma_start3A_486 = arith.constant 0 : i32
        %dma_start3A_487 = tpu.memref_slice %arg3[%add3A, %mul3A_482, %dma_start3A_486] : memref<32x160x128xi32, #tpu.memory_space<hbm>> -> memref<1x4x128xi32, #tpu.memory_space<hbm>>
        %dma_start3A_488 = tpu.memref_squeeze %dma_start3A_487 : memref<1x4x128xi32, #tpu.memory_space<hbm>> -> memref<4x128xi32, #tpu.memory_space<hbm>>
        tpu.enqueue_dma source(%dma_start3A_488 : memref<4x128xi32, #tpu.memory_space<hbm>>) target(%arg9 : memref<4x128xi32, #tpu.memory_space<vmem>>) target_semaphore(%arg18 : memref<!tpu.dma_semaphore, #tpu.memory_space<semaphore_mem>>)
        %mul3A_489 = arith.constant 2 : i32
        %mul3A_490 = arith.muli %mul3A_489, %scan3A_95 : i32
        %add3A_491 = arith.constant 3 : i32
        %add3A_492 = arith.addi %mul3A_490, %add3A_491 : i32
        %mul3A_493 = arith.constant 4 : i32
        %mul3A_494 = arith.muli %add3A_492, %mul3A_493 : i32
        %dma_start3A_495 = arith.constant 0 : i32
        %dma_start3A_496 = tpu.memref_slice %arg4[%add3A, %mul3A_494, %dma_start3A_495] : memref<32x160x128xi32, #tpu.memory_space<hbm>> -> memref<1x4x128xi32, #tpu.memory_space<hbm>>
        %dma_start3A_497 = tpu.memref_squeeze %dma_start3A_496 : memref<1x4x128xi32, #tpu.memory_space<hbm>> -> memref<4x128xi32, #tpu.memory_space<hbm>>
        %dma_start3A_498 = arith.constant 0 : i32
        %dma_start3A_499 = tpu.memref_slice %arg4[%add3A, %mul3A_494, %dma_start3A_498] : memref<32x160x128xi32, #tpu.memory_space<hbm>> -> memref<1x4x128xi32, #tpu.memory_space<hbm>>
        %dma_start3A_500 = tpu.memref_squeeze %dma_start3A_499 : memref<1x4x128xi32, #tpu.memory_space<hbm>> -> memref<4x128xi32, #tpu.memory_space<hbm>>
        tpu.enqueue_dma source(%dma_start3A_500 : memref<4x128xi32, #tpu.memory_space<hbm>>) target(%arg10 : memref<4x128xi32, #tpu.memory_space<vmem>>) target_semaphore(%arg18 : memref<!tpu.dma_semaphore, #tpu.memory_space<semaphore_mem>>)
      } else {
      }
      %lt3A_472 = arith.constant 19 : i32
      %lt3A_473 = arith.cmpi slt, %scan3A_95, %lt3A_472 : i32
      %convert_element_type3A_474 = arith.extui %lt3A_473 : i1 to i32
      %cond3A_475 = arith.constant 0 : i32
      %cond3A_476 = arith.cmpi ne, %convert_element_type3A_474, %cond3A_475 : i32
      scf.if %cond3A_476 {
        %dma_start3A_477 = arith.constant 1 : i32
        %dma_start3A_478 = arith.constant 1 : i32
        %dma_start3A_479 = arith.constant 0 : i32
        %dma_start3A_480 = arith.constant 0 : i32
        %dma_start3A_481 = tpu.memref_slice %arg11[%dma_start3A_478, %dma_start3A_479, %dma_start3A_480] : memref<2x128x128xf32, #tpu.memory_space<vmem>> -> memref<1x128x128xf32, #tpu.memory_space<vmem>>
        %dma_start3A_482 = tpu.memref_squeeze %dma_start3A_481 : memref<1x128x128xf32, #tpu.memory_space<vmem>> -> memref<128x128xf32, #tpu.memory_space<vmem>>
        %dma_start3A_483 = arith.constant 0 : i32
        %dma_start3A_484 = tpu.memref_slice %arg7[%dma_start3A_477, %dma_start3A_483] : memref<4x128xi32, #tpu.memory_space<vmem>> -> memref<1x128xi32, #tpu.memory_space<vmem>>
        %dma_start3A_485 = tpu.memref_squeeze %dma_start3A_484 : memref<1x128xi32, #tpu.memory_space<vmem>> -> memref<128xi32, #tpu.memory_space<vmem>>
        %dma_start3A_486 = arith.constant 0 : i32
        %dma_start3A_487 = arith.constant 0 : i32
        %dma_start3A_488 = tpu.memref_slice %arg2[%dma_start3A_486, %dma_start3A_487] : memref<20000x128xf32, #tpu.memory_space<hbm>> -> memref<20000x128xf32, #tpu.memory_space<hbm>>
        tpu.enqueue_indirect_dma source(%dma_start3A_488 : memref<20000x128xf32, #tpu.memory_space<hbm>>) target(%dma_start3A_482 : memref<128x128xf32, #tpu.memory_space<vmem>>) offsets(%dma_start3A_485 : memref<128xi32, #tpu.memory_space<vmem>>) semaphore(%arg14 : memref<!tpu.dma_semaphore, #tpu.memory_space<semaphore_mem>>)
      } else {
      }
    }
    %scan3A_93 = arith.constant 20 : i32
    %barrier3A_94 = arith.constant 0 : index
    tpu.barrier barrier_id(%barrier3A_94)
    "tpu.region"() ({
      %run_scoped3A = tpu.sem_alloc : memref<!tpu.dma_semaphore, #tpu.memory_space<semaphore_mem>>
      %dma_start3A_95 = arith.constant 0 : i32
      %dma_start3A_96 = tpu.memref_slice %arg6[%arg0, %mul3A_2, %dma_start3A_95] : memref<2x10112x128xf32, #tpu.memory_space<hbm>> -> memref<1x632x128xf32, #tpu.memory_space<hbm>>
      %dma_start3A_97 = tpu.memref_squeeze %dma_start3A_96 : memref<1x632x128xf32, #tpu.memory_space<hbm>> -> memref<632x128xf32, #tpu.memory_space<hbm>>
      %dma_start3A_98 = arith.constant 0 : i32
      %dma_start3A_99 = tpu.memref_slice %arg12[%mul3A_2, %dma_start3A_98] : memref<10112x128xf32, #tpu.memory_space<vmem_shared>> -> memref<632x128xf32, #tpu.memory_space<vmem_shared>>
      tpu.enqueue_dma source(%dma_start3A_99 : memref<632x128xf32, #tpu.memory_space<vmem_shared>>) target(%dma_start3A_97 : memref<632x128xf32, #tpu.memory_space<hbm>>) target_semaphore(%run_scoped3A : memref<!tpu.dma_semaphore, #tpu.memory_space<semaphore_mem>>)
      %dma_wait3A_100 = arith.constant 0 : i32
      %dma_wait3A_101 = tpu.memref_slice %arg6[%arg0, %mul3A_2, %dma_wait3A_100] : memref<2x10112x128xf32, #tpu.memory_space<hbm>> -> memref<1x632x128xf32, #tpu.memory_space<hbm>>
      %dma_wait3A_102 = tpu.memref_squeeze %dma_wait3A_101 : memref<1x632x128xf32, #tpu.memory_space<hbm>> -> memref<632x128xf32, #tpu.memory_space<hbm>>
      %dma_wait3A_103 = arith.constant 0 : i32
      %dma_wait3A_104 = tpu.memref_slice %arg12[%mul3A_2, %dma_wait3A_103] : memref<10112x128xf32, #tpu.memory_space<vmem_shared>> -> memref<632x128xf32, #tpu.memory_space<vmem_shared>>
      tpu.wait_dma2 semaphore(%run_scoped3A : memref<!tpu.dma_semaphore, #tpu.memory_space<semaphore_mem>>) src(%dma_wait3A_104 : memref<632x128xf32, #tpu.memory_space<vmem_shared>>) dst(%dma_wait3A_102 : memref<632x128xf32, #tpu.memory_space<hbm>>)
      tpu.yield
    }) : () -> ()
    return
  }
}

module attributes {stable_mosaic.version = 14 : i64} {
  func.func @_prop_body(%arg0: i32, %arg1: i32, %arg2: memref<1000x128xf32, #tpu.memory_space<vmem>>, %arg3: memref<128x128xf32, #tpu.memory_space<vmem>>, %arg4: memref<1000x128xf32, #tpu.memory_space<vmem>>) attributes {dimension_semantics = [#tpu.dimension_semantics<arbitrary>, #tpu.dimension_semantics<arbitrary>], iteration_bounds = array<i64: 2, 10>, scalar_prefetch = 0 : i64, scratch_operands = 0 : i64, tpu.core_type = #tpu.core_type<tc>, window_params = [{transform_indices = @transform_0, window_bounds = array<i64: 1000, 128>}, {transform_indices = @transform_1, window_bounds = array<i64: 128, 128>}, {transform_indices = @transform_2, window_bounds = array<i64: 1000, 128>}]} {
    %get3A = arith.constant 0 : index
    %get3A_0 = arith.constant 0 : index
    %get3A_1 = vector.load %arg2[%get3A, %get3A_0] : memref<1000x128xf32, #tpu.memory_space<vmem>>, vector<1000x128xf32>
    %get3A_2 = arith.constant 0 : index
    %get3A_3 = arith.constant 0 : index
    %get3A_4 = vector.load %arg3[%get3A_2, %get3A_3] : memref<128x128xf32, #tpu.memory_space<vmem>>, vector<128x128xf32>
    %dot_general3A = arith.constant dense<0.000000e+00> : vector<1000x128xf32>
    %dot_general3A_5 = tpu.matmul %get3A_1, %get3A_4, %dot_general3A {dimension_numbers = #tpu.dot_dimension_numbers<[1], [1], [0], [0], [0, 0, 1, 0], [], []>, transpose_lhs_hint = false} : vector<1000x128xf32>, vector<128x128xf32>, vector<1000x128xf32> -> vector<1000x128xf32>
    %swap3A = arith.constant 0 : index
    %swap3A_6 = arith.constant 0 : index
    %swap3A_7 = vector.load %arg4[%swap3A, %swap3A_6] : memref<1000x128xf32, #tpu.memory_space<vmem>>, vector<1000x128xf32>
    tpu.vector_store %arg4[%swap3A, %swap3A_6], %dot_general3A_5 {strides = array<i32>} : memref<1000x128xf32, #tpu.memory_space<vmem>>, vector<1000x128xf32>,
    return
  }
  func.func @transform_0(%arg0: i32, %arg1: i32) -> (i32, i32) {
    %c0_i32 = arith.constant 0 : i32
    %c0_i32_0 = arith.constant 0 : i32
    return %arg1, %c0_i32 : i32, i32
  }
  func.func @transform_1(%arg0: i32, %arg1: i32) -> (i32, i32) {
    %c0_i32 = arith.constant 0 : i32
    %c0_i32_0 = arith.constant 0 : i32
    return %arg0, %c0_i32 : i32, i32
  }
  func.func @transform_2(%arg0: i32, %arg1: i32) -> (i32, i32) {
    %mul3A = arith.constant 10 : i32
    %mul3A_0 = arith.muli %arg0, %mul3A : i32
    %add3A = arith.addi %mul3A_0, %arg1 : i32
    %c0_i32 = arith.constant 0 : i32
    %c0_i32_1 = arith.constant 0 : i32
    return %add3A, %c0_i32 : i32, i32
  }
}

module attributes {stable_mosaic.version = 14 : i64} {
  func.func @_gru_prop_body(%arg0: i32, %arg1: memref<2x1000x128xf32, #tpu.memory_space<vmem>>, %arg2: memref<1000x1xf32, #tpu.memory_space<vmem>>, %arg3: memref<1000x1xf32, #tpu.memory_space<vmem>>, %arg4: memref<1000x128xf32, #tpu.memory_space<vmem>>, %arg5: memref<384x128xf32, #tpu.memory_space<vmem>>, %arg6: memref<384x128xf32, #tpu.memory_space<vmem>>, %arg7: memref<1x384xf32, #tpu.memory_space<vmem>>, %arg8: memref<1x384xf32, #tpu.memory_space<vmem>>, %arg9: memref<256x128xf32, #tpu.memory_space<vmem>>, %arg10: memref<1000x128xf32, #tpu.memory_space<vmem>>, %arg11: memref<2x1000x128xf32, #tpu.memory_space<vmem>>) attributes {dimension_semantics = [#tpu.dimension_semantics<arbitrary>], iteration_bounds = array<i64: 10>, scalar_prefetch = 0 : i64, scratch_operands = 0 : i64, tpu.core_type = #tpu.core_type<tc>, window_params = [{transform_indices = @transform_0, window_bounds = array<i64: 2, 1000, 128>}, {transform_indices = @transform_1, window_bounds = array<i64: 1000, 1>}, {transform_indices = @transform_2, window_bounds = array<i64: 1000, 1>}, {transform_indices = @transform_3, window_bounds = array<i64: 1000, 128>}, {pipeline_mode = #tpu.pipeline_mode<synchronous>, transform_indices = @transform_4, window_bounds = array<i64: 384, 128>}, {pipeline_mode = #tpu.pipeline_mode<synchronous>, transform_indices = @transform_5, window_bounds = array<i64: 384, 128>}, {pipeline_mode = #tpu.pipeline_mode<synchronous>, transform_indices = @transform_6, window_bounds = array<i64: 1, 384>}, {pipeline_mode = #tpu.pipeline_mode<synchronous>, transform_indices = @transform_7, window_bounds = array<i64: 1, 384>}, {pipeline_mode = #tpu.pipeline_mode<synchronous>, transform_indices = @transform_8, window_bounds = array<i64: 256, 128>}, {transform_indices = @transform_9, window_bounds = array<i64: 1000, 128>}, {transform_indices = @transform_10, window_bounds = array<i64: 2, 1000, 128>}]} {
    %get3A = arith.constant 0 : index
    %get3A_0 = arith.constant 0 : index
    %get3A_1 = vector.load %arg2[%get3A, %get3A_0] : memref<1000x1xf32, #tpu.memory_space<vmem>>, vector<1000x1xf32>
    %get3A_2 = arith.constant 0 : index
    %get3A_3 = arith.constant 0 : index
    %get3A_4 = vector.load %arg3[%get3A_2, %get3A_3] : memref<1000x1xf32, #tpu.memory_space<vmem>>, vector<1000x1xf32>
    %add3A = arith.addf %get3A_1, %get3A_4 : vector<1000x1xf32>
    %eq3A = arith.constant 0.000000e+00 : f32
    %eq3A_5 = vector.broadcast %eq3A : f32 to vector<1000x1xf32>
    %eq3A_6 = arith.cmpf oeq, %add3A, %eq3A_5 : vector<1000x1xf32>
    %div3A = arith.constant 1.000000e+00 : f32
    %div3A_7 = vector.broadcast %div3A : f32 to vector<1000x1xf32>
    %div3A_8 = arith.divf %div3A_7, %add3A : vector<1000x1xf32>
    %jit3A = arith.constant 1.000000e+00 : f32
    %broadcast_in_dim3A = vector.broadcast %jit3A : f32 to vector<1000x1xf32>
    %select_n3A = arith.select %eq3A_6, %broadcast_in_dim3A, %div3A_8 : vector<1000x1xi1>, vector<1000x1xf32>
    %get3A_9 = arith.constant 0 : index
    %get3A_10 = arith.constant 0 : index
    %get3A_11 = arith.constant 0 : index
    %get3A_12 = vector.load %arg1[%get3A_9, %get3A_10, %get3A_11] : memref<2x1000x128xf32, #tpu.memory_space<vmem>>, vector<1x1000x128xf32>
    %get3A_13 = vector.shape_cast %get3A_12 : vector<1x1000x128xf32> to vector<1000x128xf32>
    %get3A_14 = arith.constant 1 : index
    %get3A_15 = arith.constant 0 : index
    %get3A_16 = arith.constant 0 : index
    %get3A_17 = vector.load %arg1[%get3A_14, %get3A_15, %get3A_16] : memref<2x1000x128xf32, #tpu.memory_space<vmem>>, vector<1x1000x128xf32>
    %get3A_18 = vector.shape_cast %get3A_17 : vector<1x1000x128xf32> to vector<1000x128xf32>
    %add3A_19 = arith.addf %get3A_13, %get3A_18 : vector<1000x128xf32>
    %mul3A = vector.broadcast %select_n3A : vector<1000x1xf32> to vector<1000x128xf32>
    %mul3A_20 = arith.mulf %add3A_19, %mul3A : vector<1000x128xf32>
    %get3A_21 = arith.constant 0 : index
    %get3A_22 = arith.constant 0 : index
    %get3A_23 = vector.load %arg4[%get3A_21, %get3A_22] : memref<1000x128xf32, #tpu.memory_space<vmem>>, vector<1000x128xf32>
    %get3A_24 = arith.constant 0 : index
    %get3A_25 = arith.constant 0 : index
    %get3A_26 = vector.load %arg5[%get3A_24, %get3A_25] : memref<384x128xf32, #tpu.memory_space<vmem>>, vector<384x128xf32>
    %dot_general3A = arith.constant dense<0.000000e+00> : vector<1000x384xf32>
    %dot_general3A_27 = tpu.matmul %mul3A_20, %get3A_26, %dot_general3A {dimension_numbers = #tpu.dot_dimension_numbers<[1], [1], [0], [0], [0, 0, 1, 0], [], []>, transpose_lhs_hint = false} : vector<1000x128xf32>, vector<384x128xf32>, vector<1000x384xf32> -> vector<1000x384xf32>
    %get3A_28 = arith.constant 0 : index
    %get3A_29 = arith.constant 0 : index
    %get3A_30 = vector.load %arg7[%get3A_28, %get3A_29] : memref<1x384xf32, #tpu.memory_space<vmem>>, vector<1x384xf32>
    %add3A_31 = vector.broadcast %get3A_30 : vector<1x384xf32> to vector<1000x384xf32>
    %add3A_32 = arith.addf %dot_general3A_27, %add3A_31 : vector<1000x384xf32>
    %get3A_33 = arith.constant 0 : index
    %get3A_34 = arith.constant 0 : index
    %get3A_35 = vector.load %arg6[%get3A_33, %get3A_34] : memref<384x128xf32, #tpu.memory_space<vmem>>, vector<384x128xf32>
    %dot_general3A_36 = arith.constant dense<0.000000e+00> : vector<1000x384xf32>
    %dot_general3A_37 = tpu.matmul %get3A_23, %get3A_35, %dot_general3A_36 {dimension_numbers = #tpu.dot_dimension_numbers<[1], [1], [0], [0], [0, 0, 1, 0], [], []>, transpose_lhs_hint = false} : vector<1000x128xf32>, vector<384x128xf32>, vector<1000x384xf32> -> vector<1000x384xf32>
    %get3A_38 = arith.constant 0 : index
    %get3A_39 = arith.constant 0 : index
    %get3A_40 = vector.load %arg8[%get3A_38, %get3A_39] : memref<1x384xf32, #tpu.memory_space<vmem>>, vector<1x384xf32>
    %add3A_41 = vector.broadcast %get3A_40 : vector<1x384xf32> to vector<1000x384xf32>
    %add3A_42 = arith.addf %dot_general3A_37, %add3A_41 : vector<1000x384xf32>
    %slice3A = vector.extract_strided_slice %add3A_32 {offsets = [0, 0], sizes = [1000, 128], strides = [1, 1]} : vector<1000x384xf32> to vector<1000x128xf32>
    %slice3A_43 = vector.extract_strided_slice %add3A_32 {offsets = [0, 128], sizes = [1000, 128], strides = [1, 1]} : vector<1000x384xf32> to vector<1000x128xf32>
    %slice3A_44 = vector.extract_strided_slice %add3A_32 {offsets = [0, 256], sizes = [1000, 128], strides = [1, 1]} : vector<1000x384xf32> to vector<1000x128xf32>
    %slice3A_45 = vector.extract_strided_slice %add3A_42 {offsets = [0, 0], sizes = [1000, 128], strides = [1, 1]} : vector<1000x384xf32> to vector<1000x128xf32>
    %slice3A_46 = vector.extract_strided_slice %add3A_42 {offsets = [0, 128], sizes = [1000, 128], strides = [1, 1]} : vector<1000x384xf32> to vector<1000x128xf32>
    %slice3A_47 = vector.extract_strided_slice %add3A_42 {offsets = [0, 256], sizes = [1000, 128], strides = [1, 1]} : vector<1000x384xf32> to vector<1000x128xf32>
    %add3A_48 = arith.addf %slice3A, %slice3A_45 : vector<1000x128xf32>
    %logistic3A = arith.negf %add3A_48 : vector<1000x128xf32>
    %logistic3A_49 = math.exp %logistic3A : vector<1000x128xf32>
    %logistic3A_50 = arith.constant 1.000000e+00 : f32
    %logistic3A_51 = vector.broadcast %logistic3A_50 : f32 to vector<1000x128xf32>
    %logistic3A_52 = arith.addf %logistic3A_51, %logistic3A_49 : vector<1000x128xf32>
    %logistic3A_53 = arith.divf %logistic3A_51, %logistic3A_52 : vector<1000x128xf32>
    %add3A_54 = arith.addf %slice3A_43, %slice3A_46 : vector<1000x128xf32>
    %logistic3A_55 = arith.negf %add3A_54 : vector<1000x128xf32>
    %logistic3A_56 = math.exp %logistic3A_55 : vector<1000x128xf32>
    %logistic3A_57 = arith.constant 1.000000e+00 : f32
    %logistic3A_58 = vector.broadcast %logistic3A_57 : f32 to vector<1000x128xf32>
    %logistic3A_59 = arith.addf %logistic3A_58, %logistic3A_56 : vector<1000x128xf32>
    %logistic3A_60 = arith.divf %logistic3A_58, %logistic3A_59 : vector<1000x128xf32>
    %mul3A_61 = arith.mulf %logistic3A_53, %slice3A_47 : vector<1000x128xf32>
    %add3A_62 = arith.addf %slice3A_44, %mul3A_61 : vector<1000x128xf32>
    %tanh3A = math.tanh %add3A_62 : vector<1000x128xf32>
    %sub3A = arith.constant 1.000000e+00 : f32
    %sub3A_63 = vector.broadcast %sub3A : f32 to vector<1000x128xf32>
    %sub3A_64 = arith.subf %sub3A_63, %logistic3A_60 : vector<1000x128xf32>
    %mul3A_65 = arith.mulf %sub3A_64, %tanh3A : vector<1000x128xf32>
    %mul3A_66 = arith.mulf %logistic3A_60, %get3A_23 : vector<1000x128xf32>
    %add3A_67 = arith.addf %mul3A_65, %mul3A_66 : vector<1000x128xf32>
    %swap3A = arith.constant 0 : index
    %swap3A_68 = arith.constant 0 : index
    %swap3A_69 = vector.load %arg10[%swap3A, %swap3A_68] : memref<1000x128xf32, #tpu.memory_space<vmem>>, vector<1000x128xf32>
    tpu.vector_store %arg10[%swap3A, %swap3A_68], %add3A_67 {strides = array<i32>} : memref<1000x128xf32, #tpu.memory_space<vmem>>, vector<1000x128xf32>,
    %get3A_70 = arith.constant 0 : index
    %get3A_71 = arith.constant 0 : index
    %get3A_72 = vector.load %arg9[%get3A_70, %get3A_71] : memref<256x128xf32, #tpu.memory_space<vmem>>, vector<128x128xf32>
    %dot_general3A_73 = arith.constant dense<0.000000e+00> : vector<1000x128xf32>
    %dot_general3A_74 = tpu.matmul %add3A_67, %get3A_72, %dot_general3A_73 {dimension_numbers = #tpu.dot_dimension_numbers<[1], [1], [0], [0], [0, 0, 1, 0], [], []>, transpose_lhs_hint = false} : vector<1000x128xf32>, vector<128x128xf32>, vector<1000x128xf32> -> vector<1000x128xf32>
    %swap3A_75 = arith.constant 0 : index
    %swap3A_76 = arith.constant 0 : index
    %swap3A_77 = arith.constant 0 : index
    %swap3A_78 = vector.load %arg11[%swap3A_75, %swap3A_76, %swap3A_77] : memref<2x1000x128xf32, #tpu.memory_space<vmem>>, vector<1x1000x128xf32>
    %swap3A_79 = vector.shape_cast %swap3A_78 : vector<1x1000x128xf32> to vector<1000x128xf32>
    %swap3A_80 = vector.shape_cast %dot_general3A_74 : vector<1000x128xf32> to vector<1x1000x128xf32>
    tpu.vector_store %arg11[%swap3A_75, %swap3A_76, %swap3A_77], %swap3A_80 {strides = array<i32>} : memref<2x1000x128xf32, #tpu.memory_space<vmem>>, vector<1x1000x128xf32>,
    %get3A_81 = arith.constant 128 : index
    %get3A_82 = arith.constant 0 : index
    %get3A_83 = vector.load %arg9[%get3A_81, %get3A_82] : memref<256x128xf32, #tpu.memory_space<vmem>>, vector<128x128xf32>
    %dot_general3A_84 = arith.constant dense<0.000000e+00> : vector<1000x128xf32>
    %dot_general3A_85 = tpu.matmul %add3A_67, %get3A_83, %dot_general3A_84 {dimension_numbers = #tpu.dot_dimension_numbers<[1], [1], [0], [0], [0, 0, 1, 0], [], []>, transpose_lhs_hint = false} : vector<1000x128xf32>, vector<128x128xf32>, vector<1000x128xf32> -> vector<1000x128xf32>
    %swap3A_86 = arith.constant 1 : index
    %swap3A_87 = arith.constant 0 : index
    %swap3A_88 = arith.constant 0 : index
    %swap3A_89 = vector.load %arg11[%swap3A_86, %swap3A_87, %swap3A_88] : memref<2x1000x128xf32, #tpu.memory_space<vmem>>, vector<1x1000x128xf32>
    %swap3A_90 = vector.shape_cast %swap3A_89 : vector<1x1000x128xf32> to vector<1000x128xf32>
    %swap3A_91 = vector.shape_cast %dot_general3A_85 : vector<1000x128xf32> to vector<1x1000x128xf32>
    tpu.vector_store %arg11[%swap3A_86, %swap3A_87, %swap3A_88], %swap3A_91 {strides = array<i32>} : memref<2x1000x128xf32, #tpu.memory_space<vmem>>, vector<1x1000x128xf32>,
    return
  }
  func.func @transform_0(%arg0: i32) -> (i32, i32, i32) {
    %c0_i32 = arith.constant 0 : i32
    %c0_i32_0 = arith.constant 0 : i32
    %c0_i32_1 = arith.constant 0 : i32
    return %c0_i32, %arg0, %c0_i32_0 : i32, i32, i32
  }
  func.func @transform_1(%arg0: i32) -> (i32, i32) {
    %c0_i32 = arith.constant 0 : i32
    %c0_i32_0 = arith.constant 0 : i32
    return %arg0, %c0_i32 : i32, i32
  }
  func.func @transform_2(%arg0: i32) -> (i32, i32) {
    %c0_i32 = arith.constant 0 : i32
    %c0_i32_0 = arith.constant 0 : i32
    return %arg0, %c0_i32 : i32, i32
  }
  func.func @transform_3(%arg0: i32) -> (i32, i32) {
    %c0_i32 = arith.constant 0 : i32
    %c0_i32_0 = arith.constant 0 : i32
    return %arg0, %c0_i32 : i32, i32
  }
  func.func @transform_4(%arg0: i32) -> (i32, i32) {
    %c0_i32 = arith.constant 0 : i32
    %c0_i32_0 = arith.constant 0 : i32
    %c0_i32_1 = arith.constant 0 : i32
    return %c0_i32, %c0_i32_0 : i32, i32
  }
  func.func @transform_5(%arg0: i32) -> (i32, i32) {
    %c0_i32 = arith.constant 0 : i32
    %c0_i32_0 = arith.constant 0 : i32
    %c0_i32_1 = arith.constant 0 : i32
    return %c0_i32, %c0_i32_0 : i32, i32
  }
  func.func @transform_6(%arg0: i32) -> (i32, i32) {
    %c0_i32 = arith.constant 0 : i32
    %c0_i32_0 = arith.constant 0 : i32
    %c0_i32_1 = arith.constant 0 : i32
    return %c0_i32, %c0_i32_0 : i32, i32
  }
  func.func @transform_7(%arg0: i32) -> (i32, i32) {
    %c0_i32 = arith.constant 0 : i32
    %c0_i32_0 = arith.constant 0 : i32
    %c0_i32_1 = arith.constant 0 : i32
    return %c0_i32, %c0_i32_0 : i32, i32
  }
  func.func @transform_8(%arg0: i32) -> (i32, i32) {
    %c0_i32 = arith.constant 0 : i32
    %c0_i32_0 = arith.constant 0 : i32
    %c0_i32_1 = arith.constant 0 : i32
    return %c0_i32, %c0_i32_0 : i32, i32
  }
  func.func @transform_9(%arg0: i32) -> (i32, i32) {
    %c0_i32 = arith.constant 0 : i32
    %c0_i32_0 = arith.constant 0 : i32
    return %arg0, %c0_i32 : i32, i32
  }
  func.func @transform_10(%arg0: i32) -> (i32, i32, i32) {
    %c0_i32 = arith.constant 0 : i32
    %c0_i32_0 = arith.constant 0 : i32
    %c0_i32_1 = arith.constant 0 : i32
    return %c0_i32, %arg0, %c0_i32_0 : i32, i32, i32
  }
}

module attributes {stable_mosaic.version = 14 : i64} {
  func.func @_gru_body(%arg0: i32, %arg1: memref<2x1000x128xf32, #tpu.memory_space<vmem>>, %arg2: memref<1000x1xf32, #tpu.memory_space<vmem>>, %arg3: memref<1000x1xf32, #tpu.memory_space<vmem>>, %arg4: memref<1000x128xf32, #tpu.memory_space<vmem>>, %arg5: memref<384x128xf32, #tpu.memory_space<vmem>>, %arg6: memref<384x128xf32, #tpu.memory_space<vmem>>, %arg7: memref<1x384xf32, #tpu.memory_space<vmem>>, %arg8: memref<1x384xf32, #tpu.memory_space<vmem>>, %arg9: memref<1000x128xf32, #tpu.memory_space<vmem>>) attributes {dimension_semantics = [#tpu.dimension_semantics<arbitrary>], iteration_bounds = array<i64: 10>, scalar_prefetch = 0 : i64, scratch_operands = 0 : i64, tpu.core_type = #tpu.core_type<tc>, window_params = [{transform_indices = @transform_0, window_bounds = array<i64: 2, 1000, 128>}, {transform_indices = @transform_1, window_bounds = array<i64: 1000, 1>}, {transform_indices = @transform_2, window_bounds = array<i64: 1000, 1>}, {transform_indices = @transform_3, window_bounds = array<i64: 1000, 128>}, {pipeline_mode = #tpu.pipeline_mode<synchronous>, transform_indices = @transform_4, window_bounds = array<i64: 384, 128>}, {pipeline_mode = #tpu.pipeline_mode<synchronous>, transform_indices = @transform_5, window_bounds = array<i64: 384, 128>}, {pipeline_mode = #tpu.pipeline_mode<synchronous>, transform_indices = @transform_6, window_bounds = array<i64: 1, 384>}, {pipeline_mode = #tpu.pipeline_mode<synchronous>, transform_indices = @transform_7, window_bounds = array<i64: 1, 384>}, {transform_indices = @transform_8, window_bounds = array<i64: 1000, 128>}]} {
    %get3A = arith.constant 0 : index
    %get3A_0 = arith.constant 0 : index
    %get3A_1 = vector.load %arg2[%get3A, %get3A_0] : memref<1000x1xf32, #tpu.memory_space<vmem>>, vector<1000x1xf32>
    %get3A_2 = arith.constant 0 : index
    %get3A_3 = arith.constant 0 : index
    %get3A_4 = vector.load %arg3[%get3A_2, %get3A_3] : memref<1000x1xf32, #tpu.memory_space<vmem>>, vector<1000x1xf32>
    %add3A = arith.addf %get3A_1, %get3A_4 : vector<1000x1xf32>
    %eq3A = arith.constant 0.000000e+00 : f32
    %eq3A_5 = vector.broadcast %eq3A : f32 to vector<1000x1xf32>
    %eq3A_6 = arith.cmpf oeq, %add3A, %eq3A_5 : vector<1000x1xf32>
    %div3A = arith.constant 1.000000e+00 : f32
    %div3A_7 = vector.broadcast %div3A : f32 to vector<1000x1xf32>
    %div3A_8 = arith.divf %div3A_7, %add3A : vector<1000x1xf32>
    %jit3A = arith.constant 1.000000e+00 : f32
    %broadcast_in_dim3A = vector.broadcast %jit3A : f32 to vector<1000x1xf32>
    %select_n3A = arith.select %eq3A_6, %broadcast_in_dim3A, %div3A_8 : vector<1000x1xi1>, vector<1000x1xf32>
    %get3A_9 = arith.constant 0 : index
    %get3A_10 = arith.constant 0 : index
    %get3A_11 = arith.constant 0 : index
    %get3A_12 = vector.load %arg1[%get3A_9, %get3A_10, %get3A_11] : memref<2x1000x128xf32, #tpu.memory_space<vmem>>, vector<1x1000x128xf32>
    %get3A_13 = vector.shape_cast %get3A_12 : vector<1x1000x128xf32> to vector<1000x128xf32>
    %get3A_14 = arith.constant 1 : index
    %get3A_15 = arith.constant 0 : index
    %get3A_16 = arith.constant 0 : index
    %get3A_17 = vector.load %arg1[%get3A_14, %get3A_15, %get3A_16] : memref<2x1000x128xf32, #tpu.memory_space<vmem>>, vector<1x1000x128xf32>
    %get3A_18 = vector.shape_cast %get3A_17 : vector<1x1000x128xf32> to vector<1000x128xf32>
    %add3A_19 = arith.addf %get3A_13, %get3A_18 : vector<1000x128xf32>
    %mul3A = vector.broadcast %select_n3A : vector<1000x1xf32> to vector<1000x128xf32>
    %mul3A_20 = arith.mulf %add3A_19, %mul3A : vector<1000x128xf32>
    %get3A_21 = arith.constant 0 : index
    %get3A_22 = arith.constant 0 : index
    %get3A_23 = vector.load %arg4[%get3A_21, %get3A_22] : memref<1000x128xf32, #tpu.memory_space<vmem>>, vector<1000x128xf32>
    %get3A_24 = arith.constant 0 : index
    %get3A_25 = arith.constant 0 : index
    %get3A_26 = vector.load %arg5[%get3A_24, %get3A_25] : memref<384x128xf32, #tpu.memory_space<vmem>>, vector<384x128xf32>
    %dot_general3A = arith.constant dense<0.000000e+00> : vector<1000x384xf32>
    %dot_general3A_27 = tpu.matmul %mul3A_20, %get3A_26, %dot_general3A {dimension_numbers = #tpu.dot_dimension_numbers<[1], [1], [0], [0], [0, 0, 1, 0], [], []>, transpose_lhs_hint = false} : vector<1000x128xf32>, vector<384x128xf32>, vector<1000x384xf32> -> vector<1000x384xf32>
    %get3A_28 = arith.constant 0 : index
    %get3A_29 = arith.constant 0 : index
    %get3A_30 = vector.load %arg7[%get3A_28, %get3A_29] : memref<1x384xf32, #tpu.memory_space<vmem>>, vector<1x384xf32>
    %add3A_31 = vector.broadcast %get3A_30 : vector<1x384xf32> to vector<1000x384xf32>
    %add3A_32 = arith.addf %dot_general3A_27, %add3A_31 : vector<1000x384xf32>
    %get3A_33 = arith.constant 0 : index
    %get3A_34 = arith.constant 0 : index
    %get3A_35 = vector.load %arg6[%get3A_33, %get3A_34] : memref<384x128xf32, #tpu.memory_space<vmem>>, vector<384x128xf32>
    %dot_general3A_36 = arith.constant dense<0.000000e+00> : vector<1000x384xf32>
    %dot_general3A_37 = tpu.matmul %get3A_23, %get3A_35, %dot_general3A_36 {dimension_numbers = #tpu.dot_dimension_numbers<[1], [1], [0], [0], [0, 0, 1, 0], [], []>, transpose_lhs_hint = false} : vector<1000x128xf32>, vector<384x128xf32>, vector<1000x384xf32> -> vector<1000x384xf32>
    %get3A_38 = arith.constant 0 : index
    %get3A_39 = arith.constant 0 : index
    %get3A_40 = vector.load %arg8[%get3A_38, %get3A_39] : memref<1x384xf32, #tpu.memory_space<vmem>>, vector<1x384xf32>
    %add3A_41 = vector.broadcast %get3A_40 : vector<1x384xf32> to vector<1000x384xf32>
    %add3A_42 = arith.addf %dot_general3A_37, %add3A_41 : vector<1000x384xf32>
    %slice3A = vector.extract_strided_slice %add3A_32 {offsets = [0, 0], sizes = [1000, 128], strides = [1, 1]} : vector<1000x384xf32> to vector<1000x128xf32>
    %slice3A_43 = vector.extract_strided_slice %add3A_32 {offsets = [0, 128], sizes = [1000, 128], strides = [1, 1]} : vector<1000x384xf32> to vector<1000x128xf32>
    %slice3A_44 = vector.extract_strided_slice %add3A_32 {offsets = [0, 256], sizes = [1000, 128], strides = [1, 1]} : vector<1000x384xf32> to vector<1000x128xf32>
    %slice3A_45 = vector.extract_strided_slice %add3A_42 {offsets = [0, 0], sizes = [1000, 128], strides = [1, 1]} : vector<1000x384xf32> to vector<1000x128xf32>
    %slice3A_46 = vector.extract_strided_slice %add3A_42 {offsets = [0, 128], sizes = [1000, 128], strides = [1, 1]} : vector<1000x384xf32> to vector<1000x128xf32>
    %slice3A_47 = vector.extract_strided_slice %add3A_42 {offsets = [0, 256], sizes = [1000, 128], strides = [1, 1]} : vector<1000x384xf32> to vector<1000x128xf32>
    %add3A_48 = arith.addf %slice3A, %slice3A_45 : vector<1000x128xf32>
    %logistic3A = arith.negf %add3A_48 : vector<1000x128xf32>
    %logistic3A_49 = math.exp %logistic3A : vector<1000x128xf32>
    %logistic3A_50 = arith.constant 1.000000e+00 : f32
    %logistic3A_51 = vector.broadcast %logistic3A_50 : f32 to vector<1000x128xf32>
    %logistic3A_52 = arith.addf %logistic3A_51, %logistic3A_49 : vector<1000x128xf32>
    %logistic3A_53 = arith.divf %logistic3A_51, %logistic3A_52 : vector<1000x128xf32>
    %add3A_54 = arith.addf %slice3A_43, %slice3A_46 : vector<1000x128xf32>
    %logistic3A_55 = arith.negf %add3A_54 : vector<1000x128xf32>
    %logistic3A_56 = math.exp %logistic3A_55 : vector<1000x128xf32>
    %logistic3A_57 = arith.constant 1.000000e+00 : f32
    %logistic3A_58 = vector.broadcast %logistic3A_57 : f32 to vector<1000x128xf32>
    %logistic3A_59 = arith.addf %logistic3A_58, %logistic3A_56 : vector<1000x128xf32>
    %logistic3A_60 = arith.divf %logistic3A_58, %logistic3A_59 : vector<1000x128xf32>
    %mul3A_61 = arith.mulf %logistic3A_53, %slice3A_47 : vector<1000x128xf32>
    %add3A_62 = arith.addf %slice3A_44, %mul3A_61 : vector<1000x128xf32>
    %tanh3A = math.tanh %add3A_62 : vector<1000x128xf32>
    %sub3A = arith.constant 1.000000e+00 : f32
    %sub3A_63 = vector.broadcast %sub3A : f32 to vector<1000x128xf32>
    %sub3A_64 = arith.subf %sub3A_63, %logistic3A_60 : vector<1000x128xf32>
    %mul3A_65 = arith.mulf %sub3A_64, %tanh3A : vector<1000x128xf32>
    %mul3A_66 = arith.mulf %logistic3A_60, %get3A_23 : vector<1000x128xf32>
    %add3A_67 = arith.addf %mul3A_65, %mul3A_66 : vector<1000x128xf32>
    %swap3A = arith.constant 0 : index
    %swap3A_68 = arith.constant 0 : index
    %swap3A_69 = vector.load %arg9[%swap3A, %swap3A_68] : memref<1000x128xf32, #tpu.memory_space<vmem>>, vector<1000x128xf32>
    tpu.vector_store %arg9[%swap3A, %swap3A_68], %add3A_67 {strides = array<i32>} : memref<1000x128xf32, #tpu.memory_space<vmem>>, vector<1000x128xf32>,
    return
  }
  func.func @transform_0(%arg0: i32) -> (i32, i32, i32) {
    %c0_i32 = arith.constant 0 : i32
    %c0_i32_0 = arith.constant 0 : i32
    %c0_i32_1 = arith.constant 0 : i32
    return %c0_i32, %arg0, %c0_i32_0 : i32, i32, i32
  }
  func.func @transform_1(%arg0: i32) -> (i32, i32) {
    %c0_i32 = arith.constant 0 : i32
    %c0_i32_0 = arith.constant 0 : i32
    return %arg0, %c0_i32 : i32, i32
  }
  func.func @transform_2(%arg0: i32) -> (i32, i32) {
    %c0_i32 = arith.constant 0 : i32
    %c0_i32_0 = arith.constant 0 : i32
    return %arg0, %c0_i32 : i32, i32
  }
  func.func @transform_3(%arg0: i32) -> (i32, i32) {
    %c0_i32 = arith.constant 0 : i32
    %c0_i32_0 = arith.constant 0 : i32
    return %arg0, %c0_i32 : i32, i32
  }
  func.func @transform_4(%arg0: i32) -> (i32, i32) {
    %c0_i32 = arith.constant 0 : i32
    %c0_i32_0 = arith.constant 0 : i32
    %c0_i32_1 = arith.constant 0 : i32
    return %c0_i32, %c0_i32_0 : i32, i32
  }
  func.func @transform_5(%arg0: i32) -> (i32, i32) {
    %c0_i32 = arith.constant 0 : i32
    %c0_i32_0 = arith.constant 0 : i32
    %c0_i32_1 = arith.constant 0 : i32
    return %c0_i32, %c0_i32_0 : i32, i32
  }
  func.func @transform_6(%arg0: i32) -> (i32, i32) {
    %c0_i32 = arith.constant 0 : i32
    %c0_i32_0 = arith.constant 0 : i32
    %c0_i32_1 = arith.constant 0 : i32
    return %c0_i32, %c0_i32_0 : i32, i32
  }
  func.func @transform_7(%arg0: i32) -> (i32, i32) {
    %c0_i32 = arith.constant 0 : i32
    %c0_i32_0 = arith.constant 0 : i32
    %c0_i32_1 = arith.constant 0 : i32
    return %c0_i32, %c0_i32_0 : i32, i32
  }
  func.func @transform_8(%arg0: i32) -> (i32, i32) {
    %c0_i32 = arith.constant 0 : i32
    %c0_i32_0 = arith.constant 0 : i32
    return %arg0, %c0_i32 : i32, i32
  }
}

</mosaic_0001>

<sc_bundles>
// kernel: kernel.11.cloned.1.call-start
scs
__scs_entry_jumppad:
0x0: {  	(pc) =	sbr.rel $0x88, $3  }
0x1: {  	(tag) =	ssettag $0x0;
	lr =	simm.s32 $0x1  }
0x2: {  	[smem:$0x3F9A] =	sst lr;
	_ =	strace $0xD0000000  }
0x3: {  	_ = 	snop  }
0x4: {  	_ = 	snop  }
0x5: {  	_ = 	snop  }
0x6: {  	_ = 	snop  }
0x7: {  	_ = 	snop  }
__scs_overlays_trampoline_lowered:
0x8: {  	[smem:$0x3FA9] =	sst s0  }
0x9: {  	[smem:$0x3FAA] =	sst s1  }
0xa: {  	[smem:$0x3FAB] =	sst s2  }
0xb: {  	[smem:$0x3FAC] =	sst s3  }
0xc: {  	[smem:$0x3FAD] =	sst s4  }
0xd: {  	[smem:$0x3FAE] =	sst s5  }
0xe: {  	[smem:$0x3FAF] =	sst s6  }
0xf: {  	[smem:$0x3FB0] =	sst s7  }
0x10: {  	[smem:$0x3FB1] =	sst s8  }
0x11: {  	[smem:$0x3FB2] =	sst s9;
	s0 =	simm.s32 @!p0 $0x0  }
0x12: {  	s1 =	sld [smem:$0x3F98];
	s0 =	simm.s32 @p0 $0x1  }
0x13: {  	[smem:$0x3FB3] =	sst s0;
	s0 =	simm.s32 @!p1 $0x0  }
0x14: {  	s2 =	sld [smem:$0x3F97];
	s0 =	simm.s32 @p1 $0x1  }
0x15: {  	[smem:$0x3FB4] =	sst s0;
	s0 =	simm.s32 @!p2 $0x0  }
0x16: {  	s3 =	sld [smem:$0x3FDB];
	s0 =	simm.s32 @p2 $0x1  }
0x17: {  	s4 =	simm.s32 $0x1BF5;
	[smem:$0x3FB6] =	sst s0  }
0x18: {  	s0 =	sld [smem:$0x3F99];
	_ =	swait.ge [sflag:s4], $0x0  }
0x19: {  	s7 =	sld [smem:$0x3F9A]  }
0x1a: {  	s8 =	sadd.s32 $0xFFFFE003, lr  }
0x1b: {  	s9 =	sadd.s32 $0xFFFFFEF7, lr;
	s5 =	simm.s32 $0xFFFFFFFF;
	p2 =	slt.u32 s8, $0xFFFFF086  }
0x1c: {  	p1 =	slt.u32 s9, $0xF7A;
	s5 =	simm.s32 @!p2 $0x0  }
0x1d: {  	s5 =	simm.s32 @p1 $0x1;
	p0 =	seq.s32 s7, s2  }
0x1e: {  	s7 =	smul.u32 @!p0 $0xF7A, s2;
	p2 =	seq.s32 @!p0 s5, $0x0  }
0x1f: {  	s9 =	smul.u32 $0xF7A, s1;
	s8 =	simm.s32 @!p0 $0x1BF5;
	p2 =	por !p2, p0  }
0x20: {  	[sflag:s8] =	ssyncset.s32 @!p0 $0xFFFFF086;
	s6 =	sadd.s32 @!p0 s3, s7;
	s7 =	simm.s32 @!p0 $0x108  }
0x21: {  	s3 =	sadd.s32 s3, s9;
	s6 =	sadd.s32 @!p0 $0x88, s6;
	s7 =	simm.s32 @p2 $0x1082  }
0x22: {  	[simem:s7], [sflag:s8] =	dma.local @!p0 [hbm:s6], $0xF7A  }
0x23: {  	s9 =	sor.u32 $0xD0000000, s2;
	s6 =	simm.s32 $0x108;
	_ =	swait.ge @!p0 [sflag:s8], $0x0  }
0x24: {  	s3 =	sadd.s32 $0x88, s3;
	s6 =	simm.s32 @!p1 $0x1082;
	[sflag:s4] =	ssyncset.s32 $0xFFFFF086  }
0x25: {  	[simem:s6], [sflag:s4] =	dma.local [hbm:s3], $0xF7A  }
0x26: {  	[smem:$0x3F9A] =	sst s1;
	(tag) =	ssettag s2;
	_ =	strace s9  }
0x27: {  	s1 =	sld [smem:$0x3FAA]  }
0x28: {  	s2 =	sld [smem:$0x3FAB]  }
0x29: {  	s4 =	sld [smem:$0x3FAD]  }
0x2a: {  	p0 =	seq.s32 s5, $0x0;
	s5 =	sld [smem:$0x3FAE]  }
0x2b: {  	s6 =	sld [smem:$0x3FAF]  }
0x2c: {  	s7 =	sld [smem:$0x3FB0]  }
0x2d: {  	s3 =	simm.s32 $0x108;
	s8 =	sld [smem:$0x3FB1]  }
0x2e: {  	s3 =	simm.s32 @!p0 $0x1082;
	s9 =	sld [smem:$0x3FB2]  }
0x2f: {  	lr =	sadd.s32 s0, s3;
	s0 =	sld [smem:$0x3FA9]  }
0x30: {  	s3 =	sld [smem:$0x3FAC]  }
0x31: {  	[smem:$0x3FB5] =	sst s10  }
0x32: {  	s10 =	sld [smem:$0x3FB3];
	_ =	sdelay $0x3  }
0x33: {  	p0 =	seq.s32 s10, $0x1;
	s10 =	sld [smem:$0x3FB5];
	_ =	sdelay $0x3  }
0x34: {  	[smem:$0x3FB5] =	sst s10  }
0x35: {  	s10 =	sld [smem:$0x3FB4];
	_ =	sdelay $0x3  }
0x36: {  	p1 =	seq.s32 s10, $0x1;
	s10 =	sld [smem:$0x3FB5];
	_ =	sdelay $0x3  }
0x37: {  	[smem:$0x3FB5] =	sst s10  }
0x38: {  	s10 =	sld [smem:$0x3FB6]  }
0x39: {  	_ = 	snop;
	(pc) =	sbr.ind lr, $3  }
0x3a: {  	_ = 	snop  }
0x3b: {  	_ = 	snop  }
0x3c: {  	p2 =	seq.s32 s10, $0x1;
	s10 =	sld [smem:$0x3FB5]  }
0x3d: {  	_ =	shalt  }
0x3e: {  	_ =	shalt  }
0x3f: {  	_ =	shalt  }
0x40: {  	_ =	shalt  }
0x41: {  	_ =	shalt  }
0x42: {  	_ =	shalt  }
0x43: {  	_ =	shalt  }
0x44: {  	_ =	shalt  }
0x45: {  	_ =	shalt  }
0x46: {  	_ =	shalt  }
0x47: {  	_ =	shalt  }
0x48: {  	_ =	shalt  }
0x49: {  	_ =	shalt  }
0x4a: {  	_ =	shalt  }
0x4b: {  	_ =	shalt  }
0x4c: {  	_ =	shalt  }
0x4d: {  	_ =	shalt  }
0x4e: {  	_ =	shalt  }
0x4f: {  	_ =	shalt  }
0x50: {  	_ =	shalt  }
0x51: {  	_ =	shalt  }
0x52: {  	_ =	shalt  }
0x53: {  	_ =	shalt  }
0x54: {  	_ =	shalt  }
0x55: {  	_ =	shalt  }
0x56: {  	_ =	shalt  }
0x57: {  	_ =	shalt  }
0x58: {  	_ =	shalt  }
0x59: {  	_ =	shalt  }
0x5a: {  	_ =	shalt  }
0x5b: {  	_ =	shalt  }
0x5c: {  	_ =	shalt  }
0x5d: {  	_ =	shalt  }
0x5e: {  	_ =	shalt  }
0x5f: {  	_ =	shalt  }
0x60: {  	_ =	shalt  }
0x61: {  	_ =	shalt  }
0x62: {  	_ =	shalt  }
0x63: {  	_ =	shalt  }
0x64: {  	_ =	shalt  }
0x65: {  	_ =	shalt  }
0x66: {  	_ =	shalt  }
0x67: {  	_ =	shalt  }
0x68: {  	_ =	shalt  }
0x69: {  	_ =	shalt  }
0x6a: {  	_ =	shalt  }
0x6b: {  	_ =	shalt  }
0x6c: {  	_ =	shalt  }
0x6d: {  	_ =	shalt  }
0x6e: {  	_ =	shalt  }
0x6f: {  	_ =	shalt  }
0x70: {  	_ =	shalt  }
0x71: {  	_ =	shalt  }
0x72: {  	_ =	shalt  }
0x73: {  	_ =	shalt  }
0x74: {  	_ =	shalt  }
0x75: {  	_ =	shalt  }
0x76: {  	_ =	shalt  }
0x77: {  	_ =	shalt  }
0x78: {  	_ =	shalt  }
0x79: {  	_ =	shalt  }
0x7a: {  	_ =	shalt  }
0x7b: {  	_ =	shalt  }
0x7c: {  	_ =	shalt  }
0x7d: {  	_ =	shalt  }
0x7e: {  	_ =	shalt  }
0x7f: {  	_ =	shalt  }
0x80: {  	_ =	shalt  }
0x81: {  	_ =	shalt  }
0x82: {  	_ =	shalt  }
0x83: {  	_ =	shalt  }
0x84: {  	_ =	shalt  }
0x85: {  	_ =	shalt  }
0x86: {  	_ =	shalt  }
0x87: {  	_ =	shalt  }
.Lfunc_end0:
.L_simem_size_0:
called_computation.1_lowered:
.L_overlay_start_0:
0x88: {  	s2 =	sld [smem:$0x3FD9]  }
0x89: {  	s3 =	sld [smem:$0x3FFE];
	_ =	sdelay $0x1  }
0x8a: {  	s1 =	srdreg.scid  }
0x8b: {  	s0 =	sand.u32 $0x1, s1  }
0x8c: {  	s17 =	sshll.u32 s0, $0xA;
	s2 =	sadd.s32 s3, s2  }
0x8d: {  	s2 =	sadd.s32 s2, s17  }
0x8e: {  	[smem:$0x3FC1] =	sst s2  }
0x8f: {  	_ = 	snop  }
0x90: {  	s18 =	sld [smem:$0x3FD0];
	(tm) =	ssettm $0x1  }
0x91: {  	s19 =	sld [smem:$0x3FFB];
	_ =	sdelay $0x3  }
0x92: {  	_ =	strace s19  }
0x93: {  	s2 =	sld [smem:$0x3FFC];
	_ =	sdelay $0x3  }
0x94: {  	_ =	strace s2  }
0x95: {  	s2 =	sld [smem:$0x3FFD];
	_ =	sdelay $0x3  }
0x96: {  	_ =	strace s2  }
0x97: {  	_ =	strace $0x8FFFFFFF  }
0x98: {  	s20 =	sld [smem:$0x3FDB];
	_ =	sdelay $0x1  }
0x99: {  	s4 =	simm.s32 $_scs_section_size  }
0x9a: {  	s5 =	simm.s32 $_size__tile_overlayer_lowered;
	s6 =	simm.s32 $_tile_overlayer_lowered  }
0x9b: {  	s7 =	simm.s32 $0x1BFF;
	s21 =	sshll.u32 s6, $0x1;
	s4 =	sadd.s32 s4, s20  }
0x9c: {  	s22 =	simm.s32 $0x0;
	s5 =	sshll.u32 s5, $0x1;
	s6 =	sadd.s32 s21, s4  }
0x9d: {  	[timem:s22], [sflag:s7] =	dma.local [hbm:s6], s5  }
0x9e: {  	_ =	swait.ge [sflag:s7], s5  }
0x9f: {  	s5 =	ssub.s32 $0x0, s5;
	[sflag:s7] =	ssyncset.done $0x0  }
0xa0: {  	[sflag:s7] =	ssyncadd.s32 s5;
	_ =	sdelay $0x1  }
0xa1: {  	s23 =	simm.s32 $0x1B8B  }
0xa2: {  	_ =	swait.ge [sflag:s23], $0x1  }
0xa3: {  	[sflag:s23] =	ssyncset.done $0x0  }
0xa4: {  	[sflag:s23] =	ssyncadd.s32 $0xFFFFFFFF  }
0xa5: {  	s5 =	sld [smem:$0x0]  }
0xa6: {  	s6 =	sand.u32 $0xFFFFFFFE, s1  }
0xa7: {  	p0 =	sne.s32 s1, s6  }
0xa8: {  	s6 =	sshll.u32 @p0 s6, $0xE  }
0xa9: {  	s6 =	sadd.s32 @p0 $0x11B8D, s6;
	s7 =	sshll.u32 @p0 s5, $0x11  }
0xaa: {  	s6 =	sor.u32 @p0 s7, s6  }
0xab: {  	[sflag:s6] =	ssyncadd.remote.s32 @p0 $0x1;
	_ =	sdelay $0x1  }
0xac: {  	s6 =	simm.s32 @p0 $0x1B8D  }
0xad: {  	_ =	swait.eq @p0 [sflag:s6], $0x1  }
0xae: {  	[sflag:s6] =	ssyncadd.s32 @p0 $0xFFFFFFFF  }
0xaf: {  	s7 =	sshll.u32 @!p0 s1, $0xE  }
0xb0: {  	s7 =	sor.u32 @!p0 $0x4000, s7;
	s6 =	simm.s32 @!p0 $0x1B8D  }
0xb1: {  	s5 =	sshll.u32 @!p0 s5, $0x11;
	s7 =	sadd.s32 @!p0 $0x11B8D, s7;
	_ =	swait.eq @!p0 [sflag:s6], $0x1  }
0xb2: {  	s5 =	sor.u32 @!p0 s5, s7;
	[sflag:s6] =	ssyncadd.s32 @!p0 $0xFFFFFFFF  }
0xb3: {  	s25 =	simm.s32 $0x1B8E;
	s24 =	sld [smem:$0x3FFE];
	[sflag:s5] =	ssyncadd.remote.s32 @!p0 $0x1  }
0xb4: {  	s26 =	simm.s32 $execute0_lowered;
	[smem:$0x3FD2] =	sst s25  }
0xb5: {  	s6 =	sshll.u32 s26, $0x1;
	_ =	strace $0x80000049;
	[dreg:$0x1] =	wrdreg $0xFFFFFFFF  }
0xb6: {  	s28 =	simm.s32 $_size_execute0_lowered;
	s4 =	sadd.s32 s4, s6;
	[dreg:$0x0] =	wrdreg $0x0  }
0xb7: {  	s6 =	sshll.u32 s28, $0x1;
	[dreg:$0x2] =	wrdreg s4  }
0xb8: {  	[dreg:$0x3] =	wrdreg s6  }
0xb9: {  	[dreg:$0x4] =	wrdreg $0xC0  }
0xba: {  	_ =	task [dreg:s22], $0x5FFFF  }
0xbb: {  	[dreg:$0x1] =	wrdreg $0xFFFFFFFF  }
0xbc: {  	[dreg:$0x0] =	wrdreg $0x60  }
0xbd: {  	[dreg:$0x2] =	wrdreg s24  }
0xbe: {  	[dreg:$0x3] =	wrdreg s18  }
0xbf: {  	[dreg:$0x4] =	wrdreg $0x88000  }
0xc0: {  	[dreg:$0x5] =	wrdreg $0xA  }
0xc1: {  	_ =	task.clear_ibuf [dreg:s22], $0x6FFFF;
	_ =	strace $0x90000049  }
0xc2: {  	s29 =	simm.s32 $0xA;
	_ =	strace $0x8000004B  }
0xc3: {  	_ =	swait.ge [sflag:s29], $0x1  }
0xc4: {  	[sflag:s29] =	ssyncadd.s32 $0xFFFFFFFF  }
0xc5: {  	_ =	strace $0x9000004B  }
0xc6: {  	_ =	sfence  }
0xc7: {  	s30 =	sld [smem:$0x0];
	_ =	sdelay $0x2  }
0xc8: {  	s31 =	sshll.u32 s1, $0xD;
	s1 =	sshrl.u32 s1, $0x2  }
0xc9: {  	s4 =	sand.u32 $0x4000, s31;
	s1 =	sadd.s32 s1, s30  }
0xca: {  	s0 =	sor.u32 s4, s0;
	s1 =	sshll.u32 s1, $0x11  }
0xcb: {  	s0 =	sor.u32 s1, s0  }
0xcc: {  	s0 =	sadd.s32 $0x8F2B, s0  }
0xcd: {  	[sflag:s0] =	ssyncadd.remote.s32 $0x1  }
0xce: {  	_ =	sfence.sel $0xFFFF  }
0xcf: {  	[dreg:$0x0] =	wrdreg $0xFFFFFFFF;
	(pc) =	sbr.abs _section_cstart, $3  }
0xd0: {  	[dreg:$0x1] =	wrdreg $0xFFFFFFFF  }
0xd1: {  	_ =	task.clear_ibuf [dreg:s22], $0x2FFFF;
	_ =	strace $0x9FFFFFFF  }
0xd2: {  	(tm) =	ssettm $0x7FFFFFFF  }
0xd3: {  	_ =	shalt  }
tec
execute0_lowered:
.L_overlay_start_1:
0x0: {  	(tag) =	ssettag $0x1  }
0x1: {  	s0 =	rddreg [dreg:$0x0]  }
0x2: {  	s1 =	rddreg [dreg:$0x1]  }
0x3: {  	s2 =	rddreg [dreg:$0x2]  }
0x4: {  	s3 =	simm.s32 $0x0;
	s13 =	stileid.u32;
	s4 =	srdreg.scid  }
0x5: {  	s15 =	simm.s32 $0x200;
	s16 =	simm.s32 $0x400;
	s28 =	simm.s32 $0x100  }
0x6: {  	s29 =	simm.s32 $0x2;
	s30 =	simm.s32 $0x280;
	s31 =	simm.s32 $0x4  }
0x7: {  	[smem:$0x7FF] =	sst s3;
	s5 =	smul.u32 $0x13C00, s13;
	s6 =	sand.u32 $0x1, s4  }
0x8: {  	s4 =	sadd.s32 $0x17E00, s0;
	s8 =	sadd.s32 $0x1E00, s0;
	s20 =	smul.u32 $0x4F000, s13  }
0x9: {  	s9 =	sshll.u32 s13, $0x1;
	s12 =	smul.u32 $0xA000, s13;
	s25 =	sshll.u32 s13, $0x6  }
0xa: {  	_ =	strace $0x8000004A;
	s7 =	smul.u32 $0x13C000, s6;
	s17 =	sor.u32 s6, s9  }
0xb: {  	s19 =	ssub.s32 $0x2, s6;
	s6 =	smul.u32 $0x5000, s6;
	s10 =	sshrl.u32 s5, $0x3  }
0xc: {  	s11 =	sshrl.u32 s19, $0x1;
	s24 =	sshrl.u32 s20, $0x2;
	s20 =	simm.s32 $0x5  }
0xd: {  	s5 =	sadd.s32 s5, s7;
	s18 =	sadd.s32 s10, s0;
	s7 =	smul.u32 $0x5000, s17  }
0xe: {  	s6 =	sadd.s32 s6, s12;
	s17 =	simm.s32 $0x600;
	s12 =	simm.s32 $0x780  }
0xf: {  	s10 =	simm.s32 $0x0;
	s5 =	sshrl.u32 s5, $0x3;
	s6 =	sor.u32 $0x400, s6  }
0x10: {  	s9 =	sadd.s32 $0x66000, s18;
	s18 =	sor.u32 $0x1C07, s25;
	s25 =	simm.s32 $0x1  }
0x11: {  	[dreg:$0xd] =	wrdreg s10;
	s0 =	sadd.s32 s5, s0;
	s7 =	sshrl.u32 s7, $0x3  }
0x12: {  	s5 =	ssub.s32 s19, s11;
	[dreg:$0x8] =	wrdreg s9;
	s6 =	sshrl.u32 s6, $0x3  }
0x13: {  	s9 =	simm.s32 $0x580;
	s11 =	simm.s32 $0x700;
	[dreg:$0x9] =	wrdreg s18  }
0x14: {  	s21 =	sor.u32 $0x40, s7;
	s14 =	sadd.s32 s8, s7;
	s7 =	sadd.s32 s1, s7  }
0x15: {  	s0 =	sadd.s32 $0x8D800, s0;
	s26 =	smax.u32 s5, $0x1;
	[dreg:$0x4] =	wrdreg s14  }
0x16: {  	s13 =	sadd.s32 s6, s8;
	s5 =	simm.s32 $0x380;
	[dreg:$0x5] =	wrdreg s7  }
0x17: {  	s22 =	sadd.s32 s8, s21;
	s23 =	sadd.s32 s1, s21;
	[dreg:$0xa] =	wrdreg s0  }
0x18: {  	s7 =	sadd.s32 s24, s2;
	[dreg:$0xb] =	wrdreg s26;
	s14 =	sadd.s32 s6, s1  }
.Ltmp0:
0x19: {  	s21 =	simm.s32 $0x7;
	s24 =	simm.s32 $0x4800;
	(pc) =	sbr.rel .LBB2_1-.Ltmp0, $4  }
0x1a: {  	s26 =	simm.s32 $0x3;
	s0 =	simm.s32 $0x180;
	s1 =	simm.s32 $0x300  }
0x1b: {  	s6 =	simm.s32 $0x480;
	s8 =	simm.s32 $0x680;
	[dreg:$0x6] =	wrdreg s22  }
0x1c: {  	[dreg:$0x7] =	wrdreg s23;
	s19 =	sshrl.u32 s7, $0x3;
	s22 =	simm.s32 $0x80  }
0x1d: {  	s23 =	simm.s32 $0x800;
	s7 =	simm.s32 $0x500;
	[dreg:$0xc] =	wrdreg s19  }
.LBB2_4:
0x1e: {  	_ =	swait.ge [sflag:s29], $0x4000  }
0x1f: {  	[sflag:s29] =	ssyncset.done $0x0  }
0x20: {  	[sflag:s29] =	ssyncadd.s32 $0xFFFFC000  }
0x21: {  	[spmem:s2] =	stream.indirect.scatter.add.f32 [tilespmem:s24], [sflag:$0x4], $0x80, s12, s22, $0xb8;
	[tilespmem:$0x1C400] =	vst v63  }
0x22: {  	_ =	swait.ge [sflag:s31], $0x4000  }
0x23: {  	[sflag:s31] =	ssyncset.done $0x0  }
0x24: {  	[sflag:s31] =	ssyncadd.s32 $0xFFFFC000  }
0x25: {  	[bflag:$0x0] =	sbarrier.arrive $0xFFFF  }
0x26: {  	s15 =	rddreg [dreg:$0x9]  }
0x27: {  	s10 =	rddreg [dreg:$0xa]  }
0x28: {  	s21 =	simm.s32 $0x7;
	s19 =	rddreg [dreg:$0xc]  }
0x29: {  	[hbm:s10], [sflag:s15] =	dma.local [spmem:s19], $0x2780  }
0x2a: {  	_ =	swait.ge [sflag:s21], $0x2780  }
0x2b: {  	s18 =	rddreg [dreg:$0xd]  }
0x2c: {  	s10 =	rddreg [dreg:$0xb];
	s18 =	sadd.s32 $0x1, s18  }
0x2d: {  	p0 =	sne.s32 s18, s10  }
.Ltmp1:
0x2e: {  	_ = 	snop;
	(pc) =	sbr.rel @!p0 .LBB2_5-.Ltmp1, $4  }
0x2f: {  	_ = 	snop  }
0x30: {  	[sflag:s21] =	ssyncset.done $0x0  }
0x31: {  	[sflag:s21] =	ssyncadd.s32 $0xFFFFD880  }
0x32: {  	[dreg:$0xd] =	wrdreg s18;
	s18 =	smov.u32 s15;
	s15 =	simm.s32 $0x200  }
.LBB2_1:
0x33: {  	s10 =	rddreg [dreg:$0x4]  }
0x34: {  	[tilespmem:s3], [sflag:$0x5] =	stream.linear.gather [hbm4b:s10+s3], $0x200, $0x38;
	[tilespmem:$0x1C400] =	vst v63  }
0x35: {  	s10 =	rddreg [dreg:$0x5]  }
0x36: {  	[tilespmem:s15], [sflag:$0x5] =	stream.linear.gather [hbm4b:s10+s3], $0x200, $0x38;
	[tilespmem:$0x1C400] =	vst v63  }
0x37: {  	s10 =	rddreg [dreg:$0x6]  }
0x38: {  	[tilespmem:s16], [sflag:$0x6] =	stream.linear.gather [hbm4b:s10+s3], $0x200, $0x38;
	[tilespmem:$0x1C400] =	vst v63  }
0x39: {  	s10 =	rddreg [dreg:$0x7]  }
0x3a: {  	[tilespmem:s17], [sflag:$0x6] =	stream.linear.gather [hbm4b:s10+s3], $0x200, $0x38;
	[tilespmem:$0x1C400] =	vst v63  }
0x3b: {  	s10 =	rddreg [dreg:$0x8]  }
0x3c: {  	[spmem:s19], [sflag:s18] =	dma.local [hbm:s10], $0x2780  }
0x3d: {  	_ =	swait.ge [sflag:s21], $0x2780  }
0x3e: {  	[sflag:s21] =	ssyncset.done $0x0  }
0x3f: {  	[sflag:s21] =	ssyncadd.s32 $0xFFFFD880  }
0x40: {  	[bflag:$0x0] =	sbarrier.arrive $0xFFFF  }
0x41: {  	_ =	swait.ge [sflag:s20], $0x200  }
0x42: {  	[sflag:s20] =	ssyncset.done $0x0  }
0x43: {  	[sflag:s20] =	ssyncadd.s32 $0xFFFFFE00  }
0x44: {  	_ =	swait.ge [sflag:s20], $0x200  }
0x45: {  	[sflag:s20] =	ssyncset.done $0x0  }
0x46: {  	s21 =	simm.s32 $0x6;
	[sflag:s20] =	ssyncadd.s32 $0xFFFFFE00  }
0x47: {  	_ =	swait.ge [sflag:s21], $0x200  }
0x48: {  	[sflag:s21] =	ssyncset.done $0x0  }
0x49: {  	[sflag:s21] =	ssyncadd.s32 $0xFFFFFE00  }
0x4a: {  	_ =	swait.ge [sflag:s21], $0x200  }
0x4b: {  	[sflag:s21] =	ssyncset.done $0x0  }
0x4c: {  	[sflag:s21] =	ssyncadd.s32 $0xFFFFFE00  }
0x4d: {  	[tilespmem:s23], [sflag:$0x1] =	stream.indirect.gather [hbm4b:s4+s22], $0x80, s3, s22, $0xb8;
	[tilespmem:$0x1C400] =	vst v63  }
0x4e: {  	s18 =	simm.s32 $0x0  }
0x4f: {  	[tilespmem:s24], [sflag:$0x2] =	stream.indirect.gather [hbm4b:s4+s22], $0x80, s22, s22, $0xb8;
	[tilespmem:$0x1C400] =	vst v63  }
.LBB2_2:
0x50: {  	_ =	swait.ge [sflag:s25], $0x4000  }
0x51: {  	[sflag:s25] =	ssyncset.done $0x0  }
0x52: {  	[sflag:s25] =	ssyncadd.s32 $0xFFFFC000  }
0x53: {  	[spmem:s2] =	stream.indirect.scatter.add.f32 [tilespmem:s23], [sflag:$0x3], $0x80, s15, s22, $0xb8;
	[tilespmem:$0x1C400] =	vst v63  }
0x54: {  	_ =	swait.ge [sflag:s26], $0x4000  }
0x55: {  	[sflag:s26] =	ssyncset.done $0x0  }
0x56: {  	[sflag:s26] =	ssyncadd.s32 $0xFFFFC000  }
0x57: {  	[tilespmem:s23], [sflag:$0x1] =	stream.indirect.gather [hbm4b:s4+s22], $0x80, s28, s22, $0xb8;
	[tilespmem:$0x1C400] =	vst v63  }
0x58: {  	_ =	swait.ge [sflag:s29], $0x4000  }
0x59: {  	[sflag:s29] =	ssyncset.done $0x0  }
0x5a: {  	[sflag:s29] =	ssyncadd.s32 $0xFFFFC000  }
0x5b: {  	[spmem:s2] =	stream.indirect.scatter.add.f32 [tilespmem:s24], [sflag:$0x4], $0x80, s30, s22, $0xb8;
	[tilespmem:$0x1C400] =	vst v63  }
0x5c: {  	_ =	swait.ge [sflag:s31], $0x4000  }
0x5d: {  	[sflag:s31] =	ssyncset.done $0x0  }
0x5e: {  	[sflag:s31] =	ssyncadd.s32 $0xFFFFC000  }
0x5f: {  	[tilespmem:s24], [sflag:$0x2] =	stream.indirect.gather [hbm4b:s4+s22], $0x80, s0, s22, $0xb8;
	[tilespmem:$0x1C400] =	vst v63  }
0x60: {  	_ =	swait.ge [sflag:s25], $0x4000  }
0x61: {  	[sflag:s25] =	ssyncset.done $0x0  }
0x62: {  	[sflag:s25] =	ssyncadd.s32 $0xFFFFC000  }
0x63: {  	[spmem:s2] =	stream.indirect.scatter.add.f32 [tilespmem:s23], [sflag:$0x3], $0x80, s1, s22, $0xb8;
	[tilespmem:$0x1C400] =	vst v63  }
0x64: {  	_ =	swait.ge [sflag:s26], $0x4000  }
0x65: {  	p0 =	seq.s32 s18, $0x0;
	[sflag:s26] =	ssyncset.done $0x0  }
0x66: {  	s19 =	simm.s32 @!p0 $0x6;
	[sflag:s26] =	ssyncadd.s32 $0xFFFFC000  }
0x67: {  	_ =	swait.ge @!p0 [sflag:s19], $0x200  }
0x68: {  	[sflag:s19] =	ssyncset.done @!p0 $0x0  }
0x69: {  	[sflag:s19] =	ssyncadd.s32 @!p0 $0xFFFFFE00  }
0x6a: {  	_ =	swait.ge @!p0 [sflag:s19], $0x200  }
0x6b: {  	[sflag:s19] =	ssyncset.done @!p0 $0x0  }
0x6c: {  	[sflag:s19] =	ssyncadd.s32 @!p0 $0xFFFFFE00  }
0x6d: {  	[tilespmem:s23], [sflag:$0x1] =	stream.indirect.gather [hbm4b:s4+s22], $0x80, s16, s22, $0xb8;
	[tilespmem:$0x1C400] =	vst v63  }
0x6e: {  	_ =	swait.ge [sflag:s29], $0x4000  }
0x6f: {  	[sflag:s29] =	ssyncset.done $0x0  }
0x70: {  	[sflag:s29] =	ssyncadd.s32 $0xFFFFC000  }
0x71: {  	[spmem:s2] =	stream.indirect.scatter.add.f32 [tilespmem:s24], [sflag:$0x4], $0x80, s5, s22, $0xb8;
	[tilespmem:$0x1C400] =	vst v63  }
0x72: {  	_ =	swait.ge [sflag:s31], $0x4000  }
0x73: {  	p0 =	seq.s32 s18, $0x980;
	[sflag:s31] =	ssyncset.done $0x0  }
0x74: {  	s19 =	sadd.s32 @!p0 s18, s13;
	s21 =	simm.s32 @!p0 $0x0;
	[sflag:s31] =	ssyncadd.s32 $0xFFFFC000  }
0x75: {  	[tilespmem:s21], [sflag:$0x5] =	stream.linear.gather @!p0 [hbm4b:s19+s21], $0x200, $0x38;
	[tilespmem:$0x1C400] =	vst v63  }
0x76: {  	s10 =	simm.s32 @!p0 $0x200;
	s19 =	sadd.s32 @!p0 s18, s14  }
0x77: {  	[tilespmem:s10], [sflag:$0x5] =	stream.linear.gather @!p0 [hbm4b:s19+s21], $0x200, $0x38;
	[tilespmem:$0x1C400] =	vst v63  }
0x78: {  	_ = 	snop  }
0x79: {  	[tilespmem:s24], [sflag:$0x2] =	stream.indirect.gather [hbm4b:s4+s22], $0x80, s6, s22, $0xb8;
	[tilespmem:$0x1C400] =	vst v63  }
0x7a: {  	_ =	swait.ge [sflag:s25], $0x4000  }
0x7b: {  	[sflag:s25] =	ssyncset.done $0x0  }
0x7c: {  	[sflag:s25] =	ssyncadd.s32 $0xFFFFC000  }
0x7d: {  	[spmem:s2] =	stream.indirect.scatter.add.f32 [tilespmem:s23], [sflag:$0x3], $0x80, s17, s22, $0xb8;
	[tilespmem:$0x1C400] =	vst v63  }
0x7e: {  	_ =	swait.ge [sflag:s26], $0x4000  }
0x7f: {  	[sflag:s26] =	ssyncset.done $0x0  }
0x80: {  	[sflag:s26] =	ssyncadd.s32 $0xFFFFC000  }
0x81: {  	[tilespmem:s23], [sflag:$0x1] =	stream.indirect.gather [hbm4b:s4+s22], $0x80, s7, s22, $0xb8;
	[tilespmem:$0x1C400] =	vst v63  }
0x82: {  	_ =	swait.ge [sflag:s29], $0x4000  }
0x83: {  	[sflag:s29] =	ssyncset.done $0x0  }
0x84: {  	[sflag:s29] =	ssyncadd.s32 $0xFFFFC000  }
0x85: {  	[spmem:s2] =	stream.indirect.scatter.add.f32 [tilespmem:s24], [sflag:$0x4], $0x80, s8, s22, $0xb8;
	[tilespmem:$0x1C400] =	vst v63  }
0x86: {  	_ =	swait.ge [sflag:s31], $0x4000  }
0x87: {  	[sflag:s31] =	ssyncset.done $0x0  }
0x88: {  	[sflag:s31] =	ssyncadd.s32 $0xFFFFC000  }
0x89: {  	[tilespmem:s24], [sflag:$0x2] =	stream.indirect.gather [hbm4b:s4+s22], $0x80, s9, s22, $0xb8;
	[tilespmem:$0x1C400] =	vst v63  }
0x8a: {  	_ =	swait.ge [sflag:s25], $0x4000  }
0x8b: {  	[sflag:s25] =	ssyncset.done $0x0  }
.Ltmp2:
0x8c: {  	[sflag:s25] =	ssyncadd.s32 $0xFFFFC000;
	(pc) =	sbr.rel @p0 .LBB2_4-.Ltmp2, $4  }
0x8d: {  	[spmem:s2] =	stream.indirect.scatter.add.f32 [tilespmem:s23], [sflag:$0x3], $0x80, s11, s22, $0xb8;
	[tilespmem:$0x1C400] =	vst v63  }
0x8e: {  	_ =	swait.ge [sflag:s26], $0x4000  }
0x8f: {  	[sflag:s26] =	ssyncset.done $0x0  }
0x90: {  	[sflag:s26] =	ssyncadd.s32 $0xFFFFC000  }
0x91: {  	_ =	swait.ge [sflag:s20], $0x200  }
0x92: {  	[sflag:s20] =	ssyncset.done $0x0  }
0x93: {  	[sflag:s20] =	ssyncadd.s32 $0xFFFFFE00  }
0x94: {  	_ =	swait.ge [sflag:s20], $0x200  }
0x95: {  	[sflag:s20] =	ssyncset.done $0x0  }
0x96: {  	[sflag:s20] =	ssyncadd.s32 $0xFFFFFE00  }
0x97: {  	[tilespmem:s23], [sflag:$0x1] =	stream.indirect.gather [hbm4b:s4+s22], $0x80, s3, s22, $0xb8;
	[tilespmem:$0x1C400] =	vst v63  }
0x98: {  	_ =	swait.ge [sflag:s29], $0x4000  }
0x99: {  	[sflag:s29] =	ssyncset.done $0x0  }
0x9a: {  	[sflag:s29] =	ssyncadd.s32 $0xFFFFC000  }
0x9b: {  	[spmem:s2] =	stream.indirect.scatter.add.f32 [tilespmem:s24], [sflag:$0x4], $0x80, s12, s22, $0xb8;
	[tilespmem:$0x1C400] =	vst v63  }
0x9c: {  	_ =	swait.ge [sflag:s31], $0x4000  }
0x9d: {  	s10 =	sadd.s32 s18, s13;
	[sflag:s31] =	ssyncset.done $0x0  }
0x9e: {  	s10 =	sadd.s32 $0x40, s10;
	[sflag:s31] =	ssyncadd.s32 $0xFFFFC000  }
0x9f: {  	[tilespmem:s16], [sflag:$0x6] =	stream.linear.gather [hbm4b:s10+s3], $0x200, $0x38;
	[tilespmem:$0x1C400] =	vst v63  }
.Ltmp3:
0xa0: {  	s21 =	sadd.s32 s18, s14;
	(pc) =	sbr.rel .LBB2_2-.Ltmp3, $4  }
0xa1: {  	s10 =	sadd.s32 $0x40, s21  }
0xa2: {  	[tilespmem:s17], [sflag:$0x6] =	stream.linear.gather [hbm4b:s10+s3], $0x200, $0x38;
	[tilespmem:$0x1C400] =	vst v63  }
0xa3: {  	s18 =	sadd.s32 $0x80, s18  }
0xa4: {  	[tilespmem:s24], [sflag:$0x2] =	stream.indirect.gather [hbm4b:s4+s22], $0x80, s22, s22, $0xb8;
	[tilespmem:$0x1C400] =	vst v63  }
.LBB2_5:
0xa5: {  	_ =	sfence.sel $0x180000  }
0xa6: {  	[bflag:$0x0] =	sbarrier.arrive $0xFFFF  }
0xa7: {  	_ =	strace $0x9000004A  }
0xa8: {  	s0 =	stileid.u32;
	[bflag:$0x2] =	sbarrier.arrive $0xFFFF  }
0xa9: {  	p0 =	sne.s32 s0, $0x0;
	s0 =	rddreg [dreg:$0x3]  }
0xaa: {  	s0 =	sadd.s32 @!p0 $0x100000, s0  }
0xab: {  	[sflag:s0] =	ssyncadd.tile.s32 @!p0 $0x1;
	_ =	shalt  }
.Lfunc_end2:
_tile_overlayer_lowered:
.L_overlay_start_2:
0xac: {  	(tag) =	ssettag $0x2  }
0xad: {  	s0 =	rddreg [dreg:$0x0];
	s2 =	stileid.u32  }
0xae: {  	s1 =	rddreg [dreg:$0x1];
	p0 =	sne.s32 s2, $0x0  }
0xaf: {  	s3 =	rddreg [dreg:$0x2];
	[bflag:$0x3] =	sbarrier.arrive $0xFFFF;
	s2 =	simm.s32 @!p0 $0x1C07  }
0xb0: {  	[timem:s3], [sflag:s2] =	dma.local @!p0 [hbm:s0], s1  }
0xb1: {  	s0 =	simm.s32 @!p0 $0x7  }
0xb2: {  	_ =	swait.ge @!p0 [sflag:s0], s1  }
0xb3: {  	s1 =	ssub.s32 @!p0 $0x0, s1;
	[sflag:s0] =	ssyncset.done @!p0 $0x0  }
0xb4: {  	[sflag:s0] =	ssyncadd.s32 @!p0 s1  }
0xb5: {  	[bflag:$0x3] =	sbarrier.arrive $0xFFFF  }
0xb6: {  	_ =	shalt  }

// kernel: kernel.14.cloned.1.call-start
scs
__scs_entry_jumppad:
0x0: {  	(pc) =	sbr.rel $0x88, $3  }
0x1: {  	(tag) =	ssettag $0x0;
	lr =	simm.s32 $0x1  }
0x2: {  	[smem:$0x3F9A] =	sst lr;
	_ =	strace $0xD0000000  }
0x3: {  	_ = 	snop  }
0x4: {  	_ = 	snop  }
0x5: {  	_ = 	snop  }
0x6: {  	_ = 	snop  }
0x7: {  	_ = 	snop  }
__scs_overlays_trampoline_lowered:
0x8: {  	[smem:$0x3FA9] =	sst s0  }
0x9: {  	[smem:$0x3FAA] =	sst s1  }
0xa: {  	[smem:$0x3FAB] =	sst s2  }
0xb: {  	[smem:$0x3FAC] =	sst s3  }
0xc: {  	[smem:$0x3FAD] =	sst s4  }
0xd: {  	[smem:$0x3FAE] =	sst s5  }
0xe: {  	[smem:$0x3FAF] =	sst s6  }
0xf: {  	[smem:$0x3FB0] =	sst s7  }
0x10: {  	[smem:$0x3FB1] =	sst s8  }
0x11: {  	[smem:$0x3FB2] =	sst s9;
	s0 =	simm.s32 @!p0 $0x0  }
0x12: {  	s1 =	sld [smem:$0x3F98];
	s0 =	simm.s32 @p0 $0x1  }
0x13: {  	[smem:$0x3FB3] =	sst s0;
	s0 =	simm.s32 @!p1 $0x0  }
0x14: {  	s2 =	sld [smem:$0x3F97];
	s0 =	simm.s32 @p1 $0x1  }
0x15: {  	[smem:$0x3FB4] =	sst s0;
	s0 =	simm.s32 @!p2 $0x0  }
0x16: {  	s3 =	sld [smem:$0x3FDB];
	s0 =	simm.s32 @p2 $0x1  }
0x17: {  	s4 =	simm.s32 $0x1BF5;
	[smem:$0x3FB6] =	sst s0  }
0x18: {  	s0 =	sld [smem:$0x3F99];
	_ =	swait.ge [sflag:s4], $0x0  }
0x19: {  	s7 =	sld [smem:$0x3F9A]  }
0x1a: {  	s8 =	sadd.s32 $0xFFFFE003, lr  }
0x1b: {  	s9 =	sadd.s32 $0xFFFFFEF7, lr;
	s5 =	simm.s32 $0xFFFFFFFF;
	p2 =	slt.u32 s8, $0xFFFFF086  }
0x1c: {  	p1 =	slt.u32 s9, $0xF7A;
	s5 =	simm.s32 @!p2 $0x0  }
0x1d: {  	s5 =	simm.s32 @p1 $0x1;
	p0 =	seq.s32 s7, s2  }
0x1e: {  	s7 =	smul.u32 @!p0 $0xF7A, s2;
	p2 =	seq.s32 @!p0 s5, $0x0  }
0x1f: {  	s9 =	smul.u32 $0xF7A, s1;
	s8 =	simm.s32 @!p0 $0x1BF5;
	p2 =	por !p2, p0  }
0x20: {  	[sflag:s8] =	ssyncset.s32 @!p0 $0xFFFFF086;
	s6 =	sadd.s32 @!p0 s3, s7;
	s7 =	simm.s32 @!p0 $0x108  }
0x21: {  	s3 =	sadd.s32 s3, s9;
	s6 =	sadd.s32 @!p0 $0x88, s6;
	s7 =	simm.s32 @p2 $0x1082  }
0x22: {  	[simem:s7], [sflag:s8] =	dma.local @!p0 [hbm:s6], $0xF7A  }
0x23: {  	s9 =	sor.u32 $0xD0000000, s2;
	s6 =	simm.s32 $0x108;
	_ =	swait.ge @!p0 [sflag:s8], $0x0  }
0x24: {  	s3 =	sadd.s32 $0x88, s3;
	s6 =	simm.s32 @!p1 $0x1082;
	[sflag:s4] =	ssyncset.s32 $0xFFFFF086  }
0x25: {  	[simem:s6], [sflag:s4] =	dma.local [hbm:s3], $0xF7A  }
0x26: {  	[smem:$0x3F9A] =	sst s1;
	(tag) =	ssettag s2;
	_ =	strace s9  }
0x27: {  	s1 =	sld [smem:$0x3FAA]  }
0x28: {  	s2 =	sld [smem:$0x3FAB]  }
0x29: {  	s4 =	sld [smem:$0x3FAD]  }
0x2a: {  	p0 =	seq.s32 s5, $0x0;
	s5 =	sld [smem:$0x3FAE]  }
0x2b: {  	s6 =	sld [smem:$0x3FAF]  }
0x2c: {  	s7 =	sld [smem:$0x3FB0]  }
0x2d: {  	s3 =	simm.s32 $0x108;
	s8 =	sld [smem:$0x3FB1]  }
0x2e: {  	s3 =	simm.s32 @!p0 $0x1082;
	s9 =	sld [smem:$0x3FB2]  }
0x2f: {  	lr =	sadd.s32 s0, s3;
	s0 =	sld [smem:$0x3FA9]  }
0x30: {  	s3 =	sld [smem:$0x3FAC]  }
0x31: {  	[smem:$0x3FB5] =	sst s10  }
0x32: {  	s10 =	sld [smem:$0x3FB3];
	_ =	sdelay $0x3  }
0x33: {  	p0 =	seq.s32 s10, $0x1;
	s10 =	sld [smem:$0x3FB5];
	_ =	sdelay $0x3  }
0x34: {  	[smem:$0x3FB5] =	sst s10  }
0x35: {  	s10 =	sld [smem:$0x3FB4];
	_ =	sdelay $0x3  }
0x36: {  	p1 =	seq.s32 s10, $0x1;
	s10 =	sld [smem:$0x3FB5];
	_ =	sdelay $0x3  }
0x37: {  	[smem:$0x3FB5] =	sst s10  }
0x38: {  	s10 =	sld [smem:$0x3FB6]  }
0x39: {  	_ = 	snop;
	(pc) =	sbr.ind lr, $3  }
0x3a: {  	_ = 	snop  }
0x3b: {  	_ = 	snop  }
0x3c: {  	p2 =	seq.s32 s10, $0x1;
	s10 =	sld [smem:$0x3FB5]  }
0x3d: {  	_ =	shalt  }
0x3e: {  	_ =	shalt  }
0x3f: {  	_ =	shalt  }
0x40: {  	_ =	shalt  }
0x41: {  	_ =	shalt  }
0x42: {  	_ =	shalt  }
0x43: {  	_ =	shalt  }
0x44: {  	_ =	shalt  }
0x45: {  	_ =	shalt  }
0x46: {  	_ =	shalt  }
0x47: {  	_ =	shalt  }
0x48: {  	_ =	shalt  }
0x49: {  	_ =	shalt  }
0x4a: {  	_ =	shalt  }
0x4b: {  	_ =	shalt  }
0x4c: {  	_ =	shalt  }
0x4d: {  	_ =	shalt  }
0x4e: {  	_ =	shalt  }
0x4f: {  	_ =	shalt  }
0x50: {  	_ =	shalt  }
0x51: {  	_ =	shalt  }
0x52: {  	_ =	shalt  }
0x53: {  	_ =	shalt  }
0x54: {  	_ =	shalt  }
0x55: {  	_ =	shalt  }
0x56: {  	_ =	shalt  }
0x57: {  	_ =	shalt  }
0x58: {  	_ =	shalt  }
0x59: {  	_ =	shalt  }
0x5a: {  	_ =	shalt  }
0x5b: {  	_ =	shalt  }
0x5c: {  	_ =	shalt  }
0x5d: {  	_ =	shalt  }
0x5e: {  	_ =	shalt  }
0x5f: {  	_ =	shalt  }
0x60: {  	_ =	shalt  }
0x61: {  	_ =	shalt  }
0x62: {  	_ =	shalt  }
0x63: {  	_ =	shalt  }
0x64: {  	_ =	shalt  }
0x65: {  	_ =	shalt  }
0x66: {  	_ =	shalt  }
0x67: {  	_ =	shalt  }
0x68: {  	_ =	shalt  }
0x69: {  	_ =	shalt  }
0x6a: {  	_ =	shalt  }
0x6b: {  	_ =	shalt  }
0x6c: {  	_ =	shalt  }
0x6d: {  	_ =	shalt  }
0x6e: {  	_ =	shalt  }
0x6f: {  	_ =	shalt  }
0x70: {  	_ =	shalt  }
0x71: {  	_ =	shalt  }
0x72: {  	_ =	shalt  }
0x73: {  	_ =	shalt  }
0x74: {  	_ =	shalt  }
0x75: {  	_ =	shalt  }
0x76: {  	_ =	shalt  }
0x77: {  	_ =	shalt  }
0x78: {  	_ =	shalt  }
0x79: {  	_ =	shalt  }
0x7a: {  	_ =	shalt  }
0x7b: {  	_ =	shalt  }
0x7c: {  	_ =	shalt  }
0x7d: {  	_ =	shalt  }
0x7e: {  	_ =	shalt  }
0x7f: {  	_ =	shalt  }
0x80: {  	_ =	shalt  }
0x81: {  	_ =	shalt  }
0x82: {  	_ =	shalt  }
0x83: {  	_ =	shalt  }
0x84: {  	_ =	shalt  }
0x85: {  	_ =	shalt  }
0x86: {  	_ =	shalt  }
0x87: {  	_ =	shalt  }
.Lfunc_end0:
.L_simem_size_0:
called_computation.2_lowered:
.L_overlay_start_0:
0x88: {  	s2 =	sld [smem:$0x3FD9]  }
0x89: {  	s3 =	sld [smem:$0x3FFE];
	_ =	sdelay $0x1  }
0x8a: {  	s1 =	srdreg.scid  }
0x8b: {  	s0 =	sand.u32 $0x1, s1  }
0x8c: {  	s17 =	sshll.u32 s0, $0xA;
	s2 =	sadd.s32 s3, s2  }
0x8d: {  	s2 =	sadd.s32 s2, s17  }
0x8e: {  	[smem:$0x3FC1] =	sst s2  }
0x8f: {  	_ = 	snop  }
0x90: {  	s2 =	sld [smem:$0x3FD0];
	(tm) =	ssettm $0x1  }
0x91: {  	s18 =	sld [smem:$0x3FFB];
	_ =	sdelay $0x3  }
0x92: {  	_ =	strace s18  }
0x93: {  	s3 =	sld [smem:$0x3FFC];
	_ =	sdelay $0x3  }
0x94: {  	_ =	strace s3  }
0x95: {  	s3 =	sld [smem:$0x3FFD];
	_ =	sdelay $0x3  }
0x96: {  	_ =	strace s3  }
0x97: {  	_ =	strace $0x8FFFFFFF  }
0x98: {  	s19 =	sld [smem:$0x3FDB];
	_ =	sdelay $0x1  }
0x99: {  	s4 =	simm.s32 $_scs_section_size  }
0x9a: {  	s5 =	simm.s32 $_size__tile_overlayer_lowered;
	s6 =	simm.s32 $_tile_overlayer_lowered  }
0x9b: {  	s22 =	simm.s32 $0x1BFF;
	s21 =	sshll.u32 s6, $0x1;
	s3 =	sadd.s32 s4, s19  }
0x9c: {  	s7 =	simm.s32 $0x0;
	s20 =	sshll.u32 s5, $0x1;
	s5 =	sadd.s32 s21, s3  }
0x9d: {  	[timem:s7], [sflag:s22] =	dma.local [hbm:s5], s20  }
0x9e: {  	_ =	swait.ge [sflag:s22], s20  }
0x9f: {  	s4 =	ssub.s32 $0x0, s20;
	[sflag:s22] =	ssyncset.done $0x0  }
0xa0: {  	[sflag:s22] =	ssyncadd.s32 s4;
	_ =	sdelay $0x1  }
0xa1: {  	s23 =	simm.s32 $0x1B8B  }
0xa2: {  	_ =	swait.ge [sflag:s23], $0x1  }
0xa3: {  	[sflag:s23] =	ssyncset.done $0x0  }
0xa4: {  	s25 =	simm.s32 $0x1B8E;
	s24 =	sld [smem:$0x3FFE];
	[sflag:s23] =	ssyncadd.s32 $0xFFFFFFFF  }
0xa5: {  	s26 =	simm.s32 $execute0_lowered;
	[smem:$0x3FD2] =	sst s25  }
0xa6: {  	s5 =	sshll.u32 s26, $0x1;
	_ =	strace $0x8000004C;
	[dreg:$0x1] =	wrdreg $0xFFFFFFFF  }
0xa7: {  	s28 =	simm.s32 $_size_execute0_lowered;
	s3 =	sadd.s32 s3, s5;
	[dreg:$0x0] =	wrdreg $0x0  }
0xa8: {  	s5 =	sshll.u32 s28, $0x1;
	[dreg:$0x2] =	wrdreg s3  }
0xa9: {  	[dreg:$0x3] =	wrdreg s5  }
0xaa: {  	[dreg:$0x4] =	wrdreg $0xC0  }
0xab: {  	_ =	task [dreg:s7], $0x5FFFF  }
0xac: {  	[dreg:$0x1] =	wrdreg $0xFFFFFFFF  }
0xad: {  	[dreg:$0x0] =	wrdreg $0x60  }
0xae: {  	[dreg:$0x2] =	wrdreg s24  }
0xaf: {  	[dreg:$0x3] =	wrdreg s2  }
0xb0: {  	[dreg:$0x4] =	wrdreg $0x88000  }
0xb1: {  	[dreg:$0x5] =	wrdreg $0x9  }
0xb2: {  	_ =	task.clear_ibuf [dreg:s7], $0x6FFFF;
	_ =	strace $0x9000004C  }
0xb3: {  	s29 =	simm.s32 $0x9;
	_ =	strace $0x8000004E  }
0xb4: {  	_ =	swait.ge [sflag:s29], $0x1  }
0xb5: {  	[sflag:s29] =	ssyncadd.s32 $0xFFFFFFFF  }
0xb6: {  	_ =	strace $0x9000004E  }
0xb7: {  	_ =	sfence  }
0xb8: {  	s30 =	sld [smem:$0x0];
	_ =	sdelay $0x2  }
0xb9: {  	s31 =	sshll.u32 s1, $0xD;
	s1 =	sshrl.u32 s1, $0x2  }
0xba: {  	s3 =	sand.u32 $0x4000, s31;
	s1 =	sadd.s32 s1, s30  }
0xbb: {  	s0 =	sor.u32 s3, s0;
	s1 =	sshll.u32 s1, $0x11  }
0xbc: {  	s0 =	sor.u32 s1, s0  }
0xbd: {  	s0 =	sadd.s32 $0x8F2B, s0  }
0xbe: {  	[sflag:s0] =	ssyncadd.remote.s32 $0x1  }
0xbf: {  	_ =	sfence.sel $0xFFFF  }
0xc0: {  	[dreg:$0x0] =	wrdreg $0xFFFFFFFF;
	(pc) =	sbr.abs _section_cstart, $3  }
0xc1: {  	[dreg:$0x1] =	wrdreg $0xFFFFFFFF  }
0xc2: {  	_ =	task.clear_ibuf [dreg:s7], $0x2FFFF;
	_ =	strace $0x9FFFFFFF  }
0xc3: {  	(tm) =	ssettm $0x7FFFFFFF  }
tec
execute0_lowered:
.L_overlay_start_1:
0x0: {  	(tag) =	ssettag $0x1  }
0x1: {  	s0 =	rddreg [dreg:$0x0]  }
0x2: {  	s1 =	rddreg [dreg:$0x1]  }
0x3: {  	s2 =	rddreg [dreg:$0x2]  }
0x4: {  	s3 =	simm.s32 $0x0;
	s13 =	stileid.u32;
	s4 =	srdreg.scid  }
0x5: {  	s15 =	simm.s32 $0x200;
	s16 =	simm.s32 $0x400;
	s28 =	simm.s32 $0x100  }
0x6: {  	s29 =	simm.s32 $0x2;
	s30 =	simm.s32 $0x280;
	s31 =	simm.s32 $0x4  }
0x7: {  	[smem:$0x7FF] =	sst s3;
	s5 =	smul.u32 $0x13C00, s13;
	s6 =	sand.u32 $0x1, s4  }
0x8: {  	s4 =	sadd.s32 $0x15E00, s0;
	s8 =	sadd.s32 $0x1E00, s0;
	s20 =	smul.u32 $0x4F000, s13  }
0x9: {  	s9 =	sshll.u32 s13, $0x1;
	s12 =	smul.u32 $0xA000, s13;
	s25 =	sshll.u32 s13, $0x6  }
0xa: {  	_ =	strace $0x8000004D;
	s7 =	smul.u32 $0x13C000, s6;
	s17 =	sor.u32 s6, s9  }
0xb: {  	s19 =	ssub.s32 $0x2, s6;
	s6 =	smul.u32 $0x5000, s6;
	s10 =	sshrl.u32 s5, $0x3  }
0xc: {  	s11 =	sshrl.u32 s19, $0x1;
	s24 =	sshrl.u32 s20, $0x2;
	s20 =	simm.s32 $0x5  }
0xd: {  	s5 =	sadd.s32 s5, s7;
	s18 =	sadd.s32 s10, s0;
	s7 =	smul.u32 $0x5000, s17  }
0xe: {  	s6 =	sadd.s32 s6, s12;
	s17 =	simm.s32 $0x600;
	s12 =	simm.s32 $0x780  }
0xf: {  	s10 =	simm.s32 $0x0;
	s5 =	sshrl.u32 s5, $0x3;
	s6 =	sor.u32 $0x400, s6  }
0x10: {  	s9 =	sadd.s32 $0x66000, s18;
	s18 =	sor.u32 $0x1C07, s25;
	s25 =	simm.s32 $0x1  }
0x11: {  	[dreg:$0xd] =	wrdreg s10;
	s0 =	sadd.s32 s5, s0;
	s7 =	sshrl.u32 s7, $0x3  }
0x12: {  	s5 =	ssub.s32 s19, s11;
	[dreg:$0x8] =	wrdreg s9;
	s6 =	sshrl.u32 s6, $0x3  }
0x13: {  	s9 =	simm.s32 $0x580;
	s11 =	simm.s32 $0x700;
	[dreg:$0x9] =	wrdreg s18  }
0x14: {  	s21 =	sor.u32 $0x40, s7;
	s14 =	sadd.s32 s8, s7;
	s7 =	sadd.s32 s1, s7  }
0x15: {  	s0 =	sadd.s32 $0x8D800, s0;
	s26 =	smax.u32 s5, $0x1;
	[dreg:$0x4] =	wrdreg s14  }
0x16: {  	s13 =	sadd.s32 s6, s8;
	s5 =	simm.s32 $0x380;
	[dreg:$0x5] =	wrdreg s7  }
0x17: {  	s22 =	sadd.s32 s8, s21;
	s23 =	sadd.s32 s1, s21;
	[dreg:$0xa] =	wrdreg s0  }
0x18: {  	s7 =	sadd.s32 s24, s2;
	[dreg:$0xb] =	wrdreg s26;
	s14 =	sadd.s32 s6, s1  }
.Ltmp0:
0x19: {  	s21 =	simm.s32 $0x7;
	s24 =	simm.s32 $0x4800;
	(pc) =	sbr.rel .LBB2_1-.Ltmp0, $4  }
0x1a: {  	s26 =	simm.s32 $0x3;
	s0 =	simm.s32 $0x180;
	s1 =	simm.s32 $0x300  }
0x1b: {  	s6 =	simm.s32 $0x480;
	s8 =	simm.s32 $0x680;
	[dreg:$0x6] =	wrdreg s22  }
0x1c: {  	[dreg:$0x7] =	wrdreg s23;
	s19 =	sshrl.u32 s7, $0x3;
	s22 =	simm.s32 $0x80  }
0x1d: {  	s23 =	simm.s32 $0x800;
	s7 =	simm.s32 $0x500;
	[dreg:$0xc] =	wrdreg s19  }
.LBB2_4:
0x1e: {  	_ =	swait.ge [sflag:s29], $0x4000  }
0x1f: {  	[sflag:s29] =	ssyncset.done $0x0  }
0x20: {  	[sflag:s29] =	ssyncadd.s32 $0xFFFFC000  }
0x21: {  	[spmem:s2] =	stream.indirect.scatter.add.f32 [tilespmem:s24], [sflag:$0x4], $0x80, s12, s22, $0xb8;
	[tilespmem:$0x1C400] =	vst v63  }
0x22: {  	_ =	swait.ge [sflag:s31], $0x4000  }
0x23: {  	[sflag:s31] =	ssyncset.done $0x0  }
0x24: {  	[sflag:s31] =	ssyncadd.s32 $0xFFFFC000  }
0x25: {  	[bflag:$0x0] =	sbarrier.arrive $0xFFFF  }
0x26: {  	s15 =	rddreg [dreg:$0x9]  }
0x27: {  	s10 =	rddreg [dreg:$0xa]  }
0x28: {  	s21 =	simm.s32 $0x7;
	s19 =	rddreg [dreg:$0xc]  }
0x29: {  	[hbm:s10], [sflag:s15] =	dma.local [spmem:s19], $0x2780  }
0x2a: {  	_ =	swait.ge [sflag:s21], $0x2780  }
0x2b: {  	s18 =	rddreg [dreg:$0xd]  }
0x2c: {  	s10 =	rddreg [dreg:$0xb];
	s18 =	sadd.s32 $0x1, s18  }
0x2d: {  	p0 =	sne.s32 s18, s10  }
.Ltmp1:
0x2e: {  	_ = 	snop;
	(pc) =	sbr.rel @!p0 .LBB2_5-.Ltmp1, $4  }
0x2f: {  	_ = 	snop  }
0x30: {  	[sflag:s21] =	ssyncset.done $0x0  }
0x31: {  	[sflag:s21] =	ssyncadd.s32 $0xFFFFD880  }
0x32: {  	[dreg:$0xd] =	wrdreg s18;
	s18 =	smov.u32 s15;
	s15 =	simm.s32 $0x200  }
.LBB2_1:
0x33: {  	s10 =	rddreg [dreg:$0x4]  }
0x34: {  	[tilespmem:s3], [sflag:$0x5] =	stream.linear.gather [hbm4b:s10+s3], $0x200, $0x38;
	[tilespmem:$0x1C400] =	vst v63  }
0x35: {  	s10 =	rddreg [dreg:$0x5]  }
0x36: {  	[tilespmem:s15], [sflag:$0x5] =	stream.linear.gather [hbm4b:s10+s3], $0x200, $0x38;
	[tilespmem:$0x1C400] =	vst v63  }
0x37: {  	s10 =	rddreg [dreg:$0x6]  }
0x38: {  	[tilespmem:s16], [sflag:$0x6] =	stream.linear.gather [hbm4b:s10+s3], $0x200, $0x38;
	[tilespmem:$0x1C400] =	vst v63  }
0x39: {  	s10 =	rddreg [dreg:$0x7]  }
0x3a: {  	[tilespmem:s17], [sflag:$0x6] =	stream.linear.gather [hbm4b:s10+s3], $0x200, $0x38;
	[tilespmem:$0x1C400] =	vst v63  }
0x3b: {  	s10 =	rddreg [dreg:$0x8]  }
0x3c: {  	[spmem:s19], [sflag:s18] =	dma.local [hbm:s10], $0x2780  }
0x3d: {  	_ =	swait.ge [sflag:s21], $0x2780  }
0x3e: {  	[sflag:s21] =	ssyncset.done $0x0  }
0x3f: {  	[sflag:s21] =	ssyncadd.s32 $0xFFFFD880  }
0x40: {  	[bflag:$0x0] =	sbarrier.arrive $0xFFFF  }
0x41: {  	_ =	swait.ge [sflag:s20], $0x200  }
0x42: {  	[sflag:s20] =	ssyncset.done $0x0  }
0x43: {  	[sflag:s20] =	ssyncadd.s32 $0xFFFFFE00  }
0x44: {  	_ =	swait.ge [sflag:s20], $0x200  }
0x45: {  	[sflag:s20] =	ssyncset.done $0x0  }
0x46: {  	s21 =	simm.s32 $0x6;
	[sflag:s20] =	ssyncadd.s32 $0xFFFFFE00  }
0x47: {  	_ =	swait.ge [sflag:s21], $0x200  }
0x48: {  	[sflag:s21] =	ssyncset.done $0x0  }
0x49: {  	[sflag:s21] =	ssyncadd.s32 $0xFFFFFE00  }
0x4a: {  	_ =	swait.ge [sflag:s21], $0x200  }
0x4b: {  	[sflag:s21] =	ssyncset.done $0x0  }
0x4c: {  	[sflag:s21] =	ssyncadd.s32 $0xFFFFFE00  }
0x4d: {  	[tilespmem:s23], [sflag:$0x1] =	stream.indirect.gather [hbm4b:s4+s22], $0x80, s3, s22, $0xb8;
	[tilespmem:$0x1C400] =	vst v63  }
0x4e: {  	s18 =	simm.s32 $0x0  }
0x4f: {  	[tilespmem:s24], [sflag:$0x2] =	stream.indirect.gather [hbm4b:s4+s22], $0x80, s22, s22, $0xb8;
	[tilespmem:$0x1C400] =	vst v63  }
.LBB2_2:
0x50: {  	_ =	swait.ge [sflag:s25], $0x4000  }
0x51: {  	[sflag:s25] =	ssyncset.done $0x0  }
0x52: {  	[sflag:s25] =	ssyncadd.s32 $0xFFFFC000  }
0x53: {  	[spmem:s2] =	stream.indirect.scatter.add.f32 [tilespmem:s23], [sflag:$0x3], $0x80, s15, s22, $0xb8;
	[tilespmem:$0x1C400] =	vst v63  }
0x54: {  	_ =	swait.ge [sflag:s26], $0x4000  }
0x55: {  	[sflag:s26] =	ssyncset.done $0x0  }
0x56: {  	[sflag:s26] =	ssyncadd.s32 $0xFFFFC000  }
0x57: {  	[tilespmem:s23], [sflag:$0x1] =	stream.indirect.gather [hbm4b:s4+s22], $0x80, s28, s22, $0xb8;
	[tilespmem:$0x1C400] =	vst v63  }
0x58: {  	_ =	swait.ge [sflag:s29], $0x4000  }
0x59: {  	[sflag:s29] =	ssyncset.done $0x0  }
0x5a: {  	[sflag:s29] =	ssyncadd.s32 $0xFFFFC000  }
0x5b: {  	[spmem:s2] =	stream.indirect.scatter.add.f32 [tilespmem:s24], [sflag:$0x4], $0x80, s30, s22, $0xb8;
	[tilespmem:$0x1C400] =	vst v63  }
0x5c: {  	_ =	swait.ge [sflag:s31], $0x4000  }
0x5d: {  	[sflag:s31] =	ssyncset.done $0x0  }
0x5e: {  	[sflag:s31] =	ssyncadd.s32 $0xFFFFC000  }
0x5f: {  	[tilespmem:s24], [sflag:$0x2] =	stream.indirect.gather [hbm4b:s4+s22], $0x80, s0, s22, $0xb8;
	[tilespmem:$0x1C400] =	vst v63  }
0x60: {  	_ =	swait.ge [sflag:s25], $0x4000  }
0x61: {  	[sflag:s25] =	ssyncset.done $0x0  }
0x62: {  	[sflag:s25] =	ssyncadd.s32 $0xFFFFC000  }
0x63: {  	[spmem:s2] =	stream.indirect.scatter.add.f32 [tilespmem:s23], [sflag:$0x3], $0x80, s1, s22, $0xb8;
	[tilespmem:$0x1C400] =	vst v63  }
0x64: {  	_ =	swait.ge [sflag:s26], $0x4000  }
0x65: {  	p0 =	seq.s32 s18, $0x0;
	[sflag:s26] =	ssyncset.done $0x0  }
0x66: {  	s19 =	simm.s32 @!p0 $0x6;
	[sflag:s26] =	ssyncadd.s32 $0xFFFFC000  }
0x67: {  	_ =	swait.ge @!p0 [sflag:s19], $0x200  }
0x68: {  	[sflag:s19] =	ssyncset.done @!p0 $0x0  }
0x69: {  	[sflag:s19] =	ssyncadd.s32 @!p0 $0xFFFFFE00  }
0x6a: {  	_ =	swait.ge @!p0 [sflag:s19], $0x200  }
0x6b: {  	[sflag:s19] =	ssyncset.done @!p0 $0x0  }
0x6c: {  	[sflag:s19] =	ssyncadd.s32 @!p0 $0xFFFFFE00  }
0x6d: {  	[tilespmem:s23], [sflag:$0x1] =	stream.indirect.gather [hbm4b:s4+s22], $0x80, s16, s22, $0xb8;
	[tilespmem:$0x1C400] =	vst v63  }
0x6e: {  	_ =	swait.ge [sflag:s29], $0x4000  }
0x6f: {  	[sflag:s29] =	ssyncset.done $0x0  }
0x70: {  	[sflag:s29] =	ssyncadd.s32 $0xFFFFC000  }
0x71: {  	[spmem:s2] =	stream.indirect.scatter.add.f32 [tilespmem:s24], [sflag:$0x4], $0x80, s5, s22, $0xb8;
	[tilespmem:$0x1C400] =	vst v63  }
0x72: {  	_ =	swait.ge [sflag:s31], $0x4000  }
0x73: {  	p0 =	seq.s32 s18, $0x980;
	[sflag:s31] =	ssyncset.done $0x0  }
0x74: {  	s19 =	sadd.s32 @!p0 s18, s13;
	s21 =	simm.s32 @!p0 $0x0;
	[sflag:s31] =	ssyncadd.s32 $0xFFFFC000  }
0x75: {  	[tilespmem:s21], [sflag:$0x5] =	stream.linear.gather @!p0 [hbm4b:s19+s21], $0x200, $0x38;
	[tilespmem:$0x1C400] =	vst v63  }
0x76: {  	s10 =	simm.s32 @!p0 $0x200;
	s19 =	sadd.s32 @!p0 s18, s14  }
0x77: {  	[tilespmem:s10], [sflag:$0x5] =	stream.linear.gather @!p0 [hbm4b:s19+s21], $0x200, $0x38;
	[tilespmem:$0x1C400] =	vst v63  }
0x78: {  	_ = 	snop  }
0x79: {  	[tilespmem:s24], [sflag:$0x2] =	stream.indirect.gather [hbm4b:s4+s22], $0x80, s6, s22, $0xb8;
	[tilespmem:$0x1C400] =	vst v63  }
0x7a: {  	_ =	swait.ge [sflag:s25], $0x4000  }
0x7b: {  	[sflag:s25] =	ssyncset.done $0x0  }
0x7c: {  	[sflag:s25] =	ssyncadd.s32 $0xFFFFC000  }
0x7d: {  	[spmem:s2] =	stream.indirect.scatter.add.f32 [tilespmem:s23], [sflag:$0x3], $0x80, s17, s22, $0xb8;
	[tilespmem:$0x1C400] =	vst v63  }
0x7e: {  	_ =	swait.ge [sflag:s26], $0x4000  }
0x7f: {  	[sflag:s26] =	ssyncset.done $0x0  }
0x80: {  	[sflag:s26] =	ssyncadd.s32 $0xFFFFC000  }
0x81: {  	[tilespmem:s23], [sflag:$0x1] =	stream.indirect.gather [hbm4b:s4+s22], $0x80, s7, s22, $0xb8;
	[tilespmem:$0x1C400] =	vst v63  }
0x82: {  	_ =	swait.ge [sflag:s29], $0x4000  }
0x83: {  	[sflag:s29] =	ssyncset.done $0x0  }
0x84: {  	[sflag:s29] =	ssyncadd.s32 $0xFFFFC000  }
0x85: {  	[spmem:s2] =	stream.indirect.scatter.add.f32 [tilespmem:s24], [sflag:$0x4], $0x80, s8, s22, $0xb8;
	[tilespmem:$0x1C400] =	vst v63  }
0x86: {  	_ =	swait.ge [sflag:s31], $0x4000  }
0x87: {  	[sflag:s31] =	ssyncset.done $0x0  }
0x88: {  	[sflag:s31] =	ssyncadd.s32 $0xFFFFC000  }
0x89: {  	[tilespmem:s24], [sflag:$0x2] =	stream.indirect.gather [hbm4b:s4+s22], $0x80, s9, s22, $0xb8;
	[tilespmem:$0x1C400] =	vst v63  }
0x8a: {  	_ =	swait.ge [sflag:s25], $0x4000  }
0x8b: {  	[sflag:s25] =	ssyncset.done $0x0  }
.Ltmp2:
0x8c: {  	[sflag:s25] =	ssyncadd.s32 $0xFFFFC000;
	(pc) =	sbr.rel @p0 .LBB2_4-.Ltmp2, $4  }
0x8d: {  	[spmem:s2] =	stream.indirect.scatter.add.f32 [tilespmem:s23], [sflag:$0x3], $0x80, s11, s22, $0xb8;
	[tilespmem:$0x1C400] =	vst v63  }
0x8e: {  	_ =	swait.ge [sflag:s26], $0x4000  }
0x8f: {  	[sflag:s26] =	ssyncset.done $0x0  }
0x90: {  	[sflag:s26] =	ssyncadd.s32 $0xFFFFC000  }
0x91: {  	_ =	swait.ge [sflag:s20], $0x200  }
0x92: {  	[sflag:s20] =	ssyncset.done $0x0  }
0x93: {  	[sflag:s20] =	ssyncadd.s32 $0xFFFFFE00  }
0x94: {  	_ =	swait.ge [sflag:s20], $0x200  }
0x95: {  	[sflag:s20] =	ssyncset.done $0x0  }
0x96: {  	[sflag:s20] =	ssyncadd.s32 $0xFFFFFE00  }
0x97: {  	[tilespmem:s23], [sflag:$0x1] =	stream.indirect.gather [hbm4b:s4+s22], $0x80, s3, s22, $0xb8;
	[tilespmem:$0x1C400] =	vst v63  }
0x98: {  	_ =	swait.ge [sflag:s29], $0x4000  }
0x99: {  	[sflag:s29] =	ssyncset.done $0x0  }
0x9a: {  	[sflag:s29] =	ssyncadd.s32 $0xFFFFC000  }
0x9b: {  	[spmem:s2] =	stream.indirect.scatter.add.f32 [tilespmem:s24], [sflag:$0x4], $0x80, s12, s22, $0xb8;
	[tilespmem:$0x1C400] =	vst v63  }
0x9c: {  	_ =	swait.ge [sflag:s31], $0x4000  }
0x9d: {  	s10 =	sadd.s32 s18, s13;
	[sflag:s31] =	ssyncset.done $0x0  }
0x9e: {  	s10 =	sadd.s32 $0x40, s10;
	[sflag:s31] =	ssyncadd.s32 $0xFFFFC000  }
0x9f: {  	[tilespmem:s16], [sflag:$0x6] =	stream.linear.gather [hbm4b:s10+s3], $0x200, $0x38;
	[tilespmem:$0x1C400] =	vst v63  }
.Ltmp3:
0xa0: {  	s21 =	sadd.s32 s18, s14;
	(pc) =	sbr.rel .LBB2_2-.Ltmp3, $4  }
0xa1: {  	s10 =	sadd.s32 $0x40, s21  }
0xa2: {  	[tilespmem:s17], [sflag:$0x6] =	stream.linear.gather [hbm4b:s10+s3], $0x200, $0x38;
	[tilespmem:$0x1C400] =	vst v63  }
0xa3: {  	s18 =	sadd.s32 $0x80, s18  }
0xa4: {  	[tilespmem:s24], [sflag:$0x2] =	stream.indirect.gather [hbm4b:s4+s22], $0x80, s22, s22, $0xb8;
	[tilespmem:$0x1C400] =	vst v63  }
.LBB2_5:
0xa5: {  	_ =	sfence.sel $0x180000  }
0xa6: {  	[bflag:$0x0] =	sbarrier.arrive $0xFFFF  }
0xa7: {  	_ =	strace $0x9000004D  }
0xa8: {  	s0 =	stileid.u32;
	[bflag:$0x2] =	sbarrier.arrive $0xFFFF  }
0xa9: {  	p0 =	sne.s32 s0, $0x0;
	s0 =	rddreg [dreg:$0x3]  }
0xaa: {  	s0 =	sadd.s32 @!p0 $0x100000, s0  }
0xab: {  	[sflag:s0] =	ssyncadd.tile.s32 @!p0 $0x1;
	_ =	shalt  }
.Lfunc_end2:
_tile_overlayer_lowered:
.L_overlay_start_2:
0xac: {  	(tag) =	ssettag $0x2  }
0xad: {  	s0 =	rddreg [dreg:$0x0];
	s2 =	stileid.u32  }
0xae: {  	s1 =	rddreg [dreg:$0x1];
	p0 =	sne.s32 s2, $0x0  }
0xaf: {  	s3 =	rddreg [dreg:$0x2];
	[bflag:$0x3] =	sbarrier.arrive $0xFFFF;
	s2 =	simm.s32 @!p0 $0x1C07  }
0xb0: {  	[timem:s3], [sflag:s2] =	dma.local @!p0 [hbm:s0], s1  }
0xb1: {  	s0 =	simm.s32 @!p0 $0x7  }
0xb2: {  	_ =	swait.ge @!p0 [sflag:s0], s1  }
0xb3: {  	s1 =	ssub.s32 @!p0 $0x0, s1;
	[sflag:s0] =	ssyncset.done @!p0 $0x0  }
0xb4: {  	[sflag:s0] =	ssyncadd.s32 @!p0 s1  }
0xb5: {  	[bflag:$0x3] =	sbarrier.arrive $0xFFFF  }
0xb6: {  	_ =	shalt  }

// kernel: kernel.8.cloned.1.call-start
scs
__scs_entry_jumppad:
0x0: {  	(pc) =	sbr.rel $0x88, $3  }
0x1: {  	(tag) =	ssettag $0x0;
	lr =	simm.s32 $0x1  }
0x2: {  	[smem:$0x3F9A] =	sst lr;
	_ =	strace $0xD0000000  }
0x3: {  	_ = 	snop  }
0x4: {  	_ = 	snop  }
0x5: {  	_ = 	snop  }
0x6: {  	_ = 	snop  }
0x7: {  	_ = 	snop  }
__scs_overlays_trampoline_lowered:
0x8: {  	[smem:$0x3FA9] =	sst s0  }
0x9: {  	[smem:$0x3FAA] =	sst s1  }
0xa: {  	[smem:$0x3FAB] =	sst s2  }
0xb: {  	[smem:$0x3FAC] =	sst s3  }
0xc: {  	[smem:$0x3FAD] =	sst s4  }
0xd: {  	[smem:$0x3FAE] =	sst s5  }
0xe: {  	[smem:$0x3FAF] =	sst s6  }
0xf: {  	[smem:$0x3FB0] =	sst s7  }
0x10: {  	[smem:$0x3FB1] =	sst s8  }
0x11: {  	[smem:$0x3FB2] =	sst s9;
	s0 =	simm.s32 @!p0 $0x0  }
0x12: {  	s1 =	sld [smem:$0x3F98];
	s0 =	simm.s32 @p0 $0x1  }
0x13: {  	[smem:$0x3FB3] =	sst s0;
	s0 =	simm.s32 @!p1 $0x0  }
0x14: {  	s2 =	sld [smem:$0x3F97];
	s0 =	simm.s32 @p1 $0x1  }
0x15: {  	[smem:$0x3FB4] =	sst s0;
	s0 =	simm.s32 @!p2 $0x0  }
0x16: {  	s3 =	sld [smem:$0x3FDB];
	s0 =	simm.s32 @p2 $0x1  }
0x17: {  	s4 =	simm.s32 $0x1BF5;
	[smem:$0x3FB6] =	sst s0  }
0x18: {  	s0 =	sld [smem:$0x3F99];
	_ =	swait.ge [sflag:s4], $0x0  }
0x19: {  	s7 =	sld [smem:$0x3F9A]  }
0x1a: {  	s8 =	sadd.s32 $0xFFFFE003, lr  }
0x1b: {  	s9 =	sadd.s32 $0xFFFFFEF7, lr;
	s5 =	simm.s32 $0xFFFFFFFF;
	p2 =	slt.u32 s8, $0xFFFFF086  }
0x1c: {  	p1 =	slt.u32 s9, $0xF7A;
	s5 =	simm.s32 @!p2 $0x0  }
0x1d: {  	s5 =	simm.s32 @p1 $0x1;
	p0 =	seq.s32 s7, s2  }
0x1e: {  	s7 =	smul.u32 @!p0 $0xF7A, s2;
	p2 =	seq.s32 @!p0 s5, $0x0  }
0x1f: {  	s9 =	smul.u32 $0xF7A, s1;
	s8 =	simm.s32 @!p0 $0x1BF5;
	p2 =	por !p2, p0  }
0x20: {  	[sflag:s8] =	ssyncset.s32 @!p0 $0xFFFFF086;
	s6 =	sadd.s32 @!p0 s3, s7;
	s7 =	simm.s32 @!p0 $0x108  }
0x21: {  	s3 =	sadd.s32 s3, s9;
	s6 =	sadd.s32 @!p0 $0x88, s6;
	s7 =	simm.s32 @p2 $0x1082  }
0x22: {  	[simem:s7], [sflag:s8] =	dma.local @!p0 [hbm:s6], $0xF7A  }
0x23: {  	s9 =	sor.u32 $0xD0000000, s2;
	s6 =	simm.s32 $0x108;
	_ =	swait.ge @!p0 [sflag:s8], $0x0  }
0x24: {  	s3 =	sadd.s32 $0x88, s3;
	s6 =	simm.s32 @!p1 $0x1082;
	[sflag:s4] =	ssyncset.s32 $0xFFFFF086  }
0x25: {  	[simem:s6], [sflag:s4] =	dma.local [hbm:s3], $0xF7A  }
0x26: {  	[smem:$0x3F9A] =	sst s1;
	(tag) =	ssettag s2;
	_ =	strace s9  }
0x27: {  	s1 =	sld [smem:$0x3FAA]  }
0x28: {  	s2 =	sld [smem:$0x3FAB]  }
0x29: {  	s4 =	sld [smem:$0x3FAD]  }
0x2a: {  	p0 =	seq.s32 s5, $0x0;
	s5 =	sld [smem:$0x3FAE]  }
0x2b: {  	s6 =	sld [smem:$0x3FAF]  }
0x2c: {  	s7 =	sld [smem:$0x3FB0]  }
0x2d: {  	s3 =	simm.s32 $0x108;
	s8 =	sld [smem:$0x3FB1]  }
0x2e: {  	s3 =	simm.s32 @!p0 $0x1082;
	s9 =	sld [smem:$0x3FB2]  }
0x2f: {  	lr =	sadd.s32 s0, s3;
	s0 =	sld [smem:$0x3FA9]  }
0x30: {  	s3 =	sld [smem:$0x3FAC]  }
0x31: {  	[smem:$0x3FB5] =	sst s10  }
0x32: {  	s10 =	sld [smem:$0x3FB3];
	_ =	sdelay $0x3  }
0x33: {  	p0 =	seq.s32 s10, $0x1;
	s10 =	sld [smem:$0x3FB5];
	_ =	sdelay $0x3  }
0x34: {  	[smem:$0x3FB5] =	sst s10  }
0x35: {  	s10 =	sld [smem:$0x3FB4];
	_ =	sdelay $0x3  }
0x36: {  	p1 =	seq.s32 s10, $0x1;
	s10 =	sld [smem:$0x3FB5];
	_ =	sdelay $0x3  }
0x37: {  	[smem:$0x3FB5] =	sst s10  }
0x38: {  	s10 =	sld [smem:$0x3FB6]  }
0x39: {  	_ = 	snop;
	(pc) =	sbr.ind lr, $3  }
0x3a: {  	_ = 	snop  }
0x3b: {  	_ = 	snop  }
0x3c: {  	p2 =	seq.s32 s10, $0x1;
	s10 =	sld [smem:$0x3FB5]  }
0x3d: {  	_ =	shalt  }
0x3e: {  	_ =	shalt  }
0x3f: {  	_ =	shalt  }
0x40: {  	_ =	shalt  }
0x41: {  	_ =	shalt  }
0x42: {  	_ =	shalt  }
0x43: {  	_ =	shalt  }
0x44: {  	_ =	shalt  }
0x45: {  	_ =	shalt  }
0x46: {  	_ =	shalt  }
0x47: {  	_ =	shalt  }
0x48: {  	_ =	shalt  }
0x49: {  	_ =	shalt  }
0x4a: {  	_ =	shalt  }
0x4b: {  	_ =	shalt  }
0x4c: {  	_ =	shalt  }
0x4d: {  	_ =	shalt  }
0x4e: {  	_ =	shalt  }
0x4f: {  	_ =	shalt  }
0x50: {  	_ =	shalt  }
0x51: {  	_ =	shalt  }
0x52: {  	_ =	shalt  }
0x53: {  	_ =	shalt  }
0x54: {  	_ =	shalt  }
0x55: {  	_ =	shalt  }
0x56: {  	_ =	shalt  }
0x57: {  	_ =	shalt  }
0x58: {  	_ =	shalt  }
0x59: {  	_ =	shalt  }
0x5a: {  	_ =	shalt  }
0x5b: {  	_ =	shalt  }
0x5c: {  	_ =	shalt  }
0x5d: {  	_ =	shalt  }
0x5e: {  	_ =	shalt  }
0x5f: {  	_ =	shalt  }
0x60: {  	_ =	shalt  }
0x61: {  	_ =	shalt  }
0x62: {  	_ =	shalt  }
0x63: {  	_ =	shalt  }
0x64: {  	_ =	shalt  }
0x65: {  	_ =	shalt  }
0x66: {  	_ =	shalt  }
0x67: {  	_ =	shalt  }
0x68: {  	_ =	shalt  }
0x69: {  	_ =	shalt  }
0x6a: {  	_ =	shalt  }
0x6b: {  	_ =	shalt  }
0x6c: {  	_ =	shalt  }
0x6d: {  	_ =	shalt  }
0x6e: {  	_ =	shalt  }
0x6f: {  	_ =	shalt  }
0x70: {  	_ =	shalt  }
0x71: {  	_ =	shalt  }
0x72: {  	_ =	shalt  }
0x73: {  	_ =	shalt  }
0x74: {  	_ =	shalt  }
0x75: {  	_ =	shalt  }
0x76: {  	_ =	shalt  }
0x77: {  	_ =	shalt  }
0x78: {  	_ =	shalt  }
0x79: {  	_ =	shalt  }
0x7a: {  	_ =	shalt  }
0x7b: {  	_ =	shalt  }
0x7c: {  	_ =	shalt  }
0x7d: {  	_ =	shalt  }
0x7e: {  	_ =	shalt  }
0x7f: {  	_ =	shalt  }
0x80: {  	_ =	shalt  }
0x81: {  	_ =	shalt  }
0x82: {  	_ =	shalt  }
0x83: {  	_ =	shalt  }
0x84: {  	_ =	shalt  }
0x85: {  	_ =	shalt  }
0x86: {  	_ =	shalt  }
0x87: {  	_ =	shalt  }
.Lfunc_end0:
.L_simem_size_0:
called_computation_lowered:
.L_overlay_start_0:
0x88: {  	s2 =	sld [smem:$0x3FD9]  }
0x89: {  	s3 =	sld [smem:$0x3FFE];
	_ =	sdelay $0x1  }
0x8a: {  	s1 =	srdreg.scid  }
0x8b: {  	s0 =	sand.u32 $0x1, s1  }
0x8c: {  	s17 =	sshll.u32 s0, $0xA;
	s2 =	sadd.s32 s3, s2  }
0x8d: {  	s2 =	sadd.s32 s2, s17  }
0x8e: {  	[smem:$0x3FC1] =	sst s2  }
0x8f: {  	_ = 	snop  }
0x90: {  	s2 =	sld [smem:$0x3FD0];
	(tm) =	ssettm $0x1  }
0x91: {  	s18 =	sld [smem:$0x3FFB];
	_ =	sdelay $0x3  }
0x92: {  	_ =	strace s18  }
0x93: {  	s3 =	sld [smem:$0x3FFC];
	_ =	sdelay $0x3  }
0x94: {  	_ =	strace s3  }
0x95: {  	s3 =	sld [smem:$0x3FFD];
	_ =	sdelay $0x3  }
0x96: {  	_ =	strace s3  }
0x97: {  	_ =	strace $0x8FFFFFFF  }
0x98: {  	s19 =	sld [smem:$0x3FDB];
	_ =	sdelay $0x1  }
0x99: {  	s4 =	simm.s32 $_scs_section_size  }
0x9a: {  	s5 =	simm.s32 $_size__tile_overlayer_lowered;
	s6 =	simm.s32 $_tile_overlayer_lowered  }
0x9b: {  	s22 =	simm.s32 $0x1BFF;
	s21 =	sshll.u32 s6, $0x1;
	s3 =	sadd.s32 s4, s19  }
0x9c: {  	s7 =	simm.s32 $0x0;
	s20 =	sshll.u32 s5, $0x1;
	s5 =	sadd.s32 s21, s3  }
0x9d: {  	[timem:s7], [sflag:s22] =	dma.local [hbm:s5], s20  }
0x9e: {  	_ =	swait.ge [sflag:s22], s20  }
0x9f: {  	s4 =	ssub.s32 $0x0, s20;
	[sflag:s22] =	ssyncset.done $0x0  }
0xa0: {  	[sflag:s22] =	ssyncadd.s32 s4;
	_ =	sdelay $0x1  }
0xa1: {  	s23 =	simm.s32 $0x1B8B  }
0xa2: {  	_ =	swait.ge [sflag:s23], $0x1  }
0xa3: {  	[sflag:s23] =	ssyncset.done $0x0  }
0xa4: {  	s25 =	simm.s32 $0x1B8E;
	s24 =	sld [smem:$0x3FFE];
	[sflag:s23] =	ssyncadd.s32 $0xFFFFFFFF  }
0xa5: {  	s26 =	simm.s32 $execute0_lowered;
	[smem:$0x3FD2] =	sst s25  }
0xa6: {  	s5 =	sshll.u32 s26, $0x1;
	_ =	strace $0x80000046;
	[dreg:$0x1] =	wrdreg $0xFFFFFFFF  }
0xa7: {  	s28 =	simm.s32 $_size_execute0_lowered;
	s3 =	sadd.s32 s3, s5;
	[dreg:$0x0] =	wrdreg $0x0  }
0xa8: {  	s5 =	sshll.u32 s28, $0x1;
	[dreg:$0x2] =	wrdreg s3  }
0xa9: {  	[dreg:$0x3] =	wrdreg s5  }
0xaa: {  	[dreg:$0x4] =	wrdreg $0xC0  }
0xab: {  	_ =	task [dreg:s7], $0x5FFFF  }
0xac: {  	[dreg:$0x1] =	wrdreg $0xFFFFFFFF  }
0xad: {  	[dreg:$0x0] =	wrdreg $0x60  }
0xae: {  	[dreg:$0x2] =	wrdreg s2  }
0xaf: {  	[dreg:$0x3] =	wrdreg s24  }
0xb0: {  	[dreg:$0x4] =	wrdreg $0x8800  }
0xb1: {  	[dreg:$0x5] =	wrdreg $0x9  }
0xb2: {  	_ =	task.clear_ibuf [dreg:s7], $0x6FFFF;
	_ =	strace $0x90000046  }
0xb3: {  	s29 =	simm.s32 $0x9;
	_ =	strace $0x80000048  }
0xb4: {  	_ =	swait.ge [sflag:s29], $0x1  }
0xb5: {  	[sflag:s29] =	ssyncadd.s32 $0xFFFFFFFF  }
0xb6: {  	_ =	strace $0x90000048  }
0xb7: {  	_ =	sfence  }
0xb8: {  	s30 =	sld [smem:$0x0];
	_ =	sdelay $0x2  }
0xb9: {  	s31 =	sshll.u32 s1, $0xD;
	s1 =	sshrl.u32 s1, $0x2  }
0xba: {  	s3 =	sand.u32 $0x4000, s31;
	s1 =	sadd.s32 s1, s30  }
0xbb: {  	s0 =	sor.u32 s3, s0;
	s1 =	sshll.u32 s1, $0x11  }
0xbc: {  	s0 =	sor.u32 s1, s0  }
0xbd: {  	s0 =	sadd.s32 $0x8F2B, s0  }
0xbe: {  	[sflag:s0] =	ssyncadd.remote.s32 $0x1  }
0xbf: {  	_ =	sfence.sel $0xFFFF  }
0xc0: {  	[dreg:$0x0] =	wrdreg $0xFFFFFFFF;
	(pc) =	sbr.abs _section_cstart, $3  }
0xc1: {  	[dreg:$0x1] =	wrdreg $0xFFFFFFFF  }
0xc2: {  	_ =	task.clear_ibuf [dreg:s7], $0x2FFFF;
	_ =	strace $0x9FFFFFFF  }
0xc3: {  	(tm) =	ssettm $0x7FFFFFFF  }
tec
execute0_lowered:
.L_overlay_start_1:
0x0: {  	(tag) =	ssettag $0x1  }
0x1: {  	s0 =	rddreg [dreg:$0x0]  }
0x2: {  	s4 =	rddreg [dreg:$0x1]  }
0x3: {  	s1 =	rddreg [dreg:$0x2];
	s3 =	simm.s32 $0x0;
	s5 =	srdreg.scid  }
0x4: {  	s2 =	stileid.u32;
	s13 =	simm.s32 $0x100;
	s14 =	simm.s32 $0x180  }
0x5: {  	s15 =	simm.s32 $0x200;
	s16 =	simm.s32 $0x280;
	s17 =	simm.s32 $0x300  }
0x6: {  	s18 =	simm.s32 $0x380;
	s19 =	simm.s32 $0x400;
	s20 =	simm.s32 $0x480  }
0x7: {  	s21 =	simm.s32 $0x500;
	s22 =	simm.s32 $0x580;
	s23 =	simm.s32 $0x600  }
0x8: {  	s24 =	simm.s32 $0x680;
	s25 =	simm.s32 $0x700;
	s28 =	simm.s32 $0x1  }
0x9: {  	s29 =	simm.s32 $0x0;
	[smem:$0x7FF] =	sst s3;
	s5 =	sand.u32 $0x1, s5  }
0xa: {  	s6 =	sshll.u32 s2, $0x7;
	s7 =	sshll.u32 s2, $0xA;
	s10 =	smul.u32 $0xA000, s2  }
0xb: {  	s30 =	sshll.u32 s2, $0x6;
	s8 =	sshll.u32 s5, $0xE;
	_ =	strace $0x80000047  }
0xc: {  	s6 =	sadd.s32 s6, s4;
	s9 =	ssub.s32 $0x2, s5;
	s11 =	smul.u32 $0x5000, s5  }
0xd: {  	s12 =	sadd.s32 s7, s1;
	s8 =	sor.u32 s7, s8;
	s26 =	sshrl.u32 s9, $0x1  }
0xe: {  	s5 =	sor.u32 $0x1C02, s30;
	s8 =	sshrl.u32 s8, $0x3;
	s9 =	ssub.s32 s9, s26  }
0xf: {  	s10 =	sadd.s32 s11, s10;
	s11 =	simm.s32 $0x80;
	s26 =	simm.s32 $0x780  }
0x10: {  	s8 =	sadd.s32 s8, s4;
	s4 =	sadd.s32 $0x15E00, s6;
	s7 =	smax.u32 s9, $0x1  }
0x11: {  	s31 =	sshrl.u32 s10, $0x3;
	s9 =	sshrl.u32 s12, $0x3;
	s10 =	simm.s32 $0x2  }
0x12: {  	v0 =	vimm.f32 $1.000000000e+00;
	s12 =	simm.s32 $0x800;
	s6 =	sadd.s32 $0x16E00, s8;
	s8 =	sadd.s32 s31, s0  }
.LBB2_1:
0x13: {  	[tilespmem:$0x800] =	vst v0  }
0x14: {  	[tilespmem:$0x810] =	vst v0  }
0x15: {  	[tilespmem:$0x820] =	vst v0  }
0x16: {  	[tilespmem:$0x830] =	vst v0  }
0x17: {  	[tilespmem:$0x840] =	vst v0  }
0x18: {  	[tilespmem:$0x850] =	vst v0  }
0x19: {  	[tilespmem:$0x860] =	vst v0  }
0x1a: {  	[tilespmem:$0x870] =	vst v0  }
0x1b: {  	[spmem:s9], [sflag:s5] =	dma.local [hbm:s4], $0x80  }
0x1c: {  	_ =	swait.ge [sflag:s10], $0x80  }
0x1d: {  	[sflag:s10] =	ssyncset.done $0x0  }
0x1e: {  	[sflag:s10] =	ssyncadd.s32 $0xFFFFFF80  }
0x1f: {  	s0 =	sadd.s32 $0x0, s8;
	[bflag:$0x0] =	sbarrier.arrive $0xFFFF  }
0x20: {  	[tilespmem:s3], [sflag:$0x2] =	stream.linear.gather [hbm4b:s0+s3], $0x800, $0x38;
	[tilespmem:$0xC80] =	vst v63  }
0x21: {  	_ =	swait.ge [sflag:s10], $0x800  }
0x22: {  	[sflag:s10] =	ssyncset.done $0x0  }
0x23: {  	[sflag:s10] =	ssyncadd.s32 $0xFFFFF800  }
0x24: {  	[spmem:s1] =	stream.indirect.scatter.add.f32 [tilespmem:s12], [sflag:$0x1], $0x1, s3, s11, $0xb8;
	[tilespmem:$0xC80] =	vst v63  }
0x25: {  	_ = 	snop  }
0x26: {  	[spmem:s1] =	stream.indirect.scatter.add.f32 [tilespmem:s12], [sflag:$0x1], $0x1, s11, s11, $0xb8;
	[tilespmem:$0xC80] =	vst v63  }
0x27: {  	_ = 	snop  }
0x28: {  	[spmem:s1] =	stream.indirect.scatter.add.f32 [tilespmem:s12], [sflag:$0x1], $0x1, s13, s11, $0xb8;
	[tilespmem:$0xC80] =	vst v63  }
0x29: {  	_ = 	snop  }
0x2a: {  	[spmem:s1] =	stream.indirect.scatter.add.f32 [tilespmem:s12], [sflag:$0x1], $0x1, s14, s11, $0xb8;
	[tilespmem:$0xC80] =	vst v63  }
0x2b: {  	_ = 	snop  }
0x2c: {  	[spmem:s1] =	stream.indirect.scatter.add.f32 [tilespmem:s12], [sflag:$0x1], $0x1, s15, s11, $0xb8;
	[tilespmem:$0xC80] =	vst v63  }
0x2d: {  	_ = 	snop  }
0x2e: {  	[spmem:s1] =	stream.indirect.scatter.add.f32 [tilespmem:s12], [sflag:$0x1], $0x1, s16, s11, $0xb8;
	[tilespmem:$0xC80] =	vst v63  }
0x2f: {  	_ = 	snop  }
0x30: {  	[spmem:s1] =	stream.indirect.scatter.add.f32 [tilespmem:s12], [sflag:$0x1], $0x1, s17, s11, $0xb8;
	[tilespmem:$0xC80] =	vst v63  }
0x31: {  	_ = 	snop  }
0x32: {  	[spmem:s1] =	stream.indirect.scatter.add.f32 [tilespmem:s12], [sflag:$0x1], $0x1, s18, s11, $0xb8;
	[tilespmem:$0xC80] =	vst v63  }
0x33: {  	_ = 	snop  }
0x34: {  	[spmem:s1] =	stream.indirect.scatter.add.f32 [tilespmem:s12], [sflag:$0x1], $0x1, s19, s11, $0xb8;
	[tilespmem:$0xC80] =	vst v63  }
0x35: {  	_ = 	snop  }
0x36: {  	[spmem:s1] =	stream.indirect.scatter.add.f32 [tilespmem:s12], [sflag:$0x1], $0x1, s20, s11, $0xb8;
	[tilespmem:$0xC80] =	vst v63  }
0x37: {  	_ = 	snop  }
0x38: {  	[spmem:s1] =	stream.indirect.scatter.add.f32 [tilespmem:s12], [sflag:$0x1], $0x1, s21, s11, $0xb8;
	[tilespmem:$0xC80] =	vst v63  }
0x39: {  	_ = 	snop  }
0x3a: {  	[spmem:s1] =	stream.indirect.scatter.add.f32 [tilespmem:s12], [sflag:$0x1], $0x1, s22, s11, $0xb8;
	[tilespmem:$0xC80] =	vst v63  }
0x3b: {  	_ = 	snop  }
0x3c: {  	[spmem:s1] =	stream.indirect.scatter.add.f32 [tilespmem:s12], [sflag:$0x1], $0x1, s23, s11, $0xb8;
	[tilespmem:$0xC80] =	vst v63  }
0x3d: {  	_ = 	snop  }
0x3e: {  	[spmem:s1] =	stream.indirect.scatter.add.f32 [tilespmem:s12], [sflag:$0x1], $0x1, s24, s11, $0xb8;
	[tilespmem:$0xC80] =	vst v63  }
0x3f: {  	_ = 	snop  }
0x40: {  	[spmem:s1] =	stream.indirect.scatter.add.f32 [tilespmem:s12], [sflag:$0x1], $0x1, s25, s11, $0xb8;
	[tilespmem:$0xC80] =	vst v63  }
0x41: {  	_ = 	snop  }
0x42: {  	[spmem:s1] =	stream.indirect.scatter.add.f32 [tilespmem:s12], [sflag:$0x1], $0x1, s26, s11, $0xb8;
	[tilespmem:$0xC80] =	vst v63  }
0x43: {  	_ =	swait.ge [sflag:s28], $0x80  }
0x44: {  	[sflag:s28] =	ssyncset.done $0x0  }
0x45: {  	[sflag:s28] =	ssyncadd.s32 $0xFFFFFF80  }
0x46: {  	_ =	swait.ge [sflag:s28], $0x80  }
0x47: {  	[sflag:s28] =	ssyncset.done $0x0  }
0x48: {  	[sflag:s28] =	ssyncadd.s32 $0xFFFFFF80  }
0x49: {  	_ =	swait.ge [sflag:s28], $0x80  }
0x4a: {  	[sflag:s28] =	ssyncset.done $0x0  }
0x4b: {  	[sflag:s28] =	ssyncadd.s32 $0xFFFFFF80  }
0x4c: {  	_ =	swait.ge [sflag:s28], $0x80  }
0x4d: {  	[sflag:s28] =	ssyncset.done $0x0  }
0x4e: {  	[sflag:s28] =	ssyncadd.s32 $0xFFFFFF80  }
0x4f: {  	_ =	swait.ge [sflag:s28], $0x80  }
0x50: {  	[sflag:s28] =	ssyncset.done $0x0  }
0x51: {  	[sflag:s28] =	ssyncadd.s32 $0xFFFFFF80  }
0x52: {  	_ =	swait.ge [sflag:s28], $0x80  }
0x53: {  	[sflag:s28] =	ssyncset.done $0x0  }
0x54: {  	[sflag:s28] =	ssyncadd.s32 $0xFFFFFF80  }
0x55: {  	_ =	swait.ge [sflag:s28], $0x80  }
0x56: {  	[sflag:s28] =	ssyncset.done $0x0  }
0x57: {  	[sflag:s28] =	ssyncadd.s32 $0xFFFFFF80  }
0x58: {  	_ =	swait.ge [sflag:s28], $0x80  }
0x59: {  	[sflag:s28] =	ssyncset.done $0x0  }
0x5a: {  	[sflag:s28] =	ssyncadd.s32 $0xFFFFFF80  }
0x5b: {  	_ =	swait.ge [sflag:s28], $0x80  }
0x5c: {  	[sflag:s28] =	ssyncset.done $0x0  }
0x5d: {  	[sflag:s28] =	ssyncadd.s32 $0xFFFFFF80  }
0x5e: {  	_ =	swait.ge [sflag:s28], $0x80  }
0x5f: {  	[sflag:s28] =	ssyncset.done $0x0  }
0x60: {  	[sflag:s28] =	ssyncadd.s32 $0xFFFFFF80  }
0x61: {  	_ =	swait.ge [sflag:s28], $0x80  }
0x62: {  	[sflag:s28] =	ssyncset.done $0x0  }
0x63: {  	[sflag:s28] =	ssyncadd.s32 $0xFFFFFF80  }
0x64: {  	_ =	swait.ge [sflag:s28], $0x80  }
0x65: {  	[sflag:s28] =	ssyncset.done $0x0  }
0x66: {  	[sflag:s28] =	ssyncadd.s32 $0xFFFFFF80  }
0x67: {  	_ =	swait.ge [sflag:s28], $0x80  }
0x68: {  	[sflag:s28] =	ssyncset.done $0x0  }
0x69: {  	[sflag:s28] =	ssyncadd.s32 $0xFFFFFF80  }
0x6a: {  	_ =	swait.ge [sflag:s28], $0x80  }
0x6b: {  	[sflag:s28] =	ssyncset.done $0x0  }
0x6c: {  	[sflag:s28] =	ssyncadd.s32 $0xFFFFFF80  }
0x6d: {  	_ =	swait.ge [sflag:s28], $0x80  }
0x6e: {  	[sflag:s28] =	ssyncset.done $0x0  }
0x6f: {  	[sflag:s28] =	ssyncadd.s32 $0xFFFFFF80  }
0x70: {  	_ =	swait.ge [sflag:s28], $0x80  }
0x71: {  	s30 =	simm.s32 $0x100;
	s31 =	simm.s32 $0x200;
	[sflag:s28] =	ssyncset.done $0x0  }
.LBB2_2:
0x72: {  	s2 =	sadd.s32 s30, s8  }
0x73: {  	[sflag:s28] =	ssyncadd.s32 $0xFFFFFF80;
	s30 =	smov.u32 s31;
	s0 =	sadd.s32 $0x100, s31  }
0x74: {  	[tilespmem:s3], [sflag:$0x2] =	stream.linear.gather [hbm4b:s2+s3], $0x800, $0x38;
	[tilespmem:$0xC80] =	vst v63  }
0x75: {  	p0 =	sne.s32 s31, $0x900;
	_ =	swait.ge [sflag:s10], $0x800  }
0x76: {  	[sflag:s10] =	ssyncset.done $0x0  }
0x77: {  	[sflag:s10] =	ssyncadd.s32 $0xFFFFF800  }
0x78: {  	[spmem:s1] =	stream.indirect.scatter.add.f32 [tilespmem:s12], [sflag:$0x1], $0x1, s3, s11, $0xb8;
	[tilespmem:$0xC80] =	vst v63  }
0x79: {  	_ = 	snop  }
0x7a: {  	[spmem:s1] =	stream.indirect.scatter.add.f32 [tilespmem:s12], [sflag:$0x1], $0x1, s11, s11, $0xb8;
	[tilespmem:$0xC80] =	vst v63  }
0x7b: {  	_ = 	snop  }
0x7c: {  	[spmem:s1] =	stream.indirect.scatter.add.f32 [tilespmem:s12], [sflag:$0x1], $0x1, s13, s11, $0xb8;
	[tilespmem:$0xC80] =	vst v63  }
0x7d: {  	_ = 	snop  }
0x7e: {  	[spmem:s1] =	stream.indirect.scatter.add.f32 [tilespmem:s12], [sflag:$0x1], $0x1, s14, s11, $0xb8;
	[tilespmem:$0xC80] =	vst v63  }
0x7f: {  	_ = 	snop  }
0x80: {  	[spmem:s1] =	stream.indirect.scatter.add.f32 [tilespmem:s12], [sflag:$0x1], $0x1, s15, s11, $0xb8;
	[tilespmem:$0xC80] =	vst v63  }
0x81: {  	_ = 	snop  }
0x82: {  	[spmem:s1] =	stream.indirect.scatter.add.f32 [tilespmem:s12], [sflag:$0x1], $0x1, s16, s11, $0xb8;
	[tilespmem:$0xC80] =	vst v63  }
0x83: {  	_ = 	snop  }
0x84: {  	[spmem:s1] =	stream.indirect.scatter.add.f32 [tilespmem:s12], [sflag:$0x1], $0x1, s17, s11, $0xb8;
	[tilespmem:$0xC80] =	vst v63  }
0x85: {  	_ = 	snop  }
0x86: {  	[spmem:s1] =	stream.indirect.scatter.add.f32 [tilespmem:s12], [sflag:$0x1], $0x1, s18, s11, $0xb8;
	[tilespmem:$0xC80] =	vst v63  }
0x87: {  	_ = 	snop  }
0x88: {  	[spmem:s1] =	stream.indirect.scatter.add.f32 [tilespmem:s12], [sflag:$0x1], $0x1, s19, s11, $0xb8;
	[tilespmem:$0xC80] =	vst v63  }
0x89: {  	_ = 	snop  }
0x8a: {  	[spmem:s1] =	stream.indirect.scatter.add.f32 [tilespmem:s12], [sflag:$0x1], $0x1, s20, s11, $0xb8;
	[tilespmem:$0xC80] =	vst v63  }
0x8b: {  	_ = 	snop  }
0x8c: {  	[spmem:s1] =	stream.indirect.scatter.add.f32 [tilespmem:s12], [sflag:$0x1], $0x1, s21, s11, $0xb8;
	[tilespmem:$0xC80] =	vst v63  }
0x8d: {  	_ = 	snop  }
0x8e: {  	[spmem:s1] =	stream.indirect.scatter.add.f32 [tilespmem:s12], [sflag:$0x1], $0x1, s22, s11, $0xb8;
	[tilespmem:$0xC80] =	vst v63  }
0x8f: {  	_ = 	snop  }
0x90: {  	[spmem:s1] =	stream.indirect.scatter.add.f32 [tilespmem:s12], [sflag:$0x1], $0x1, s23, s11, $0xb8;
	[tilespmem:$0xC80] =	vst v63  }
0x91: {  	_ = 	snop  }
0x92: {  	[spmem:s1] =	stream.indirect.scatter.add.f32 [tilespmem:s12], [sflag:$0x1], $0x1, s24, s11, $0xb8;
	[tilespmem:$0xC80] =	vst v63  }
0x93: {  	_ = 	snop  }
0x94: {  	[spmem:s1] =	stream.indirect.scatter.add.f32 [tilespmem:s12], [sflag:$0x1], $0x1, s25, s11, $0xb8;
	[tilespmem:$0xC80] =	vst v63  }
0x95: {  	_ = 	snop  }
0x96: {  	[spmem:s1] =	stream.indirect.scatter.add.f32 [tilespmem:s12], [sflag:$0x1], $0x1, s26, s11, $0xb8;
	[tilespmem:$0xC80] =	vst v63  }
0x97: {  	_ =	swait.ge [sflag:s28], $0x80  }
0x98: {  	[sflag:s28] =	ssyncset.done $0x0  }
0x99: {  	[sflag:s28] =	ssyncadd.s32 $0xFFFFFF80  }
0x9a: {  	_ =	swait.ge [sflag:s28], $0x80  }
0x9b: {  	[sflag:s28] =	ssyncset.done $0x0  }
0x9c: {  	[sflag:s28] =	ssyncadd.s32 $0xFFFFFF80  }
0x9d: {  	_ =	swait.ge [sflag:s28], $0x80  }
0x9e: {  	[sflag:s28] =	ssyncset.done $0x0  }
0x9f: {  	[sflag:s28] =	ssyncadd.s32 $0xFFFFFF80  }
0xa0: {  	_ =	swait.ge [sflag:s28], $0x80  }
0xa1: {  	[sflag:s28] =	ssyncset.done $0x0  }
0xa2: {  	[sflag:s28] =	ssyncadd.s32 $0xFFFFFF80  }
0xa3: {  	_ =	swait.ge [sflag:s28], $0x80  }
0xa4: {  	[sflag:s28] =	ssyncset.done $0x0  }
0xa5: {  	[sflag:s28] =	ssyncadd.s32 $0xFFFFFF80  }
0xa6: {  	_ =	swait.ge [sflag:s28], $0x80  }
0xa7: {  	[sflag:s28] =	ssyncset.done $0x0  }
0xa8: {  	[sflag:s28] =	ssyncadd.s32 $0xFFFFFF80  }
0xa9: {  	_ =	swait.ge [sflag:s28], $0x80  }
0xaa: {  	[sflag:s28] =	ssyncset.done $0x0  }
0xab: {  	[sflag:s28] =	ssyncadd.s32 $0xFFFFFF80  }
0xac: {  	_ =	swait.ge [sflag:s28], $0x80  }
0xad: {  	[sflag:s28] =	ssyncset.done $0x0  }
0xae: {  	[sflag:s28] =	ssyncadd.s32 $0xFFFFFF80  }
0xaf: {  	_ =	swait.ge [sflag:s28], $0x80  }
0xb0: {  	[sflag:s28] =	ssyncset.done $0x0  }
0xb1: {  	[sflag:s28] =	ssyncadd.s32 $0xFFFFFF80  }
0xb2: {  	_ =	swait.ge [sflag:s28], $0x80  }
0xb3: {  	[sflag:s28] =	ssyncset.done $0x0  }
0xb4: {  	[sflag:s28] =	ssyncadd.s32 $0xFFFFFF80  }
0xb5: {  	_ =	swait.ge [sflag:s28], $0x80  }
0xb6: {  	[sflag:s28] =	ssyncset.done $0x0  }
0xb7: {  	[sflag:s28] =	ssyncadd.s32 $0xFFFFFF80  }
0xb8: {  	_ =	swait.ge [sflag:s28], $0x80  }
0xb9: {  	[sflag:s28] =	ssyncset.done $0x0  }
0xba: {  	[sflag:s28] =	ssyncadd.s32 $0xFFFFFF80  }
0xbb: {  	_ =	swait.ge [sflag:s28], $0x80  }
0xbc: {  	[sflag:s28] =	ssyncset.done $0x0  }
0xbd: {  	[sflag:s28] =	ssyncadd.s32 $0xFFFFFF80  }
0xbe: {  	_ =	swait.ge [sflag:s28], $0x80  }
0xbf: {  	[sflag:s28] =	ssyncset.done $0x0  }
0xc0: {  	[sflag:s28] =	ssyncadd.s32 $0xFFFFFF80  }
.Ltmp0:
0xc1: {  	_ =	swait.ge [sflag:s28], $0x80;
	(pc) =	sbr.rel @p0 .LBB2_2-.Ltmp0, $4  }
0xc2: {  	[sflag:s28] =	ssyncset.done $0x0  }
0xc3: {  	[sflag:s28] =	ssyncadd.s32 $0xFFFFFF80  }
0xc4: {  	_ =	swait.ge [sflag:s28], $0x80  }
0xc5: {  	s31 =	smov.u32 s0;
	[sflag:s28] =	ssyncset.done $0x0  }
0xc6: {  	s0 =	sadd.s32 s30, s8;
	[sflag:s28] =	ssyncadd.s32 $0xFFFFFF80  }
0xc7: {  	[tilespmem:s3], [sflag:$0x2] =	stream.linear.gather [hbm4b:s0+s3], $0x800, $0x38;
	[tilespmem:$0xC80] =	vst v63  }
0xc8: {  	_ =	swait.ge [sflag:s10], $0x800  }
0xc9: {  	[sflag:s10] =	ssyncset.done $0x0  }
0xca: {  	[sflag:s10] =	ssyncadd.s32 $0xFFFFF800  }
0xcb: {  	[spmem:s1] =	stream.indirect.scatter.add.f32 [tilespmem:s12], [sflag:$0x1], $0x1, s3, s11, $0xb8;
	[tilespmem:$0xC80] =	vst v63  }
0xcc: {  	_ = 	snop  }
0xcd: {  	[spmem:s1] =	stream.indirect.scatter.add.f32 [tilespmem:s12], [sflag:$0x1], $0x1, s11, s11, $0xb8;
	[tilespmem:$0xC80] =	vst v63  }
0xce: {  	_ = 	snop  }
0xcf: {  	[spmem:s1] =	stream.indirect.scatter.add.f32 [tilespmem:s12], [sflag:$0x1], $0x1, s13, s11, $0xb8;
	[tilespmem:$0xC80] =	vst v63  }
0xd0: {  	_ = 	snop  }
0xd1: {  	[spmem:s1] =	stream.indirect.scatter.add.f32 [tilespmem:s12], [sflag:$0x1], $0x1, s14, s11, $0xb8;
	[tilespmem:$0xC80] =	vst v63  }
0xd2: {  	_ = 	snop  }
0xd3: {  	[spmem:s1] =	stream.indirect.scatter.add.f32 [tilespmem:s12], [sflag:$0x1], $0x1, s15, s11, $0xb8;
	[tilespmem:$0xC80] =	vst v63  }
0xd4: {  	_ = 	snop  }
0xd5: {  	[spmem:s1] =	stream.indirect.scatter.add.f32 [tilespmem:s12], [sflag:$0x1], $0x1, s16, s11, $0xb8;
	[tilespmem:$0xC80] =	vst v63  }
0xd6: {  	_ = 	snop  }
0xd7: {  	[spmem:s1] =	stream.indirect.scatter.add.f32 [tilespmem:s12], [sflag:$0x1], $0x1, s17, s11, $0xb8;
	[tilespmem:$0xC80] =	vst v63  }
0xd8: {  	_ = 	snop  }
0xd9: {  	[spmem:s1] =	stream.indirect.scatter.add.f32 [tilespmem:s12], [sflag:$0x1], $0x1, s18, s11, $0xb8;
	[tilespmem:$0xC80] =	vst v63  }
0xda: {  	_ = 	snop  }
0xdb: {  	[spmem:s1] =	stream.indirect.scatter.add.f32 [tilespmem:s12], [sflag:$0x1], $0x1, s19, s11, $0xb8;
	[tilespmem:$0xC80] =	vst v63  }
0xdc: {  	_ = 	snop  }
0xdd: {  	[spmem:s1] =	stream.indirect.scatter.add.f32 [tilespmem:s12], [sflag:$0x1], $0x1, s20, s11, $0xb8;
	[tilespmem:$0xC80] =	vst v63  }
0xde: {  	_ = 	snop  }
0xdf: {  	[spmem:s1] =	stream.indirect.scatter.add.f32 [tilespmem:s12], [sflag:$0x1], $0x1, s21, s11, $0xb8;
	[tilespmem:$0xC80] =	vst v63  }
0xe0: {  	_ = 	snop  }
0xe1: {  	[spmem:s1] =	stream.indirect.scatter.add.f32 [tilespmem:s12], [sflag:$0x1], $0x1, s22, s11, $0xb8;
	[tilespmem:$0xC80] =	vst v63  }
0xe2: {  	_ = 	snop  }
0xe3: {  	[spmem:s1] =	stream.indirect.scatter.add.f32 [tilespmem:s12], [sflag:$0x1], $0x1, s23, s11, $0xb8;
	[tilespmem:$0xC80] =	vst v63  }
0xe4: {  	_ = 	snop  }
0xe5: {  	[spmem:s1] =	stream.indirect.scatter.add.f32 [tilespmem:s12], [sflag:$0x1], $0x1, s24, s11, $0xb8;
	[tilespmem:$0xC80] =	vst v63  }
0xe6: {  	_ = 	snop  }
0xe7: {  	[spmem:s1] =	stream.indirect.scatter.add.f32 [tilespmem:s12], [sflag:$0x1], $0x1, s25, s11, $0xb8;
	[tilespmem:$0xC80] =	vst v63  }
0xe8: {  	_ = 	snop  }
0xe9: {  	[spmem:s1] =	stream.indirect.scatter.add.f32 [tilespmem:s12], [sflag:$0x1], $0x1, s26, s11, $0xb8;
	[tilespmem:$0xC80] =	vst v63  }
0xea: {  	_ =	swait.ge [sflag:s28], $0x80  }
0xeb: {  	[sflag:s28] =	ssyncset.done $0x0  }
0xec: {  	[sflag:s28] =	ssyncadd.s32 $0xFFFFFF80  }
0xed: {  	_ =	swait.ge [sflag:s28], $0x80  }
0xee: {  	[sflag:s28] =	ssyncset.done $0x0  }
0xef: {  	[sflag:s28] =	ssyncadd.s32 $0xFFFFFF80  }
0xf0: {  	_ =	swait.ge [sflag:s28], $0x80  }
0xf1: {  	[sflag:s28] =	ssyncset.done $0x0  }
0xf2: {  	[sflag:s28] =	ssyncadd.s32 $0xFFFFFF80  }
0xf3: {  	_ =	swait.ge [sflag:s28], $0x80  }
0xf4: {  	[sflag:s28] =	ssyncset.done $0x0  }
0xf5: {  	[sflag:s28] =	ssyncadd.s32 $0xFFFFFF80  }
0xf6: {  	_ =	swait.ge [sflag:s28], $0x80  }
0xf7: {  	[sflag:s28] =	ssyncset.done $0x0  }
0xf8: {  	[sflag:s28] =	ssyncadd.s32 $0xFFFFFF80  }
0xf9: {  	_ =	swait.ge [sflag:s28], $0x80  }
0xfa: {  	[sflag:s28] =	ssyncset.done $0x0  }
0xfb: {  	[sflag:s28] =	ssyncadd.s32 $0xFFFFFF80  }
0xfc: {  	_ =	swait.ge [sflag:s28], $0x80  }
0xfd: {  	[sflag:s28] =	ssyncset.done $0x0  }
0xfe: {  	[sflag:s28] =	ssyncadd.s32 $0xFFFFFF80  }
0xff: {  	_ =	swait.ge [sflag:s28], $0x80  }
0x100: {  	[sflag:s28] =	ssyncset.done $0x0  }
0x101: {  	[sflag:s28] =	ssyncadd.s32 $0xFFFFFF80  }
0x102: {  	_ =	swait.ge [sflag:s28], $0x80  }
0x103: {  	[sflag:s28] =	ssyncset.done $0x0  }
0x104: {  	[sflag:s28] =	ssyncadd.s32 $0xFFFFFF80  }
0x105: {  	_ =	swait.ge [sflag:s28], $0x80  }
0x106: {  	[sflag:s28] =	ssyncset.done $0x0  }
0x107: {  	[sflag:s28] =	ssyncadd.s32 $0xFFFFFF80  }
0x108: {  	_ =	swait.ge [sflag:s28], $0x80  }
0x109: {  	[sflag:s28] =	ssyncset.done $0x0  }
0x10a: {  	[sflag:s28] =	ssyncadd.s32 $0xFFFFFF80  }
0x10b: {  	_ =	swait.ge [sflag:s28], $0x80  }
0x10c: {  	[sflag:s28] =	ssyncset.done $0x0  }
0x10d: {  	[sflag:s28] =	ssyncadd.s32 $0xFFFFFF80  }
0x10e: {  	_ =	swait.ge [sflag:s28], $0x80  }
0x10f: {  	[sflag:s28] =	ssyncset.done $0x0  }
0x110: {  	[sflag:s28] =	ssyncadd.s32 $0xFFFFFF80  }
0x111: {  	_ =	swait.ge [sflag:s28], $0x80  }
0x112: {  	[sflag:s28] =	ssyncset.done $0x0  }
0x113: {  	[sflag:s28] =	ssyncadd.s32 $0xFFFFFF80  }
0x114: {  	_ =	swait.ge [sflag:s28], $0x80  }
0x115: {  	[sflag:s28] =	ssyncset.done $0x0  }
0x116: {  	[sflag:s28] =	ssyncadd.s32 $0xFFFFFF80  }
0x117: {  	_ =	swait.ge [sflag:s28], $0x80  }
0x118: {  	s29 =	sadd.s32 $0x1, s29;
	[sflag:s28] =	ssyncset.done $0x0  }
0x119: {  	p0 =	sne.s32 s29, s7;
	[sflag:s28] =	ssyncadd.s32 $0xFFFFFF80  }
.Ltmp1:
0x11a: {  	[bflag:$0x0] =	sbarrier.arrive $0xFFFF;
	(pc) =	sbr.rel @p0 .LBB2_1-.Ltmp1, $4  }
0x11b: {  	[hbm:s6], [sflag:s5] =	dma.local [spmem:s9], $0x80  }
0x11c: {  	_ =	swait.ge [sflag:s10], $0x80  }
0x11d: {  	[sflag:s10] =	ssyncset.done $0x0  }
0x11e: {  	[sflag:s10] =	ssyncadd.s32 $0xFFFFFF80  }
0x11f: {  	_ =	sfence.sel $0x180000  }
0x120: {  	[bflag:$0x0] =	sbarrier.arrive $0xFFFF  }
0x121: {  	_ =	strace $0x90000047  }
0x122: {  	s0 =	stileid.u32;
	[bflag:$0x2] =	sbarrier.arrive $0xFFFF  }
0x123: {  	p0 =	sne.s32 s0, $0x0;
	s0 =	rddreg [dreg:$0x3]  }
0x124: {  	s0 =	sadd.s32 @!p0 $0x100000, s0  }
0x125: {  	[sflag:s0] =	ssyncadd.tile.s32 @!p0 $0x1;
	_ =	shalt  }
.Lfunc_end2:
_tile_overlayer_lowered:
.L_overlay_start_2:
0x126: {  	(tag) =	ssettag $0x2  }
0x127: {  	s0 =	rddreg [dreg:$0x0];
	s2 =	stileid.u32  }
0x128: {  	s1 =	rddreg [dreg:$0x1];
	p0 =	sne.s32 s2, $0x0  }
0x129: {  	s3 =	rddreg [dreg:$0x2];
	[bflag:$0x3] =	sbarrier.arrive $0xFFFF;
	s2 =	simm.s32 @!p0 $0x1C02  }
0x12a: {  	[timem:s3], [sflag:s2] =	dma.local @!p0 [hbm:s0], s1  }
0x12b: {  	s0 =	simm.s32 @!p0 $0x2  }
0x12c: {  	_ =	swait.ge @!p0 [sflag:s0], s1  }
0x12d: {  	s1 =	ssub.s32 @!p0 $0x0, s1;
	[sflag:s0] =	ssyncset.done @!p0 $0x0  }
0x12e: {  	[sflag:s0] =	ssyncadd.s32 @!p0 s1  }
0x12f: {  	[bflag:$0x3] =	sbarrier.arrive $0xFFFF  }
0x130: {  	_ =	shalt  }

</sc_bundles>
